<compile_context>
chip_gen: v7x
topology: tpu7x:2x2x1
jax: 0.10.2.dev20260603
libtpu: 0.0.44.dev20260713+nightly
codegen_flags: <defaults>
</compile_context>

<pallas_src>
import functools

import jax
import jax.numpy as jnp
from jax import lax
from jax.experimental import pallas as pl
from jax.experimental.pallas import tpu as pltpu
from jax.experimental.pallas import tpu_sc as plsc

_N = 10000
_E = 320000
_DG = 64
_DW = 16
_NC = 2
_NS = 16
_NW = _NC * _NS
_CH = 128
_CPW = 80
_EP = _NW * _CPW * _CH
_NPAD = 16
_NA = _N + _NPAD
_RPS = 624
_TAIL0 = _RPS * _NS
_TAILN = _N - _TAIL0
_NBUF = 5
_P = 3


def _make_sc_agg(compute_deg):
  mesh = plsc.VectorSubcoreMesh(core_axis_name="c", subcore_axis_name="s")
  out_type = [jax.ShapeDtypeStruct((_NC, _N, _DG), jnp.float32)]
  scratch = [
      pltpu.VMEM((_CPW, _CH), jnp.int32),
      pltpu.VMEM((_CPW, _CH), jnp.int32),
      pltpu.VMEM((_NBUF, _CH, _DG), jnp.float32),
      pltpu.VMEM_SHARED((_NA, _DG), jnp.float32),
      pltpu.SemaphoreType.DMA((_NBUF,)),
      pltpu.SemaphoreType.DMA((_NBUF,)),
  ]
  if compute_deg:
    out_type.append(jax.ShapeDtypeStruct((_NC, _N, _DW), jnp.float32))
    scratch += [
        pltpu.VMEM((_CH, _DW), jnp.float32),
        pltpu.VMEM_SHARED((_NA, _DW), jnp.float32),
        pltpu.SemaphoreType.DMA((_NBUF,)),
    ]

  def body(*refs):
    if compute_deg:
      (vals, src, dst, z64, zdw, ones_h, out_sum, out_deg,
       srcb, dstb, rows, acc, gsem, ssem, onesb, dacc, dsem) = refs
    else:
      (vals, src, dst, z64, out_sum,
       srcb, dstb, rows, acc, gsem, ssem) = refs
    cid = lax.axis_index("c")
    sid = lax.axis_index("s")
    wid = sid * _NC + cid
    r0 = sid * _RPS
    pltpu.sync_copy(z64.at[pl.ds(r0, _RPS)], acc.at[pl.ds(r0, _RPS)])
    if compute_deg:
      pltpu.sync_copy(zdw.at[pl.ds(r0, _RPS)], dacc.at[pl.ds(r0, _RPS)])
      pltpu.sync_copy(ones_h, onesb)

    @pl.when(sid == _NS - 1)
    def _():
      pltpu.sync_copy(z64.at[pl.ds(_TAIL0, _TAILN + _NPAD)],
                      acc.at[pl.ds(_TAIL0, _TAILN + _NPAD)])
      if compute_deg:
        pltpu.sync_copy(zdw.at[pl.ds(_TAIL0, _TAILN + _NPAD)],
                        dacc.at[pl.ds(_TAIL0, _TAILN + _NPAD)])

    pltpu.sync_copy(src.at[wid], srcb)
    pltpu.sync_copy(dst.at[wid], dstb)
    plsc.subcore_barrier()

    for b in range(_P):
      pltpu.async_copy(vals.at[srcb.at[b]], rows.at[b], gsem.at[b])

    @pl.loop(0, _CPW, step=_NBUF)
    def _(c):
      for b in range(_NBUF):
        cc = c + b
        pltpu.make_async_copy(vals.at[srcb.at[cc]], rows.at[b],
                              gsem.at[b]).wait()
        pltpu.async_copy(rows.at[b], acc.at[dstb.at[cc]], ssem.at[b],
                         add=True)
        if compute_deg:
          @pl.when(cc >= _NBUF)
          def _():
            pltpu.make_async_copy(onesb, dacc.at[dstb.at[cc - _NBUF]],
                                  dsem.at[b]).wait()
          pltpu.async_copy(onesb, dacc.at[dstb.at[cc]], dsem.at[b],
                           add=True)
        bn = (b + _P) % _NBUF

        @pl.when(jnp.logical_and(cc + _P < _CPW, cc + _P >= _NBUF))
        def _():
          pltpu.make_async_copy(rows.at[bn], acc.at[dstb.at[cc + _P - _NBUF]],
                                ssem.at[bn]).wait()

        @pl.when(cc + _P < _CPW)
        def _():
          pltpu.async_copy(vals.at[srcb.at[cc + _P]], rows.at[bn],
                           gsem.at[bn])

    for b in range(_NBUF):
      pltpu.make_async_copy(rows.at[b], acc.at[dstb.at[_CPW - _NBUF + b]],
                            ssem.at[b]).wait()
      if compute_deg:
        pltpu.make_async_copy(onesb, dacc.at[dstb.at[_CPW - _NBUF + b]],
                              dsem.at[b]).wait()

    plsc.subcore_barrier()
    pltpu.sync_copy(acc.at[pl.ds(r0, _RPS)],
                    out_sum.at[cid].at[pl.ds(r0, _RPS)])
    if compute_deg:
      pltpu.sync_copy(dacc.at[pl.ds(r0, _RPS)],
                      out_deg.at[cid].at[pl.ds(r0, _RPS)])

    @pl.when(sid == _NS - 1)
    def _():
      pltpu.sync_copy(acc.at[pl.ds(_TAIL0, _TAILN)],
                      out_sum.at[cid].at[pl.ds(_TAIL0, _TAILN)])
      if compute_deg:
        pltpu.sync_copy(dacc.at[pl.ds(_TAIL0, _TAILN)],
                        out_deg.at[cid].at[pl.ds(_TAIL0, _TAILN)])

  return pl.kernel(
      body,
      out_type=tuple(out_type) if compute_deg else out_type[0],
      mesh=mesh,
      scratch_types=scratch,
      compiler_params=pltpu.CompilerParams(use_tc_tiling_on_sc=False),
  )


_sc_agg_deg = _make_sc_agg(True)
_sc_agg = _make_sc_agg(False)

_R = 2000


def _tc_conv1_body(s, deg, xb, wb, bb, ob):
  ssum = s[0] + s[1]
  d = deg[0] + deg[1]
  inv = 1.0 / jnp.maximum(d[:, 0:1], 1.0)
  agg = jnp.dot(ssum * inv, wb[...], preferred_element_type=jnp.float32)
  y = xb[:, :_DG] + agg + bb[...]
  ob[...] = jnp.concatenate([y, jnp.zeros_like(y)], axis=1)


def _tc_conv1(s0, degp, x, W0, b0):
  grid = (_N // _R,)
  return pl.pallas_call(
      _tc_conv1_body,
      grid=grid,
      in_specs=[
          pl.BlockSpec((2, _R, _DG), lambda i: (0, i, 0)),
          pl.BlockSpec((2, _R, _DW), lambda i: (0, i, 0)),
          pl.BlockSpec((_R, 2 * _DG), lambda i: (i, 0)),
          pl.BlockSpec((_DG, _DG), lambda i: (0, 0)),
          pl.BlockSpec((1, _DG), lambda i: (0, 0)),
      ],
      out_specs=pl.BlockSpec((_R, 2 * _DG), lambda i: (i, 0)),
      out_shape=jax.ShapeDtypeStruct((_N, 2 * _DG), jnp.float32),
  )(s0, degp, x, W0, b0)


def _tc_conv2_body(s, deg, xb, y0b, wb, bb, ob):
  ssum = s[0] + s[1]
  d = deg[0] + deg[1]
  inv = 1.0 / jnp.maximum(d[:, 0:1], 1.0)
  agg = jnp.dot(ssum * inv, wb[...], preferred_element_type=jnp.float32)
  y1 = xb[:, _DG:] + agg + bb[...]
  ob[...] = jnp.concatenate([y0b[:, :_DG], y1], axis=1)


def _tc_conv2(s1, degp, x, y0, W1, b1):
  grid = (_N // _R,)
  return pl.pallas_call(
      _tc_conv2_body,
      grid=grid,
      in_specs=[
          pl.BlockSpec((2, _R, _DG), lambda i: (0, i, 0)),
          pl.BlockSpec((2, _R, _DW), lambda i: (0, i, 0)),
          pl.BlockSpec((_R, 2 * _DG), lambda i: (i, 0)),
          pl.BlockSpec((_R, 2 * _DG), lambda i: (i, 0)),
          pl.BlockSpec((_DG, _DG), lambda i: (0, 0)),
          pl.BlockSpec((1, _DG), lambda i: (0, 0)),
      ],
      out_specs=pl.BlockSpec((_R, 2 * _DG), lambda i: (i, 0)),
      out_shape=jax.ShapeDtypeStruct((_N, 2 * _DG), jnp.float32),
  )(s1, degp, x, y0, W1, b1)


def kernel(x, edge_index, W0, b0, W1, b1):
  npad = _EP - _E
  pad_src = jnp.arange(npad, dtype=jnp.int32) % _N
  pad_dst = _N + (jnp.arange(npad, dtype=jnp.int32) % _NPAD)
  src = jnp.concatenate([edge_index[0], pad_src])
  src1 = (2 * src + 1).reshape(_NW, _CPW, _CH)
  src2 = (2 * src).reshape(_NW, _CPW, _CH)
  dst = jnp.concatenate([edge_index[1], pad_dst]).reshape(_NW, _CPW, _CH)
  z64 = jnp.zeros((_NA, _DG), jnp.float32)
  zdw = jnp.zeros((_NA, _DW), jnp.float32)
  ones = jnp.ones((_CH, _DW), jnp.float32)
  b0r = b0.reshape(1, _DG)
  b1r = b1.reshape(1, _DG)

  x2 = x.reshape(2 * _N, _DG)
  s0, degp = _sc_agg_deg(x2, src1, dst, z64, zdw, ones)
  y0 = _tc_conv1(s0, degp, x, W0, b0r)
  s1 = _sc_agg(y0.reshape(2 * _N, _DG), src2, dst, z64)
  return _tc_conv2(s1, degp, x, y0, W1, b1r)

# --- scband reference (transcript-rebuilt; emitter-appended) ---
"""Pipeline reference for scband-group-rev-res-58059367908071 (READ-ONLY COPY).

The authoritative reference and input builder live on the scoring server;
editing this copy changes nothing except your own understanding.
"""

import jax, jax.numpy as jnp
import numpy as np

N = 10000
E = 320000
D = 128
G = 2
Dg = D // G


def _graphconv(x, W, b, src, dst):
    # GraphConv with mean aggregation over incoming edges:
    # h = x @ W; out[v] = mean_{(u->v) in E} h[u] + b
    h = x @ W
    msg = jnp.take(h, src, axis=0)                       # gather over source nodes
    agg = jax.ops.segment_sum(msg, dst, num_segments=N)  # scatter-add by dst
    deg = jax.ops.segment_sum(jnp.ones((src.shape[0], 1), jnp.float32), dst, num_segments=N)
    return agg / jnp.maximum(deg, 1.0) + b


def setup_inputs(seed: int = 0) -> dict:
    key = jax.random.key(seed)
    k1, k2, k3, k4 = jax.random.split(key, 4)
    x = jax.random.normal(k1, (N, D), dtype=jnp.float32)
    edge_index = jax.random.randint(k2, (2, E), 0, N, dtype=jnp.int32)
    scale = 1.0 / np.sqrt(Dg)
    W0 = jax.random.normal(k3, (Dg, Dg), dtype=jnp.float32) * scale
    W1 = jax.random.normal(k4, (Dg, Dg), dtype=jnp.float32) * scale
    b0 = jnp.zeros((Dg,), dtype=jnp.float32)
    b1 = jnp.zeros((Dg,), dtype=jnp.float32)
    return {"x": x, "edge_index": edge_index, "W0": W0, "b0": b0, "W1": W1, "b1": b1}


def reference(x, edge_index, W0, b0, W1, b1):
    # GroupRevRes._forward with groups=2:
    #   xs = chunk(x, 2, dim=-1)
    #   y_in = sum(xs[1:]) = xs[1]
    #   y0 = xs[0] + f0(g, y_in)
    #   y1 = xs[1] + f1(g, y0)
    #   out = concat([y0, y1], dim=-1)
    src = edge_index[0]
    dst = edge_index[1]
    x0 = x[:, :Dg]
    x1 = x[:, Dg:]
    y_in = x1
    y0 = x0 + _graphconv(y_in, W0, b0, src, dst)
    y1 = x1 + _graphconv(y0, W1, b1, src, dst)
    return jnp.concatenate([y0, y1], axis=-1)

if __name__ == "__main__":
    import jax
    _d = setup_inputs()
    print(jax.jit(kernel)(*tuple(_d.values())))

</pallas_src>

<mosaic_0001>
#map = affine_map<(d0, d1) -> (0, 0)>
#map1 = affine_map<(d0, d1) -> (0, 0, 0)>
module attributes {stable_mosaic.version = 14 : i64} {
  func.func @body(%arg0: i32, %arg1: i32, %arg2: memref<20000x64xf32, #tpu.memory_space<hbm>>, %arg3: memref<32x80x128xi32, #tpu.memory_space<hbm>>, %arg4: memref<32x80x128xi32, #tpu.memory_space<hbm>>, %arg5: memref<10016x64xf32, #tpu.memory_space<hbm>>, %arg6: memref<10016x16xf32, #tpu.memory_space<hbm>>, %arg7: memref<128x16xf32, #tpu.memory_space<hbm>>, %arg8: memref<2x10000x64xf32, #tpu.memory_space<hbm>>, %arg9: memref<2x10000x16xf32, #tpu.memory_space<hbm>>, %arg10: memref<80x128xi32, #tpu.memory_space<vmem>>, %arg11: memref<80x128xi32, #tpu.memory_space<vmem>>, %arg12: memref<5x128x64xf32, #tpu.memory_space<vmem>>, %arg13: memref<10016x64xf32, #tpu.memory_space<vmem_shared>>, %arg14: memref<5x!tpu.dma_semaphore, #tpu.memory_space<semaphore_mem>>, %arg15: memref<5x!tpu.dma_semaphore, #tpu.memory_space<semaphore_mem>>, %arg16: memref<128x16xf32, #tpu.memory_space<vmem>>, %arg17: memref<10016x16xf32, #tpu.memory_space<vmem_shared>>, %arg18: memref<5x!tpu.dma_semaphore, #tpu.memory_space<semaphore_mem>>) attributes {dimension_semantics = [#tpu.dimension_semantics<core_parallel>, #tpu.dimension_semantics<subcore_parallel>], iteration_bounds = array<i64: 2, 16>, scalar_prefetch = 0 : i64, scratch_operands = 9 : i64, tpu.core_type = #tpu.core_type<sc_vector_subcore>, window_params = [{transform_indices = #map}, {transform_indices = #map1}, {transform_indices = #map1}, {transform_indices = #map}, {transform_indices = #map}, {transform_indices = #map}, {transform_indices = #map1}, {transform_indices = #map1}]} {
    %mul3A = arith.constant 2 : i32
    %mul3A_0 = arith.muli %arg1, %mul3A : i32
    %add3A = arith.addi %mul3A_0, %arg0 : i32
    %mul3A_1 = arith.constant 624 : i32
    %mul3A_2 = arith.muli %arg1, %mul3A_1 : i32
    "tpu.region"() ({
      %run_scoped3A = tpu.sem_alloc : memref<!tpu.dma_semaphore, #tpu.memory_space<semaphore_mem>>
      %dma_start3A_183 = arith.constant 0 : i32
      %dma_start3A_184 = tpu.memref_slice %arg13[%mul3A_2, %dma_start3A_183] : memref<10016x64xf32, #tpu.memory_space<vmem_shared>> -> memref<624x64xf32, #tpu.memory_space<vmem_shared>>
      %dma_start3A_185 = arith.constant 0 : i32
      %dma_start3A_186 = tpu.memref_slice %arg5[%mul3A_2, %dma_start3A_185] : memref<10016x64xf32, #tpu.memory_space<hbm>> -> memref<624x64xf32, #tpu.memory_space<hbm>>
      tpu.enqueue_dma source(%dma_start3A_186 : memref<624x64xf32, #tpu.memory_space<hbm>>) target(%dma_start3A_184 : memref<624x64xf32, #tpu.memory_space<vmem_shared>>) target_semaphore(%run_scoped3A : memref<!tpu.dma_semaphore, #tpu.memory_space<semaphore_mem>>)
      %dma_wait3A_187 = arith.constant 0 : i32
      %dma_wait3A_188 = tpu.memref_slice %arg13[%mul3A_2, %dma_wait3A_187] : memref<10016x64xf32, #tpu.memory_space<vmem_shared>> -> memref<624x64xf32, #tpu.memory_space<vmem_shared>>
      %dma_wait3A_189 = arith.constant 0 : i32
      %dma_wait3A_190 = tpu.memref_slice %arg5[%mul3A_2, %dma_wait3A_189] : memref<10016x64xf32, #tpu.memory_space<hbm>> -> memref<624x64xf32, #tpu.memory_space<hbm>>
      tpu.wait_dma2 semaphore(%run_scoped3A : memref<!tpu.dma_semaphore, #tpu.memory_space<semaphore_mem>>) src(%dma_wait3A_190 : memref<624x64xf32, #tpu.memory_space<hbm>>) dst(%dma_wait3A_188 : memref<624x64xf32, #tpu.memory_space<vmem_shared>>)
      tpu.yield
    }) : () -> ()
    "tpu.region"() ({
      %run_scoped3A = tpu.sem_alloc : memref<!tpu.dma_semaphore, #tpu.memory_space<semaphore_mem>>
      %dma_start3A_183 = arith.constant 0 : i32
      %dma_start3A_184 = tpu.memref_slice %arg17[%mul3A_2, %dma_start3A_183] : memref<10016x16xf32, #tpu.memory_space<vmem_shared>> -> memref<624x16xf32, #tpu.memory_space<vmem_shared>>
      %dma_start3A_185 = arith.constant 0 : i32
      %dma_start3A_186 = tpu.memref_slice %arg6[%mul3A_2, %dma_start3A_185] : memref<10016x16xf32, #tpu.memory_space<hbm>> -> memref<624x16xf32, #tpu.memory_space<hbm>>
      tpu.enqueue_dma source(%dma_start3A_186 : memref<624x16xf32, #tpu.memory_space<hbm>>) target(%dma_start3A_184 : memref<624x16xf32, #tpu.memory_space<vmem_shared>>) target_semaphore(%run_scoped3A : memref<!tpu.dma_semaphore, #tpu.memory_space<semaphore_mem>>)
      %dma_wait3A_187 = arith.constant 0 : i32
      %dma_wait3A_188 = tpu.memref_slice %arg17[%mul3A_2, %dma_wait3A_187] : memref<10016x16xf32, #tpu.memory_space<vmem_shared>> -> memref<624x16xf32, #tpu.memory_space<vmem_shared>>
      %dma_wait3A_189 = arith.constant 0 : i32
      %dma_wait3A_190 = tpu.memref_slice %arg6[%mul3A_2, %dma_wait3A_189] : memref<10016x16xf32, #tpu.memory_space<hbm>> -> memref<624x16xf32, #tpu.memory_space<hbm>>
      tpu.wait_dma2 semaphore(%run_scoped3A : memref<!tpu.dma_semaphore, #tpu.memory_space<semaphore_mem>>) src(%dma_wait3A_190 : memref<624x16xf32, #tpu.memory_space<hbm>>) dst(%dma_wait3A_188 : memref<624x16xf32, #tpu.memory_space<vmem_shared>>)
      tpu.yield
    }) : () -> ()
    "tpu.region"() ({
      %run_scoped3A = tpu.sem_alloc : memref<!tpu.dma_semaphore, #tpu.memory_space<semaphore_mem>>
      tpu.enqueue_dma source(%arg7 : memref<128x16xf32, #tpu.memory_space<hbm>>) target(%arg16 : memref<128x16xf32, #tpu.memory_space<vmem>>) target_semaphore(%run_scoped3A : memref<!tpu.dma_semaphore, #tpu.memory_space<semaphore_mem>>)
      tpu.wait_dma2 semaphore(%run_scoped3A : memref<!tpu.dma_semaphore, #tpu.memory_space<semaphore_mem>>) src(%arg7 : memref<128x16xf32, #tpu.memory_space<hbm>>) dst(%arg16 : memref<128x16xf32, #tpu.memory_space<vmem>>)
      tpu.yield
    }) : () -> ()
    %eq3A = arith.constant 15 : i32
    %eq3A_3 = arith.cmpi eq, %arg1, %eq3A : i32
    %convert_element_type3A = arith.extui %eq3A_3 : i1 to i32
    %cond3A = arith.constant 0 : i32
    %cond3A_4 = arith.cmpi ne, %convert_element_type3A, %cond3A : i32
    scf.if %cond3A_4 {
      "tpu.region"() ({
        %run_scoped3A = tpu.sem_alloc : memref<!tpu.dma_semaphore, #tpu.memory_space<semaphore_mem>>
        %dma_start3A_183 = arith.constant 9984 : i32
        %dma_start3A_184 = arith.constant 0 : i32
        %dma_start3A_185 = tpu.memref_slice %arg13[%dma_start3A_183, %dma_start3A_184] : memref<10016x64xf32, #tpu.memory_space<vmem_shared>> -> memref<32x64xf32, #tpu.memory_space<vmem_shared>>
        %dma_start3A_186 = arith.constant 9984 : i32
        %dma_start3A_187 = arith.constant 0 : i32
        %dma_start3A_188 = tpu.memref_slice %arg5[%dma_start3A_186, %dma_start3A_187] : memref<10016x64xf32, #tpu.memory_space<hbm>> -> memref<32x64xf32, #tpu.memory_space<hbm>>
        tpu.enqueue_dma source(%dma_start3A_188 : memref<32x64xf32, #tpu.memory_space<hbm>>) target(%dma_start3A_185 : memref<32x64xf32, #tpu.memory_space<vmem_shared>>) target_semaphore(%run_scoped3A : memref<!tpu.dma_semaphore, #tpu.memory_space<semaphore_mem>>)
        %dma_wait3A_189 = arith.constant 9984 : i32
        %dma_wait3A_190 = arith.constant 0 : i32
        %dma_wait3A_191 = tpu.memref_slice %arg13[%dma_wait3A_189, %dma_wait3A_190] : memref<10016x64xf32, #tpu.memory_space<vmem_shared>> -> memref<32x64xf32, #tpu.memory_space<vmem_shared>>
        %dma_wait3A_192 = arith.constant 9984 : i32
        %dma_wait3A_193 = arith.constant 0 : i32
        %dma_wait3A_194 = tpu.memref_slice %arg5[%dma_wait3A_192, %dma_wait3A_193] : memref<10016x64xf32, #tpu.memory_space<hbm>> -> memref<32x64xf32, #tpu.memory_space<hbm>>
        tpu.wait_dma2 semaphore(%run_scoped3A : memref<!tpu.dma_semaphore, #tpu.memory_space<semaphore_mem>>) src(%dma_wait3A_194 : memref<32x64xf32, #tpu.memory_space<hbm>>) dst(%dma_wait3A_191 : memref<32x64xf32, #tpu.memory_space<vmem_shared>>)
        tpu.yield
      }) : () -> ()
      "tpu.region"() ({
        %run_scoped3A = tpu.sem_alloc : memref<!tpu.dma_semaphore, #tpu.memory_space<semaphore_mem>>
        %dma_start3A_183 = arith.constant 9984 : i32
        %dma_start3A_184 = arith.constant 0 : i32
        %dma_start3A_185 = tpu.memref_slice %arg17[%dma_start3A_183, %dma_start3A_184] : memref<10016x16xf32, #tpu.memory_space<vmem_shared>> -> memref<32x16xf32, #tpu.memory_space<vmem_shared>>
        %dma_start3A_186 = arith.constant 9984 : i32
        %dma_start3A_187 = arith.constant 0 : i32
        %dma_start3A_188 = tpu.memref_slice %arg6[%dma_start3A_186, %dma_start3A_187] : memref<10016x16xf32, #tpu.memory_space<hbm>> -> memref<32x16xf32, #tpu.memory_space<hbm>>
        tpu.enqueue_dma source(%dma_start3A_188 : memref<32x16xf32, #tpu.memory_space<hbm>>) target(%dma_start3A_185 : memref<32x16xf32, #tpu.memory_space<vmem_shared>>) target_semaphore(%run_scoped3A : memref<!tpu.dma_semaphore, #tpu.memory_space<semaphore_mem>>)
        %dma_wait3A_189 = arith.constant 9984 : i32
        %dma_wait3A_190 = arith.constant 0 : i32
        %dma_wait3A_191 = tpu.memref_slice %arg17[%dma_wait3A_189, %dma_wait3A_190] : memref<10016x16xf32, #tpu.memory_space<vmem_shared>> -> memref<32x16xf32, #tpu.memory_space<vmem_shared>>
        %dma_wait3A_192 = arith.constant 9984 : i32
        %dma_wait3A_193 = arith.constant 0 : i32
        %dma_wait3A_194 = tpu.memref_slice %arg6[%dma_wait3A_192, %dma_wait3A_193] : memref<10016x16xf32, #tpu.memory_space<hbm>> -> memref<32x16xf32, #tpu.memory_space<hbm>>
        tpu.wait_dma2 semaphore(%run_scoped3A : memref<!tpu.dma_semaphore, #tpu.memory_space<semaphore_mem>>) src(%dma_wait3A_194 : memref<32x16xf32, #tpu.memory_space<hbm>>) dst(%dma_wait3A_191 : memref<32x16xf32, #tpu.memory_space<vmem_shared>>)
        tpu.yield
      }) : () -> ()
    } else {
    }
    "tpu.region"() ({
      %run_scoped3A = tpu.sem_alloc : memref<!tpu.dma_semaphore, #tpu.memory_space<semaphore_mem>>
      %dma_start3A_183 = arith.constant 0 : i32
      %dma_start3A_184 = arith.constant 0 : i32
      %dma_start3A_185 = tpu.memref_slice %arg3[%add3A, %dma_start3A_183, %dma_start3A_184] : memref<32x80x128xi32, #tpu.memory_space<hbm>> -> memref<1x80x128xi32, #tpu.memory_space<hbm>>
      %dma_start3A_186 = tpu.memref_squeeze %dma_start3A_185 : memref<1x80x128xi32, #tpu.memory_space<hbm>> -> memref<80x128xi32, #tpu.memory_space<hbm>>
      %dma_start3A_187 = arith.constant 0 : i32
      %dma_start3A_188 = arith.constant 0 : i32
      %dma_start3A_189 = tpu.memref_slice %arg3[%add3A, %dma_start3A_187, %dma_start3A_188] : memref<32x80x128xi32, #tpu.memory_space<hbm>> -> memref<1x80x128xi32, #tpu.memory_space<hbm>>
      %dma_start3A_190 = tpu.memref_squeeze %dma_start3A_189 : memref<1x80x128xi32, #tpu.memory_space<hbm>> -> memref<80x128xi32, #tpu.memory_space<hbm>>
      tpu.enqueue_dma source(%dma_start3A_190 : memref<80x128xi32, #tpu.memory_space<hbm>>) target(%arg10 : memref<80x128xi32, #tpu.memory_space<vmem>>) target_semaphore(%run_scoped3A : memref<!tpu.dma_semaphore, #tpu.memory_space<semaphore_mem>>)
      %dma_wait3A_191 = arith.constant 0 : i32
      %dma_wait3A_192 = arith.constant 0 : i32
      %dma_wait3A_193 = tpu.memref_slice %arg3[%add3A, %dma_wait3A_191, %dma_wait3A_192] : memref<32x80x128xi32, #tpu.memory_space<hbm>> -> memref<1x80x128xi32, #tpu.memory_space<hbm>>
      %dma_wait3A_194 = tpu.memref_squeeze %dma_wait3A_193 : memref<1x80x128xi32, #tpu.memory_space<hbm>> -> memref<80x128xi32, #tpu.memory_space<hbm>>
      %dma_wait3A_195 = arith.constant 0 : i32
      %dma_wait3A_196 = arith.constant 0 : i32
      %dma_wait3A_197 = tpu.memref_slice %arg3[%add3A, %dma_wait3A_195, %dma_wait3A_196] : memref<32x80x128xi32, #tpu.memory_space<hbm>> -> memref<1x80x128xi32, #tpu.memory_space<hbm>>
      %dma_wait3A_198 = tpu.memref_squeeze %dma_wait3A_197 : memref<1x80x128xi32, #tpu.memory_space<hbm>> -> memref<80x128xi32, #tpu.memory_space<hbm>>
      tpu.wait_dma2 semaphore(%run_scoped3A : memref<!tpu.dma_semaphore, #tpu.memory_space<semaphore_mem>>) src(%dma_wait3A_198 : memref<80x128xi32, #tpu.memory_space<hbm>>) dst(%arg10 : memref<80x128xi32, #tpu.memory_space<vmem>>)
      tpu.yield
    }) : () -> ()
    "tpu.region"() ({
      %run_scoped3A = tpu.sem_alloc : memref<!tpu.dma_semaphore, #tpu.memory_space<semaphore_mem>>
      %dma_start3A_183 = arith.constant 0 : i32
      %dma_start3A_184 = arith.constant 0 : i32
      %dma_start3A_185 = tpu.memref_slice %arg4[%add3A, %dma_start3A_183, %dma_start3A_184] : memref<32x80x128xi32, #tpu.memory_space<hbm>> -> memref<1x80x128xi32, #tpu.memory_space<hbm>>
      %dma_start3A_186 = tpu.memref_squeeze %dma_start3A_185 : memref<1x80x128xi32, #tpu.memory_space<hbm>> -> memref<80x128xi32, #tpu.memory_space<hbm>>
      %dma_start3A_187 = arith.constant 0 : i32
      %dma_start3A_188 = arith.constant 0 : i32
      %dma_start3A_189 = tpu.memref_slice %arg4[%add3A, %dma_start3A_187, %dma_start3A_188] : memref<32x80x128xi32, #tpu.memory_space<hbm>> -> memref<1x80x128xi32, #tpu.memory_space<hbm>>
      %dma_start3A_190 = tpu.memref_squeeze %dma_start3A_189 : memref<1x80x128xi32, #tpu.memory_space<hbm>> -> memref<80x128xi32, #tpu.memory_space<hbm>>
      tpu.enqueue_dma source(%dma_start3A_190 : memref<80x128xi32, #tpu.memory_space<hbm>>) target(%arg11 : memref<80x128xi32, #tpu.memory_space<vmem>>) target_semaphore(%run_scoped3A : memref<!tpu.dma_semaphore, #tpu.memory_space<semaphore_mem>>)
      %dma_wait3A_191 = arith.constant 0 : i32
      %dma_wait3A_192 = arith.constant 0 : i32
      %dma_wait3A_193 = tpu.memref_slice %arg4[%add3A, %dma_wait3A_191, %dma_wait3A_192] : memref<32x80x128xi32, #tpu.memory_space<hbm>> -> memref<1x80x128xi32, #tpu.memory_space<hbm>>
      %dma_wait3A_194 = tpu.memref_squeeze %dma_wait3A_193 : memref<1x80x128xi32, #tpu.memory_space<hbm>> -> memref<80x128xi32, #tpu.memory_space<hbm>>
      %dma_wait3A_195 = arith.constant 0 : i32
      %dma_wait3A_196 = arith.constant 0 : i32
      %dma_wait3A_197 = tpu.memref_slice %arg4[%add3A, %dma_wait3A_195, %dma_wait3A_196] : memref<32x80x128xi32, #tpu.memory_space<hbm>> -> memref<1x80x128xi32, #tpu.memory_space<hbm>>
      %dma_wait3A_198 = tpu.memref_squeeze %dma_wait3A_197 : memref<1x80x128xi32, #tpu.memory_space<hbm>> -> memref<80x128xi32, #tpu.memory_space<hbm>>
      tpu.wait_dma2 semaphore(%run_scoped3A : memref<!tpu.dma_semaphore, #tpu.memory_space<semaphore_mem>>) src(%dma_wait3A_198 : memref<80x128xi32, #tpu.memory_space<hbm>>) dst(%arg11 : memref<80x128xi32, #tpu.memory_space<vmem>>)
      tpu.yield
    }) : () -> ()
    %barrier3A = arith.constant 0 : index
    tpu.barrier barrier_id(%barrier3A)
    %dma_start3A = arith.constant 0 : i32
    %dma_start3A_5 = arith.constant 0 : i32
    %dma_start3A_6 = arith.constant 0 : i32
    %dma_start3A_7 = arith.constant 0 : i32
    %dma_start3A_8 = arith.constant 0 : i32
    %dma_start3A_9 = tpu.memref_slice %arg12[%dma_start3A_5, %dma_start3A_7, %dma_start3A_8] : memref<5x128x64xf32, #tpu.memory_space<vmem>> -> memref<1x128x64xf32, #tpu.memory_space<vmem>>
    %dma_start3A_10 = tpu.memref_squeeze %dma_start3A_9 : memref<1x128x64xf32, #tpu.memory_space<vmem>> -> memref<128x64xf32, #tpu.memory_space<vmem>>
    %dma_start3A_11 = arith.constant 0 : i32
    %dma_start3A_12 = tpu.memref_slice %arg10[%dma_start3A, %dma_start3A_11] : memref<80x128xi32, #tpu.memory_space<vmem>> -> memref<1x128xi32, #tpu.memory_space<vmem>>
    %dma_start3A_13 = tpu.memref_squeeze %dma_start3A_12 : memref<1x128xi32, #tpu.memory_space<vmem>> -> memref<128xi32, #tpu.memory_space<vmem>>
    %dma_start3A_14 = arith.constant 0 : i32
    %dma_start3A_15 = arith.constant 0 : i32
    %dma_start3A_16 = tpu.memref_slice %arg2[%dma_start3A_14, %dma_start3A_15] : memref<20000x64xf32, #tpu.memory_space<hbm>> -> memref<20000x64xf32, #tpu.memory_space<hbm>>
    %dma_start3A_17 = tpu.memref_slice %arg14[%dma_start3A_6] : memref<5x!tpu.dma_semaphore, #tpu.memory_space<semaphore_mem>> -> memref<1x!tpu.dma_semaphore, #tpu.memory_space<semaphore_mem>>
    %dma_start3A_18 = tpu.memref_squeeze %dma_start3A_17 : memref<1x!tpu.dma_semaphore, #tpu.memory_space<semaphore_mem>> -> memref<!tpu.dma_semaphore, #tpu.memory_space<semaphore_mem>>
    tpu.enqueue_indirect_dma source(%dma_start3A_16 : memref<20000x64xf32, #tpu.memory_space<hbm>>) target(%dma_start3A_10 : memref<128x64xf32, #tpu.memory_space<vmem>>) offsets(%dma_start3A_13 : memref<128xi32, #tpu.memory_space<vmem>>) semaphore(%dma_start3A_18 : memref<!tpu.dma_semaphore, #tpu.memory_space<semaphore_mem>>)
    %dma_start3A_19 = arith.constant 1 : i32
    %dma_start3A_20 = arith.constant 1 : i32
    %dma_start3A_21 = arith.constant 1 : i32
    %dma_start3A_22 = arith.constant 0 : i32
    %dma_start3A_23 = arith.constant 0 : i32
    %dma_start3A_24 = tpu.memref_slice %arg12[%dma_start3A_20, %dma_start3A_22, %dma_start3A_23] : memref<5x128x64xf32, #tpu.memory_space<vmem>> -> memref<1x128x64xf32, #tpu.memory_space<vmem>>
    %dma_start3A_25 = tpu.memref_squeeze %dma_start3A_24 : memref<1x128x64xf32, #tpu.memory_space<vmem>> -> memref<128x64xf32, #tpu.memory_space<vmem>>
    %dma_start3A_26 = arith.constant 0 : i32
    %dma_start3A_27 = tpu.memref_slice %arg10[%dma_start3A_19, %dma_start3A_26] : memref<80x128xi32, #tpu.memory_space<vmem>> -> memref<1x128xi32, #tpu.memory_space<vmem>>
    %dma_start3A_28 = tpu.memref_squeeze %dma_start3A_27 : memref<1x128xi32, #tpu.memory_space<vmem>> -> memref<128xi32, #tpu.memory_space<vmem>>
    %dma_start3A_29 = arith.constant 0 : i32
    %dma_start3A_30 = arith.constant 0 : i32
    %dma_start3A_31 = tpu.memref_slice %arg2[%dma_start3A_29, %dma_start3A_30] : memref<20000x64xf32, #tpu.memory_space<hbm>> -> memref<20000x64xf32, #tpu.memory_space<hbm>>
    %dma_start3A_32 = tpu.memref_slice %arg14[%dma_start3A_21] : memref<5x!tpu.dma_semaphore, #tpu.memory_space<semaphore_mem>> -> memref<1x!tpu.dma_semaphore, #tpu.memory_space<semaphore_mem>>
    %dma_start3A_33 = tpu.memref_squeeze %dma_start3A_32 : memref<1x!tpu.dma_semaphore, #tpu.memory_space<semaphore_mem>> -> memref<!tpu.dma_semaphore, #tpu.memory_space<semaphore_mem>>
    tpu.enqueue_indirect_dma source(%dma_start3A_31 : memref<20000x64xf32, #tpu.memory_space<hbm>>) target(%dma_start3A_25 : memref<128x64xf32, #tpu.memory_space<vmem>>) offsets(%dma_start3A_28 : memref<128xi32, #tpu.memory_space<vmem>>) semaphore(%dma_start3A_33 : memref<!tpu.dma_semaphore, #tpu.memory_space<semaphore_mem>>)
    %dma_start3A_34 = arith.constant 2 : i32
    %dma_start3A_35 = arith.constant 2 : i32
    %dma_start3A_36 = arith.constant 2 : i32
    %dma_start3A_37 = arith.constant 0 : i32
    %dma_start3A_38 = arith.constant 0 : i32
    %dma_start3A_39 = tpu.memref_slice %arg12[%dma_start3A_35, %dma_start3A_37, %dma_start3A_38] : memref<5x128x64xf32, #tpu.memory_space<vmem>> -> memref<1x128x64xf32, #tpu.memory_space<vmem>>
    %dma_start3A_40 = tpu.memref_squeeze %dma_start3A_39 : memref<1x128x64xf32, #tpu.memory_space<vmem>> -> memref<128x64xf32, #tpu.memory_space<vmem>>
    %dma_start3A_41 = arith.constant 0 : i32
    %dma_start3A_42 = tpu.memref_slice %arg10[%dma_start3A_34, %dma_start3A_41] : memref<80x128xi32, #tpu.memory_space<vmem>> -> memref<1x128xi32, #tpu.memory_space<vmem>>
    %dma_start3A_43 = tpu.memref_squeeze %dma_start3A_42 : memref<1x128xi32, #tpu.memory_space<vmem>> -> memref<128xi32, #tpu.memory_space<vmem>>
    %dma_start3A_44 = arith.constant 0 : i32
    %dma_start3A_45 = arith.constant 0 : i32
    %dma_start3A_46 = tpu.memref_slice %arg2[%dma_start3A_44, %dma_start3A_45] : memref<20000x64xf32, #tpu.memory_space<hbm>> -> memref<20000x64xf32, #tpu.memory_space<hbm>>
    %dma_start3A_47 = tpu.memref_slice %arg14[%dma_start3A_36] : memref<5x!tpu.dma_semaphore, #tpu.memory_space<semaphore_mem>> -> memref<1x!tpu.dma_semaphore, #tpu.memory_space<semaphore_mem>>
    %dma_start3A_48 = tpu.memref_squeeze %dma_start3A_47 : memref<1x!tpu.dma_semaphore, #tpu.memory_space<semaphore_mem>> -> memref<!tpu.dma_semaphore, #tpu.memory_space<semaphore_mem>>
    tpu.enqueue_indirect_dma source(%dma_start3A_46 : memref<20000x64xf32, #tpu.memory_space<hbm>>) target(%dma_start3A_40 : memref<128x64xf32, #tpu.memory_space<vmem>>) offsets(%dma_start3A_43 : memref<128xi32, #tpu.memory_space<vmem>>) semaphore(%dma_start3A_48 : memref<!tpu.dma_semaphore, #tpu.memory_space<semaphore_mem>>)
    %scan3A = arith.constant 0 : i32
    %scan3A_49 = arith.constant 16 : i32
    %scan3A_50 = arith.addi %scan3A, %scan3A_49 : i32
    %scan3A_51 = arith.constant 1 : i32
    scf.for %scan3A_183 = %scan3A to %scan3A_50 step %scan3A_51  : i32 {
      %mul3A_184 = arith.constant 5 : i32
      %mul3A_185 = arith.muli %scan3A_183, %mul3A_184 : i32
      %add3A_186 = arith.constant 0 : i32
      %add3A_187 = arith.addi %add3A_186, %mul3A_185 : i32
      %add3A_188 = arith.constant 0 : i32
      %add3A_189 = arith.addi %add3A_187, %add3A_188 : i32
      %dma_wait3A_190 = arith.constant 0 : i32
      %dma_wait3A_191 = arith.constant 0 : i32
      %dma_wait3A_192 = arith.constant 0 : i32
      %dma_wait3A_193 = arith.constant 0 : i32
      %dma_wait3A_194 = tpu.memref_slice %arg12[%dma_wait3A_190, %dma_wait3A_192, %dma_wait3A_193] : memref<5x128x64xf32, #tpu.memory_space<vmem>> -> memref<1x128x64xf32, #tpu.memory_space<vmem>>
      %dma_wait3A_195 = tpu.memref_squeeze %dma_wait3A_194 : memref<1x128x64xf32, #tpu.memory_space<vmem>> -> memref<128x64xf32, #tpu.memory_space<vmem>>
      %dma_wait3A_196 = arith.constant 0 : i32
      %dma_wait3A_197 = tpu.memref_slice %arg10[%add3A_189, %dma_wait3A_196] : memref<80x128xi32, #tpu.memory_space<vmem>> -> memref<1x128xi32, #tpu.memory_space<vmem>>
      %dma_wait3A_198 = tpu.memref_squeeze %dma_wait3A_197 : memref<1x128xi32, #tpu.memory_space<vmem>> -> memref<128xi32, #tpu.memory_space<vmem>>
      %dma_wait3A_199 = arith.constant 0 : i32
      %dma_wait3A_200 = arith.constant 0 : i32
      %dma_wait3A_201 = tpu.memref_slice %arg2[%dma_wait3A_199, %dma_wait3A_200] : memref<20000x64xf32, #tpu.memory_space<hbm>> -> memref<20000x64xf32, #tpu.memory_space<hbm>>
      %dma_wait3A_202 = tpu.memref_slice %arg14[%dma_wait3A_191] : memref<5x!tpu.dma_semaphore, #tpu.memory_space<semaphore_mem>> -> memref<1x!tpu.dma_semaphore, #tpu.memory_space<semaphore_mem>>
      %dma_wait3A_203 = tpu.memref_squeeze %dma_wait3A_202 : memref<1x!tpu.dma_semaphore, #tpu.memory_space<semaphore_mem>> -> memref<!tpu.dma_semaphore, #tpu.memory_space<semaphore_mem>>
      tpu.wait_indirect_dma semaphore(%dma_wait3A_203 : memref<!tpu.dma_semaphore, #tpu.memory_space<semaphore_mem>>) src(%dma_wait3A_201 : memref<20000x64xf32, #tpu.memory_space<hbm>>) dst(%dma_wait3A_195 : memref<128x64xf32, #tpu.memory_space<vmem>>)
      %dma_start3A_204 = arith.constant 0 : i32
      %dma_start3A_205 = arith.constant 0 : i32
      %dma_start3A_206 = arith.constant 0 : i32
      %dma_start3A_207 = arith.constant 0 : i32
      %dma_start3A_208 = tpu.memref_slice %arg12[%dma_start3A_204, %dma_start3A_206, %dma_start3A_207] : memref<5x128x64xf32, #tpu.memory_space<vmem>> -> memref<1x128x64xf32, #tpu.memory_space<vmem>>
      %dma_start3A_209 = tpu.memref_squeeze %dma_start3A_208 : memref<1x128x64xf32, #tpu.memory_space<vmem>> -> memref<128x64xf32, #tpu.memory_space<vmem>>
      %dma_start3A_210 = arith.constant 0 : i32
      %dma_start3A_211 = tpu.memref_slice %arg11[%add3A_189, %dma_start3A_210] : memref<80x128xi32, #tpu.memory_space<vmem>> -> memref<1x128xi32, #tpu.memory_space<vmem>>
      %dma_start3A_212 = tpu.memref_squeeze %dma_start3A_211 : memref<1x128xi32, #tpu.memory_space<vmem>> -> memref<128xi32, #tpu.memory_space<vmem>>
      %dma_start3A_213 = arith.constant 0 : i32
      %dma_start3A_214 = arith.constant 0 : i32
      %dma_start3A_215 = tpu.memref_slice %arg13[%dma_start3A_213, %dma_start3A_214] : memref<10016x64xf32, #tpu.memory_space<vmem_shared>> -> memref<10016x64xf32, #tpu.memory_space<vmem_shared>>
      %dma_start3A_216 = tpu.memref_slice %arg15[%dma_start3A_205] : memref<5x!tpu.dma_semaphore, #tpu.memory_space<semaphore_mem>> -> memref<1x!tpu.dma_semaphore, #tpu.memory_space<semaphore_mem>>
      %dma_start3A_217 = tpu.memref_squeeze %dma_start3A_216 : memref<1x!tpu.dma_semaphore, #tpu.memory_space<semaphore_mem>> -> memref<!tpu.dma_semaphore, #tpu.memory_space<semaphore_mem>>
      tpu.enqueue_indirect_dma source(%dma_start3A_209 : memref<128x64xf32, #tpu.memory_space<vmem>>) target(%dma_start3A_215 : memref<10016x64xf32, #tpu.memory_space<vmem_shared>>) offsets(%dma_start3A_212 : memref<128xi32, #tpu.memory_space<vmem>>) semaphore(%dma_start3A_217 : memref<!tpu.dma_semaphore, #tpu.memory_space<semaphore_mem>>) {add = true}
      %ge3A = arith.constant 5 : i32
      %ge3A_218 = arith.cmpi sge, %add3A_189, %ge3A : i32
      %convert_element_type3A_219 = arith.extui %ge3A_218 : i1 to i32
      %cond3A_220 = arith.constant 0 : i32
      %cond3A_221 = arith.cmpi ne, %convert_element_type3A_219, %cond3A_220 : i32
      scf.if %cond3A_221 {
        %sub3A = arith.constant 5 : i32
        %sub3A_500 = arith.subi %add3A_189, %sub3A : i32
        %dma_wait3A_501 = arith.constant 0 : i32
        %dma_wait3A_502 = arith.constant 0 : i32
        %dma_wait3A_503 = tpu.memref_slice %arg11[%sub3A_500, %dma_wait3A_502] : memref<80x128xi32, #tpu.memory_space<vmem>> -> memref<1x128xi32, #tpu.memory_space<vmem>>
        %dma_wait3A_504 = tpu.memref_squeeze %dma_wait3A_503 : memref<1x128xi32, #tpu.memory_space<vmem>> -> memref<128xi32, #tpu.memory_space<vmem>>
        %dma_wait3A_505 = arith.constant 0 : i32
        %dma_wait3A_506 = arith.constant 0 : i32
        %dma_wait3A_507 = tpu.memref_slice %arg17[%dma_wait3A_505, %dma_wait3A_506] : memref<10016x16xf32, #tpu.memory_space<vmem_shared>> -> memref<10016x16xf32, #tpu.memory_space<vmem_shared>>
        %dma_wait3A_508 = tpu.memref_slice %arg18[%dma_wait3A_501] : memref<5x!tpu.dma_semaphore, #tpu.memory_space<semaphore_mem>> -> memref<1x!tpu.dma_semaphore, #tpu.memory_space<semaphore_mem>>
        %dma_wait3A_509 = tpu.memref_squeeze %dma_wait3A_508 : memref<1x!tpu.dma_semaphore, #tpu.memory_space<semaphore_mem>> -> memref<!tpu.dma_semaphore, #tpu.memory_space<semaphore_mem>>
        tpu.wait_indirect_dma semaphore(%dma_wait3A_509 : memref<!tpu.dma_semaphore, #tpu.memory_space<semaphore_mem>>) src(%arg16 : memref<128x16xf32, #tpu.memory_space<vmem>>) dst(%dma_wait3A_507 : memref<10016x16xf32, #tpu.memory_space<vmem_shared>>)
      } else {
      }
      %dma_start3A_222 = arith.constant 0 : i32
      %dma_start3A_223 = arith.constant 0 : i32
      %dma_start3A_224 = tpu.memref_slice %arg11[%add3A_189, %dma_start3A_223] : memref<80x128xi32, #tpu.memory_space<vmem>> -> memref<1x128xi32, #tpu.memory_space<vmem>>
      %dma_start3A_225 = tpu.memref_squeeze %dma_start3A_224 : memref<1x128xi32, #tpu.memory_space<vmem>> -> memref<128xi32, #tpu.memory_space<vmem>>
      %dma_start3A_226 = arith.constant 0 : i32
      %dma_start3A_227 = arith.constant 0 : i32
      %dma_start3A_228 = tpu.memref_slice %arg17[%dma_start3A_226, %dma_start3A_227] : memref<10016x16xf32, #tpu.memory_space<vmem_shared>> -> memref<10016x16xf32, #tpu.memory_space<vmem_shared>>
      %dma_start3A_229 = tpu.memref_slice %arg18[%dma_start3A_222] : memref<5x!tpu.dma_semaphore, #tpu.memory_space<semaphore_mem>> -> memref<1x!tpu.dma_semaphore, #tpu.memory_space<semaphore_mem>>
      %dma_start3A_230 = tpu.memref_squeeze %dma_start3A_229 : memref<1x!tpu.dma_semaphore, #tpu.memory_space<semaphore_mem>> -> memref<!tpu.dma_semaphore, #tpu.memory_space<semaphore_mem>>
      tpu.enqueue_indirect_dma source(%arg16 : memref<128x16xf32, #tpu.memory_space<vmem>>) target(%dma_start3A_228 : memref<10016x16xf32, #tpu.memory_space<vmem_shared>>) offsets(%dma_start3A_225 : memref<128xi32, #tpu.memory_space<vmem>>) semaphore(%dma_start3A_230 : memref<!tpu.dma_semaphore, #tpu.memory_space<semaphore_mem>>) {add = true}
      %add3A_231 = arith.constant 3 : i32
      %add3A_232 = arith.addi %add3A_189, %add3A_231 : i32
      %lt3A = arith.constant 80 : i32
      %lt3A_233 = arith.cmpi slt, %add3A_232, %lt3A : i32
      %add3A_234 = arith.constant 3 : i32
      %add3A_235 = arith.addi %add3A_189, %add3A_234 : i32
      %ge3A_236 = arith.constant 5 : i32
      %ge3A_237 = arith.cmpi sge, %add3A_235, %ge3A_236 : i32
      %and3A = arith.andi %lt3A_233, %ge3A_237 : i1
      %convert_element_type3A_238 = arith.extui %and3A : i1 to i32
      %cond3A_239 = arith.constant 0 : i32
      %cond3A_240 = arith.cmpi ne, %convert_element_type3A_238, %cond3A_239 : i32
      scf.if %cond3A_240 {
        %add3A_500 = arith.constant 3 : i32
        %add3A_501 = arith.addi %add3A_189, %add3A_500 : i32
        %sub3A = arith.constant 5 : i32
        %sub3A_502 = arith.subi %add3A_501, %sub3A : i32
        %dma_wait3A_503 = arith.constant 3 : i32
        %dma_wait3A_504 = arith.constant 3 : i32
        %dma_wait3A_505 = arith.constant 0 : i32
        %dma_wait3A_506 = arith.constant 0 : i32
        %dma_wait3A_507 = tpu.memref_slice %arg12[%dma_wait3A_503, %dma_wait3A_505, %dma_wait3A_506] : memref<5x128x64xf32, #tpu.memory_space<vmem>> -> memref<1x128x64xf32, #tpu.memory_space<vmem>>
        %dma_wait3A_508 = tpu.memref_squeeze %dma_wait3A_507 : memref<1x128x64xf32, #tpu.memory_space<vmem>> -> memref<128x64xf32, #tpu.memory_space<vmem>>
        %dma_wait3A_509 = arith.constant 0 : i32
        %dma_wait3A_510 = tpu.memref_slice %arg11[%sub3A_502, %dma_wait3A_509] : memref<80x128xi32, #tpu.memory_space<vmem>> -> memref<1x128xi32, #tpu.memory_space<vmem>>
        %dma_wait3A_511 = tpu.memref_squeeze %dma_wait3A_510 : memref<1x128xi32, #tpu.memory_space<vmem>> -> memref<128xi32, #tpu.memory_space<vmem>>
        %dma_wait3A_512 = arith.constant 0 : i32
        %dma_wait3A_513 = arith.constant 0 : i32
        %dma_wait3A_514 = tpu.memref_slice %arg13[%dma_wait3A_512, %dma_wait3A_513] : memref<10016x64xf32, #tpu.memory_space<vmem_shared>> -> memref<10016x64xf32, #tpu.memory_space<vmem_shared>>
        %dma_wait3A_515 = tpu.memref_slice %arg15[%dma_wait3A_504] : memref<5x!tpu.dma_semaphore, #tpu.memory_space<semaphore_mem>> -> memref<1x!tpu.dma_semaphore, #tpu.memory_space<semaphore_mem>>
        %dma_wait3A_516 = tpu.memref_squeeze %dma_wait3A_515 : memref<1x!tpu.dma_semaphore, #tpu.memory_space<semaphore_mem>> -> memref<!tpu.dma_semaphore, #tpu.memory_space<semaphore_mem>>
        tpu.wait_indirect_dma semaphore(%dma_wait3A_516 : memref<!tpu.dma_semaphore, #tpu.memory_space<semaphore_mem>>) src(%dma_wait3A_508 : memref<128x64xf32, #tpu.memory_space<vmem>>) dst(%dma_wait3A_514 : memref<10016x64xf32, #tpu.memory_space<vmem_shared>>)
      } else {
      }
      %add3A_241 = arith.constant 3 : i32
      %add3A_242 = arith.addi %add3A_189, %add3A_241 : i32
      %lt3A_243 = arith.constant 80 : i32
      %lt3A_244 = arith.cmpi slt, %add3A_242, %lt3A_243 : i32
      %convert_element_type3A_245 = arith.extui %lt3A_244 : i1 to i32
      %cond3A_246 = arith.constant 0 : i32
      %cond3A_247 = arith.cmpi ne, %convert_element_type3A_245, %cond3A_246 : i32
      scf.if %cond3A_247 {
        %add3A_500 = arith.constant 3 : i32
        %add3A_501 = arith.addi %add3A_189, %add3A_500 : i32
        %dma_start3A_502 = arith.constant 3 : i32
        %dma_start3A_503 = arith.constant 3 : i32
        %dma_start3A_504 = arith.constant 0 : i32
        %dma_start3A_505 = arith.constant 0 : i32
        %dma_start3A_506 = tpu.memref_slice %arg12[%dma_start3A_502, %dma_start3A_504, %dma_start3A_505] : memref<5x128x64xf32, #tpu.memory_space<vmem>> -> memref<1x128x64xf32, #tpu.memory_space<vmem>>
        %dma_start3A_507 = tpu.memref_squeeze %dma_start3A_506 : memref<1x128x64xf32, #tpu.memory_space<vmem>> -> memref<128x64xf32, #tpu.memory_space<vmem>>
        %dma_start3A_508 = arith.constant 0 : i32
        %dma_start3A_509 = tpu.memref_slice %arg10[%add3A_501, %dma_start3A_508] : memref<80x128xi32, #tpu.memory_space<vmem>> -> memref<1x128xi32, #tpu.memory_space<vmem>>
        %dma_start3A_510 = tpu.memref_squeeze %dma_start3A_509 : memref<1x128xi32, #tpu.memory_space<vmem>> -> memref<128xi32, #tpu.memory_space<vmem>>
        %dma_start3A_511 = arith.constant 0 : i32
        %dma_start3A_512 = arith.constant 0 : i32
        %dma_start3A_513 = tpu.memref_slice %arg2[%dma_start3A_511, %dma_start3A_512] : memref<20000x64xf32, #tpu.memory_space<hbm>> -> memref<20000x64xf32, #tpu.memory_space<hbm>>
        %dma_start3A_514 = tpu.memref_slice %arg14[%dma_start3A_503] : memref<5x!tpu.dma_semaphore, #tpu.memory_space<semaphore_mem>> -> memref<1x!tpu.dma_semaphore, #tpu.memory_space<semaphore_mem>>
        %dma_start3A_515 = tpu.memref_squeeze %dma_start3A_514 : memref<1x!tpu.dma_semaphore, #tpu.memory_space<semaphore_mem>> -> memref<!tpu.dma_semaphore, #tpu.memory_space<semaphore_mem>>
        tpu.enqueue_indirect_dma source(%dma_start3A_513 : memref<20000x64xf32, #tpu.memory_space<hbm>>) target(%dma_start3A_507 : memref<128x64xf32, #tpu.memory_space<vmem>>) offsets(%dma_start3A_510 : memref<128xi32, #tpu.memory_space<vmem>>) semaphore(%dma_start3A_515 : memref<!tpu.dma_semaphore, #tpu.memory_space<semaphore_mem>>)
      } else {
      }
      %add3A_248 = arith.constant 1 : i32
      %add3A_249 = arith.addi %add3A_187, %add3A_248 : i32
      %dma_wait3A_250 = arith.constant 1 : i32
      %dma_wait3A_251 = arith.constant 1 : i32
      %dma_wait3A_252 = arith.constant 0 : i32
      %dma_wait3A_253 = arith.constant 0 : i32
      %dma_wait3A_254 = tpu.memref_slice %arg12[%dma_wait3A_250, %dma_wait3A_252, %dma_wait3A_253] : memref<5x128x64xf32, #tpu.memory_space<vmem>> -> memref<1x128x64xf32, #tpu.memory_space<vmem>>
      %dma_wait3A_255 = tpu.memref_squeeze %dma_wait3A_254 : memref<1x128x64xf32, #tpu.memory_space<vmem>> -> memref<128x64xf32, #tpu.memory_space<vmem>>
      %dma_wait3A_256 = arith.constant 0 : i32
      %dma_wait3A_257 = tpu.memref_slice %arg10[%add3A_249, %dma_wait3A_256] : memref<80x128xi32, #tpu.memory_space<vmem>> -> memref<1x128xi32, #tpu.memory_space<vmem>>
      %dma_wait3A_258 = tpu.memref_squeeze %dma_wait3A_257 : memref<1x128xi32, #tpu.memory_space<vmem>> -> memref<128xi32, #tpu.memory_space<vmem>>
      %dma_wait3A_259 = arith.constant 0 : i32
      %dma_wait3A_260 = arith.constant 0 : i32
      %dma_wait3A_261 = tpu.memref_slice %arg2[%dma_wait3A_259, %dma_wait3A_260] : memref<20000x64xf32, #tpu.memory_space<hbm>> -> memref<20000x64xf32, #tpu.memory_space<hbm>>
      %dma_wait3A_262 = tpu.memref_slice %arg14[%dma_wait3A_251] : memref<5x!tpu.dma_semaphore, #tpu.memory_space<semaphore_mem>> -> memref<1x!tpu.dma_semaphore, #tpu.memory_space<semaphore_mem>>
      %dma_wait3A_263 = tpu.memref_squeeze %dma_wait3A_262 : memref<1x!tpu.dma_semaphore, #tpu.memory_space<semaphore_mem>> -> memref<!tpu.dma_semaphore, #tpu.memory_space<semaphore_mem>>
      tpu.wait_indirect_dma semaphore(%dma_wait3A_263 : memref<!tpu.dma_semaphore, #tpu.memory_space<semaphore_mem>>) src(%dma_wait3A_261 : memref<20000x64xf32, #tpu.memory_space<hbm>>) dst(%dma_wait3A_255 : memref<128x64xf32, #tpu.memory_space<vmem>>)
      %dma_start3A_264 = arith.constant 1 : i32
      %dma_start3A_265 = arith.constant 1 : i32
      %dma_start3A_266 = arith.constant 0 : i32
      %dma_start3A_267 = arith.constant 0 : i32
      %dma_start3A_268 = tpu.memref_slice %arg12[%dma_start3A_264, %dma_start3A_266, %dma_start3A_267] : memref<5x128x64xf32, #tpu.memory_space<vmem>> -> memref<1x128x64xf32, #tpu.memory_space<vmem>>
      %dma_start3A_269 = tpu.memref_squeeze %dma_start3A_268 : memref<1x128x64xf32, #tpu.memory_space<vmem>> -> memref<128x64xf32, #tpu.memory_space<vmem>>
      %dma_start3A_270 = arith.constant 0 : i32
      %dma_start3A_271 = tpu.memref_slice %arg11[%add3A_249, %dma_start3A_270] : memref<80x128xi32, #tpu.memory_space<vmem>> -> memref<1x128xi32, #tpu.memory_space<vmem>>
      %dma_start3A_272 = tpu.memref_squeeze %dma_start3A_271 : memref<1x128xi32, #tpu.memory_space<vmem>> -> memref<128xi32, #tpu.memory_space<vmem>>
      %dma_start3A_273 = arith.constant 0 : i32
      %dma_start3A_274 = arith.constant 0 : i32
      %dma_start3A_275 = tpu.memref_slice %arg13[%dma_start3A_273, %dma_start3A_274] : memref<10016x64xf32, #tpu.memory_space<vmem_shared>> -> memref<10016x64xf32, #tpu.memory_space<vmem_shared>>
      %dma_start3A_276 = tpu.memref_slice %arg15[%dma_start3A_265] : memref<5x!tpu.dma_semaphore, #tpu.memory_space<semaphore_mem>> -> memref<1x!tpu.dma_semaphore, #tpu.memory_space<semaphore_mem>>
      %dma_start3A_277 = tpu.memref_squeeze %dma_start3A_276 : memref<1x!tpu.dma_semaphore, #tpu.memory_space<semaphore_mem>> -> memref<!tpu.dma_semaphore, #tpu.memory_space<semaphore_mem>>
      tpu.enqueue_indirect_dma source(%dma_start3A_269 : memref<128x64xf32, #tpu.memory_space<vmem>>) target(%dma_start3A_275 : memref<10016x64xf32, #tpu.memory_space<vmem_shared>>) offsets(%dma_start3A_272 : memref<128xi32, #tpu.memory_space<vmem>>) semaphore(%dma_start3A_277 : memref<!tpu.dma_semaphore, #tpu.memory_space<semaphore_mem>>) {add = true}
      %ge3A_278 = arith.constant 5 : i32
      %ge3A_279 = arith.cmpi sge, %add3A_249, %ge3A_278 : i32
      %convert_element_type3A_280 = arith.extui %ge3A_279 : i1 to i32
      %cond3A_281 = arith.constant 0 : i32
      %cond3A_282 = arith.cmpi ne, %convert_element_type3A_280, %cond3A_281 : i32
      scf.if %cond3A_282 {
        %sub3A = arith.constant 5 : i32
        %sub3A_500 = arith.subi %add3A_249, %sub3A : i32
        %dma_wait3A_501 = arith.constant 1 : i32
        %dma_wait3A_502 = arith.constant 0 : i32
        %dma_wait3A_503 = tpu.memref_slice %arg11[%sub3A_500, %dma_wait3A_502] : memref<80x128xi32, #tpu.memory_space<vmem>> -> memref<1x128xi32, #tpu.memory_space<vmem>>
        %dma_wait3A_504 = tpu.memref_squeeze %dma_wait3A_503 : memref<1x128xi32, #tpu.memory_space<vmem>> -> memref<128xi32, #tpu.memory_space<vmem>>
        %dma_wait3A_505 = arith.constant 0 : i32
        %dma_wait3A_506 = arith.constant 0 : i32
        %dma_wait3A_507 = tpu.memref_slice %arg17[%dma_wait3A_505, %dma_wait3A_506] : memref<10016x16xf32, #tpu.memory_space<vmem_shared>> -> memref<10016x16xf32, #tpu.memory_space<vmem_shared>>
        %dma_wait3A_508 = tpu.memref_slice %arg18[%dma_wait3A_501] : memref<5x!tpu.dma_semaphore, #tpu.memory_space<semaphore_mem>> -> memref<1x!tpu.dma_semaphore, #tpu.memory_space<semaphore_mem>>
        %dma_wait3A_509 = tpu.memref_squeeze %dma_wait3A_508 : memref<1x!tpu.dma_semaphore, #tpu.memory_space<semaphore_mem>> -> memref<!tpu.dma_semaphore, #tpu.memory_space<semaphore_mem>>
        tpu.wait_indirect_dma semaphore(%dma_wait3A_509 : memref<!tpu.dma_semaphore, #tpu.memory_space<semaphore_mem>>) src(%arg16 : memref<128x16xf32, #tpu.memory_space<vmem>>) dst(%dma_wait3A_507 : memref<10016x16xf32, #tpu.memory_space<vmem_shared>>)
      } else {
      }
      %dma_start3A_283 = arith.constant 1 : i32
      %dma_start3A_284 = arith.constant 0 : i32
      %dma_start3A_285 = tpu.memref_slice %arg11[%add3A_249, %dma_start3A_284] : memref<80x128xi32, #tpu.memory_space<vmem>> -> memref<1x128xi32, #tpu.memory_space<vmem>>
      %dma_start3A_286 = tpu.memref_squeeze %dma_start3A_285 : memref<1x128xi32, #tpu.memory_space<vmem>> -> memref<128xi32, #tpu.memory_space<vmem>>
      %dma_start3A_287 = arith.constant 0 : i32
      %dma_start3A_288 = arith.constant 0 : i32
      %dma_start3A_289 = tpu.memref_slice %arg17[%dma_start3A_287, %dma_start3A_288] : memref<10016x16xf32, #tpu.memory_space<vmem_shared>> -> memref<10016x16xf32, #tpu.memory_space<vmem_shared>>
      %dma_start3A_290 = tpu.memref_slice %arg18[%dma_start3A_283] : memref<5x!tpu.dma_semaphore, #tpu.memory_space<semaphore_mem>> -> memref<1x!tpu.dma_semaphore, #tpu.memory_space<semaphore_mem>>
      %dma_start3A_291 = tpu.memref_squeeze %dma_start3A_290 : memref<1x!tpu.dma_semaphore, #tpu.memory_space<semaphore_mem>> -> memref<!tpu.dma_semaphore, #tpu.memory_space<semaphore_mem>>
      tpu.enqueue_indirect_dma source(%arg16 : memref<128x16xf32, #tpu.memory_space<vmem>>) target(%dma_start3A_289 : memref<10016x16xf32, #tpu.memory_space<vmem_shared>>) offsets(%dma_start3A_286 : memref<128xi32, #tpu.memory_space<vmem>>) semaphore(%dma_start3A_291 : memref<!tpu.dma_semaphore, #tpu.memory_space<semaphore_mem>>) {add = true}
      %add3A_292 = arith.constant 3 : i32
      %add3A_293 = arith.addi %add3A_249, %add3A_292 : i32
      %lt3A_294 = arith.constant 80 : i32
      %lt3A_295 = arith.cmpi slt, %add3A_293, %lt3A_294 : i32
      %add3A_296 = arith.constant 3 : i32
      %add3A_297 = arith.addi %add3A_249, %add3A_296 : i32
      %ge3A_298 = arith.constant 5 : i32
      %ge3A_299 = arith.cmpi sge, %add3A_297, %ge3A_298 : i32
      %and3A_300 = arith.andi %lt3A_295, %ge3A_299 : i1
      %convert_element_type3A_301 = arith.extui %and3A_300 : i1 to i32
      %cond3A_302 = arith.constant 0 : i32
      %cond3A_303 = arith.cmpi ne, %convert_element_type3A_301, %cond3A_302 : i32
      scf.if %cond3A_303 {
        %add3A_500 = arith.constant 3 : i32
        %add3A_501 = arith.addi %add3A_249, %add3A_500 : i32
        %sub3A = arith.constant 5 : i32
        %sub3A_502 = arith.subi %add3A_501, %sub3A : i32
        %dma_wait3A_503 = arith.constant 4 : i32
        %dma_wait3A_504 = arith.constant 4 : i32
        %dma_wait3A_505 = arith.constant 0 : i32
        %dma_wait3A_506 = arith.constant 0 : i32
        %dma_wait3A_507 = tpu.memref_slice %arg12[%dma_wait3A_503, %dma_wait3A_505, %dma_wait3A_506] : memref<5x128x64xf32, #tpu.memory_space<vmem>> -> memref<1x128x64xf32, #tpu.memory_space<vmem>>
        %dma_wait3A_508 = tpu.memref_squeeze %dma_wait3A_507 : memref<1x128x64xf32, #tpu.memory_space<vmem>> -> memref<128x64xf32, #tpu.memory_space<vmem>>
        %dma_wait3A_509 = arith.constant 0 : i32
        %dma_wait3A_510 = tpu.memref_slice %arg11[%sub3A_502, %dma_wait3A_509] : memref<80x128xi32, #tpu.memory_space<vmem>> -> memref<1x128xi32, #tpu.memory_space<vmem>>
        %dma_wait3A_511 = tpu.memref_squeeze %dma_wait3A_510 : memref<1x128xi32, #tpu.memory_space<vmem>> -> memref<128xi32, #tpu.memory_space<vmem>>
        %dma_wait3A_512 = arith.constant 0 : i32
        %dma_wait3A_513 = arith.constant 0 : i32
        %dma_wait3A_514 = tpu.memref_slice %arg13[%dma_wait3A_512, %dma_wait3A_513] : memref<10016x64xf32, #tpu.memory_space<vmem_shared>> -> memref<10016x64xf32, #tpu.memory_space<vmem_shared>>
        %dma_wait3A_515 = tpu.memref_slice %arg15[%dma_wait3A_504] : memref<5x!tpu.dma_semaphore, #tpu.memory_space<semaphore_mem>> -> memref<1x!tpu.dma_semaphore, #tpu.memory_space<semaphore_mem>>
        %dma_wait3A_516 = tpu.memref_squeeze %dma_wait3A_515 : memref<1x!tpu.dma_semaphore, #tpu.memory_space<semaphore_mem>> -> memref<!tpu.dma_semaphore, #tpu.memory_space<semaphore_mem>>
        tpu.wait_indirect_dma semaphore(%dma_wait3A_516 : memref<!tpu.dma_semaphore, #tpu.memory_space<semaphore_mem>>) src(%dma_wait3A_508 : memref<128x64xf32, #tpu.memory_space<vmem>>) dst(%dma_wait3A_514 : memref<10016x64xf32, #tpu.memory_space<vmem_shared>>)
      } else {
      }
      %add3A_304 = arith.constant 3 : i32
      %add3A_305 = arith.addi %add3A_249, %add3A_304 : i32
      %lt3A_306 = arith.constant 80 : i32
      %lt3A_307 = arith.cmpi slt, %add3A_305, %lt3A_306 : i32
      %convert_element_type3A_308 = arith.extui %lt3A_307 : i1 to i32
      %cond3A_309 = arith.constant 0 : i32
      %cond3A_310 = arith.cmpi ne, %convert_element_type3A_308, %cond3A_309 : i32
      scf.if %cond3A_310 {
        %add3A_500 = arith.constant 3 : i32
        %add3A_501 = arith.addi %add3A_249, %add3A_500 : i32
        %dma_start3A_502 = arith.constant 4 : i32
        %dma_start3A_503 = arith.constant 4 : i32
        %dma_start3A_504 = arith.constant 0 : i32
        %dma_start3A_505 = arith.constant 0 : i32
        %dma_start3A_506 = tpu.memref_slice %arg12[%dma_start3A_502, %dma_start3A_504, %dma_start3A_505] : memref<5x128x64xf32, #tpu.memory_space<vmem>> -> memref<1x128x64xf32, #tpu.memory_space<vmem>>
        %dma_start3A_507 = tpu.memref_squeeze %dma_start3A_506 : memref<1x128x64xf32, #tpu.memory_space<vmem>> -> memref<128x64xf32, #tpu.memory_space<vmem>>
        %dma_start3A_508 = arith.constant 0 : i32
        %dma_start3A_509 = tpu.memref_slice %arg10[%add3A_501, %dma_start3A_508] : memref<80x128xi32, #tpu.memory_space<vmem>> -> memref<1x128xi32, #tpu.memory_space<vmem>>
        %dma_start3A_510 = tpu.memref_squeeze %dma_start3A_509 : memref<1x128xi32, #tpu.memory_space<vmem>> -> memref<128xi32, #tpu.memory_space<vmem>>
        %dma_start3A_511 = arith.constant 0 : i32
        %dma_start3A_512 = arith.constant 0 : i32
        %dma_start3A_513 = tpu.memref_slice %arg2[%dma_start3A_511, %dma_start3A_512] : memref<20000x64xf32, #tpu.memory_space<hbm>> -> memref<20000x64xf32, #tpu.memory_space<hbm>>
        %dma_start3A_514 = tpu.memref_slice %arg14[%dma_start3A_503] : memref<5x!tpu.dma_semaphore, #tpu.memory_space<semaphore_mem>> -> memref<1x!tpu.dma_semaphore, #tpu.memory_space<semaphore_mem>>
        %dma_start3A_515 = tpu.memref_squeeze %dma_start3A_514 : memref<1x!tpu.dma_semaphore, #tpu.memory_space<semaphore_mem>> -> memref<!tpu.dma_semaphore, #tpu.memory_space<semaphore_mem>>
        tpu.enqueue_indirect_dma source(%dma_start3A_513 : memref<20000x64xf32, #tpu.memory_space<hbm>>) target(%dma_start3A_507 : memref<128x64xf32, #tpu.memory_space<vmem>>) offsets(%dma_start3A_510 : memref<128xi32, #tpu.memory_space<vmem>>) semaphore(%dma_start3A_515 : memref<!tpu.dma_semaphore, #tpu.memory_space<semaphore_mem>>)
      } else {
      }
      %add3A_311 = arith.constant 2 : i32
      %add3A_312 = arith.addi %add3A_187, %add3A_311 : i32
      %dma_wait3A_313 = arith.constant 2 : i32
      %dma_wait3A_314 = arith.constant 2 : i32
      %dma_wait3A_315 = arith.constant 0 : i32
      %dma_wait3A_316 = arith.constant 0 : i32
      %dma_wait3A_317 = tpu.memref_slice %arg12[%dma_wait3A_313, %dma_wait3A_315, %dma_wait3A_316] : memref<5x128x64xf32, #tpu.memory_space<vmem>> -> memref<1x128x64xf32, #tpu.memory_space<vmem>>
      %dma_wait3A_318 = tpu.memref_squeeze %dma_wait3A_317 : memref<1x128x64xf32, #tpu.memory_space<vmem>> -> memref<128x64xf32, #tpu.memory_space<vmem>>
      %dma_wait3A_319 = arith.constant 0 : i32
      %dma_wait3A_320 = tpu.memref_slice %arg10[%add3A_312, %dma_wait3A_319] : memref<80x128xi32, #tpu.memory_space<vmem>> -> memref<1x128xi32, #tpu.memory_space<vmem>>
      %dma_wait3A_321 = tpu.memref_squeeze %dma_wait3A_320 : memref<1x128xi32, #tpu.memory_space<vmem>> -> memref<128xi32, #tpu.memory_space<vmem>>
      %dma_wait3A_322 = arith.constant 0 : i32
      %dma_wait3A_323 = arith.constant 0 : i32
      %dma_wait3A_324 = tpu.memref_slice %arg2[%dma_wait3A_322, %dma_wait3A_323] : memref<20000x64xf32, #tpu.memory_space<hbm>> -> memref<20000x64xf32, #tpu.memory_space<hbm>>
      %dma_wait3A_325 = tpu.memref_slice %arg14[%dma_wait3A_314] : memref<5x!tpu.dma_semaphore, #tpu.memory_space<semaphore_mem>> -> memref<1x!tpu.dma_semaphore, #tpu.memory_space<semaphore_mem>>
      %dma_wait3A_326 = tpu.memref_squeeze %dma_wait3A_325 : memref<1x!tpu.dma_semaphore, #tpu.memory_space<semaphore_mem>> -> memref<!tpu.dma_semaphore, #tpu.memory_space<semaphore_mem>>
      tpu.wait_indirect_dma semaphore(%dma_wait3A_326 : memref<!tpu.dma_semaphore, #tpu.memory_space<semaphore_mem>>) src(%dma_wait3A_324 : memref<20000x64xf32, #tpu.memory_space<hbm>>) dst(%dma_wait3A_318 : memref<128x64xf32, #tpu.memory_space<vmem>>)
      %dma_start3A_327 = arith.constant 2 : i32
      %dma_start3A_328 = arith.constant 2 : i32
      %dma_start3A_329 = arith.constant 0 : i32
      %dma_start3A_330 = arith.constant 0 : i32
      %dma_start3A_331 = tpu.memref_slice %arg12[%dma_start3A_327, %dma_start3A_329, %dma_start3A_330] : memref<5x128x64xf32, #tpu.memory_space<vmem>> -> memref<1x128x64xf32, #tpu.memory_space<vmem>>
      %dma_start3A_332 = tpu.memref_squeeze %dma_start3A_331 : memref<1x128x64xf32, #tpu.memory_space<vmem>> -> memref<128x64xf32, #tpu.memory_space<vmem>>
      %dma_start3A_333 = arith.constant 0 : i32
      %dma_start3A_334 = tpu.memref_slice %arg11[%add3A_312, %dma_start3A_333] : memref<80x128xi32, #tpu.memory_space<vmem>> -> memref<1x128xi32, #tpu.memory_space<vmem>>
      %dma_start3A_335 = tpu.memref_squeeze %dma_start3A_334 : memref<1x128xi32, #tpu.memory_space<vmem>> -> memref<128xi32, #tpu.memory_space<vmem>>
      %dma_start3A_336 = arith.constant 0 : i32
      %dma_start3A_337 = arith.constant 0 : i32
      %dma_start3A_338 = tpu.memref_slice %arg13[%dma_start3A_336, %dma_start3A_337] : memref<10016x64xf32, #tpu.memory_space<vmem_shared>> -> memref<10016x64xf32, #tpu.memory_space<vmem_shared>>
      %dma_start3A_339 = tpu.memref_slice %arg15[%dma_start3A_328] : memref<5x!tpu.dma_semaphore, #tpu.memory_space<semaphore_mem>> -> memref<1x!tpu.dma_semaphore, #tpu.memory_space<semaphore_mem>>
      %dma_start3A_340 = tpu.memref_squeeze %dma_start3A_339 : memref<1x!tpu.dma_semaphore, #tpu.memory_space<semaphore_mem>> -> memref<!tpu.dma_semaphore, #tpu.memory_space<semaphore_mem>>
      tpu.enqueue_indirect_dma source(%dma_start3A_332 : memref<128x64xf32, #tpu.memory_space<vmem>>) target(%dma_start3A_338 : memref<10016x64xf32, #tpu.memory_space<vmem_shared>>) offsets(%dma_start3A_335 : memref<128xi32, #tpu.memory_space<vmem>>) semaphore(%dma_start3A_340 : memref<!tpu.dma_semaphore, #tpu.memory_space<semaphore_mem>>) {add = true}
      %ge3A_341 = arith.constant 5 : i32
      %ge3A_342 = arith.cmpi sge, %add3A_312, %ge3A_341 : i32
      %convert_element_type3A_343 = arith.extui %ge3A_342 : i1 to i32
      %cond3A_344 = arith.constant 0 : i32
      %cond3A_345 = arith.cmpi ne, %convert_element_type3A_343, %cond3A_344 : i32
      scf.if %cond3A_345 {
        %sub3A = arith.constant 5 : i32
        %sub3A_500 = arith.subi %add3A_312, %sub3A : i32
        %dma_wait3A_501 = arith.constant 2 : i32
        %dma_wait3A_502 = arith.constant 0 : i32
        %dma_wait3A_503 = tpu.memref_slice %arg11[%sub3A_500, %dma_wait3A_502] : memref<80x128xi32, #tpu.memory_space<vmem>> -> memref<1x128xi32, #tpu.memory_space<vmem>>
        %dma_wait3A_504 = tpu.memref_squeeze %dma_wait3A_503 : memref<1x128xi32, #tpu.memory_space<vmem>> -> memref<128xi32, #tpu.memory_space<vmem>>
        %dma_wait3A_505 = arith.constant 0 : i32
        %dma_wait3A_506 = arith.constant 0 : i32
        %dma_wait3A_507 = tpu.memref_slice %arg17[%dma_wait3A_505, %dma_wait3A_506] : memref<10016x16xf32, #tpu.memory_space<vmem_shared>> -> memref<10016x16xf32, #tpu.memory_space<vmem_shared>>
        %dma_wait3A_508 = tpu.memref_slice %arg18[%dma_wait3A_501] : memref<5x!tpu.dma_semaphore, #tpu.memory_space<semaphore_mem>> -> memref<1x!tpu.dma_semaphore, #tpu.memory_space<semaphore_mem>>
        %dma_wait3A_509 = tpu.memref_squeeze %dma_wait3A_508 : memref<1x!tpu.dma_semaphore, #tpu.memory_space<semaphore_mem>> -> memref<!tpu.dma_semaphore, #tpu.memory_space<semaphore_mem>>
        tpu.wait_indirect_dma semaphore(%dma_wait3A_509 : memref<!tpu.dma_semaphore, #tpu.memory_space<semaphore_mem>>) src(%arg16 : memref<128x16xf32, #tpu.memory_space<vmem>>) dst(%dma_wait3A_507 : memref<10016x16xf32, #tpu.memory_space<vmem_shared>>)
      } else {
      }
      %dma_start3A_346 = arith.constant 2 : i32
      %dma_start3A_347 = arith.constant 0 : i32
      %dma_start3A_348 = tpu.memref_slice %arg11[%add3A_312, %dma_start3A_347] : memref<80x128xi32, #tpu.memory_space<vmem>> -> memref<1x128xi32, #tpu.memory_space<vmem>>
      %dma_start3A_349 = tpu.memref_squeeze %dma_start3A_348 : memref<1x128xi32, #tpu.memory_space<vmem>> -> memref<128xi32, #tpu.memory_space<vmem>>
      %dma_start3A_350 = arith.constant 0 : i32
      %dma_start3A_351 = arith.constant 0 : i32
      %dma_start3A_352 = tpu.memref_slice %arg17[%dma_start3A_350, %dma_start3A_351] : memref<10016x16xf32, #tpu.memory_space<vmem_shared>> -> memref<10016x16xf32, #tpu.memory_space<vmem_shared>>
      %dma_start3A_353 = tpu.memref_slice %arg18[%dma_start3A_346] : memref<5x!tpu.dma_semaphore, #tpu.memory_space<semaphore_mem>> -> memref<1x!tpu.dma_semaphore, #tpu.memory_space<semaphore_mem>>
      %dma_start3A_354 = tpu.memref_squeeze %dma_start3A_353 : memref<1x!tpu.dma_semaphore, #tpu.memory_space<semaphore_mem>> -> memref<!tpu.dma_semaphore, #tpu.memory_space<semaphore_mem>>
      tpu.enqueue_indirect_dma source(%arg16 : memref<128x16xf32, #tpu.memory_space<vmem>>) target(%dma_start3A_352 : memref<10016x16xf32, #tpu.memory_space<vmem_shared>>) offsets(%dma_start3A_349 : memref<128xi32, #tpu.memory_space<vmem>>) semaphore(%dma_start3A_354 : memref<!tpu.dma_semaphore, #tpu.memory_space<semaphore_mem>>) {add = true}
      %add3A_355 = arith.constant 3 : i32
      %add3A_356 = arith.addi %add3A_312, %add3A_355 : i32
      %lt3A_357 = arith.constant 80 : i32
      %lt3A_358 = arith.cmpi slt, %add3A_356, %lt3A_357 : i32
      %add3A_359 = arith.constant 3 : i32
      %add3A_360 = arith.addi %add3A_312, %add3A_359 : i32
      %ge3A_361 = arith.constant 5 : i32
      %ge3A_362 = arith.cmpi sge, %add3A_360, %ge3A_361 : i32
      %and3A_363 = arith.andi %lt3A_358, %ge3A_362 : i1
      %convert_element_type3A_364 = arith.extui %and3A_363 : i1 to i32
      %cond3A_365 = arith.constant 0 : i32
      %cond3A_366 = arith.cmpi ne, %convert_element_type3A_364, %cond3A_365 : i32
      scf.if %cond3A_366 {
        %add3A_500 = arith.constant 3 : i32
        %add3A_501 = arith.addi %add3A_312, %add3A_500 : i32
        %sub3A = arith.constant 5 : i32
        %sub3A_502 = arith.subi %add3A_501, %sub3A : i32
        %dma_wait3A_503 = arith.constant 0 : i32
        %dma_wait3A_504 = arith.constant 0 : i32
        %dma_wait3A_505 = arith.constant 0 : i32
        %dma_wait3A_506 = arith.constant 0 : i32
        %dma_wait3A_507 = tpu.memref_slice %arg12[%dma_wait3A_503, %dma_wait3A_505, %dma_wait3A_506] : memref<5x128x64xf32, #tpu.memory_space<vmem>> -> memref<1x128x64xf32, #tpu.memory_space<vmem>>
        %dma_wait3A_508 = tpu.memref_squeeze %dma_wait3A_507 : memref<1x128x64xf32, #tpu.memory_space<vmem>> -> memref<128x64xf32, #tpu.memory_space<vmem>>
        %dma_wait3A_509 = arith.constant 0 : i32
        %dma_wait3A_510 = tpu.memref_slice %arg11[%sub3A_502, %dma_wait3A_509] : memref<80x128xi32, #tpu.memory_space<vmem>> -> memref<1x128xi32, #tpu.memory_space<vmem>>
        %dma_wait3A_511 = tpu.memref_squeeze %dma_wait3A_510 : memref<1x128xi32, #tpu.memory_space<vmem>> -> memref<128xi32, #tpu.memory_space<vmem>>
        %dma_wait3A_512 = arith.constant 0 : i32
        %dma_wait3A_513 = arith.constant 0 : i32
        %dma_wait3A_514 = tpu.memref_slice %arg13[%dma_wait3A_512, %dma_wait3A_513] : memref<10016x64xf32, #tpu.memory_space<vmem_shared>> -> memref<10016x64xf32, #tpu.memory_space<vmem_shared>>
        %dma_wait3A_515 = tpu.memref_slice %arg15[%dma_wait3A_504] : memref<5x!tpu.dma_semaphore, #tpu.memory_space<semaphore_mem>> -> memref<1x!tpu.dma_semaphore, #tpu.memory_space<semaphore_mem>>
        %dma_wait3A_516 = tpu.memref_squeeze %dma_wait3A_515 : memref<1x!tpu.dma_semaphore, #tpu.memory_space<semaphore_mem>> -> memref<!tpu.dma_semaphore, #tpu.memory_space<semaphore_mem>>
        tpu.wait_indirect_dma semaphore(%dma_wait3A_516 : memref<!tpu.dma_semaphore, #tpu.memory_space<semaphore_mem>>) src(%dma_wait3A_508 : memref<128x64xf32, #tpu.memory_space<vmem>>) dst(%dma_wait3A_514 : memref<10016x64xf32, #tpu.memory_space<vmem_shared>>)
      } else {
      }
      %add3A_367 = arith.constant 3 : i32
      %add3A_368 = arith.addi %add3A_312, %add3A_367 : i32
      %lt3A_369 = arith.constant 80 : i32
      %lt3A_370 = arith.cmpi slt, %add3A_368, %lt3A_369 : i32
      %convert_element_type3A_371 = arith.extui %lt3A_370 : i1 to i32
      %cond3A_372 = arith.constant 0 : i32
      %cond3A_373 = arith.cmpi ne, %convert_element_type3A_371, %cond3A_372 : i32
      scf.if %cond3A_373 {
        %add3A_500 = arith.constant 3 : i32
        %add3A_501 = arith.addi %add3A_312, %add3A_500 : i32
        %dma_start3A_502 = arith.constant 0 : i32
        %dma_start3A_503 = arith.constant 0 : i32
        %dma_start3A_504 = arith.constant 0 : i32
        %dma_start3A_505 = arith.constant 0 : i32
        %dma_start3A_506 = tpu.memref_slice %arg12[%dma_start3A_502, %dma_start3A_504, %dma_start3A_505] : memref<5x128x64xf32, #tpu.memory_space<vmem>> -> memref<1x128x64xf32, #tpu.memory_space<vmem>>
        %dma_start3A_507 = tpu.memref_squeeze %dma_start3A_506 : memref<1x128x64xf32, #tpu.memory_space<vmem>> -> memref<128x64xf32, #tpu.memory_space<vmem>>
        %dma_start3A_508 = arith.constant 0 : i32
        %dma_start3A_509 = tpu.memref_slice %arg10[%add3A_501, %dma_start3A_508] : memref<80x128xi32, #tpu.memory_space<vmem>> -> memref<1x128xi32, #tpu.memory_space<vmem>>
        %dma_start3A_510 = tpu.memref_squeeze %dma_start3A_509 : memref<1x128xi32, #tpu.memory_space<vmem>> -> memref<128xi32, #tpu.memory_space<vmem>>
        %dma_start3A_511 = arith.constant 0 : i32
        %dma_start3A_512 = arith.constant 0 : i32
        %dma_start3A_513 = tpu.memref_slice %arg2[%dma_start3A_511, %dma_start3A_512] : memref<20000x64xf32, #tpu.memory_space<hbm>> -> memref<20000x64xf32, #tpu.memory_space<hbm>>
        %dma_start3A_514 = tpu.memref_slice %arg14[%dma_start3A_503] : memref<5x!tpu.dma_semaphore, #tpu.memory_space<semaphore_mem>> -> memref<1x!tpu.dma_semaphore, #tpu.memory_space<semaphore_mem>>
        %dma_start3A_515 = tpu.memref_squeeze %dma_start3A_514 : memref<1x!tpu.dma_semaphore, #tpu.memory_space<semaphore_mem>> -> memref<!tpu.dma_semaphore, #tpu.memory_space<semaphore_mem>>
        tpu.enqueue_indirect_dma source(%dma_start3A_513 : memref<20000x64xf32, #tpu.memory_space<hbm>>) target(%dma_start3A_507 : memref<128x64xf32, #tpu.memory_space<vmem>>) offsets(%dma_start3A_510 : memref<128xi32, #tpu.memory_space<vmem>>) semaphore(%dma_start3A_515 : memref<!tpu.dma_semaphore, #tpu.memory_space<semaphore_mem>>)
      } else {
      }
      %add3A_374 = arith.constant 3 : i32
      %add3A_375 = arith.addi %add3A_187, %add3A_374 : i32
      %dma_wait3A_376 = arith.constant 3 : i32
      %dma_wait3A_377 = arith.constant 3 : i32
      %dma_wait3A_378 = arith.constant 0 : i32
      %dma_wait3A_379 = arith.constant 0 : i32
      %dma_wait3A_380 = tpu.memref_slice %arg12[%dma_wait3A_376, %dma_wait3A_378, %dma_wait3A_379] : memref<5x128x64xf32, #tpu.memory_space<vmem>> -> memref<1x128x64xf32, #tpu.memory_space<vmem>>
      %dma_wait3A_381 = tpu.memref_squeeze %dma_wait3A_380 : memref<1x128x64xf32, #tpu.memory_space<vmem>> -> memref<128x64xf32, #tpu.memory_space<vmem>>
      %dma_wait3A_382 = arith.constant 0 : i32
      %dma_wait3A_383 = tpu.memref_slice %arg10[%add3A_375, %dma_wait3A_382] : memref<80x128xi32, #tpu.memory_space<vmem>> -> memref<1x128xi32, #tpu.memory_space<vmem>>
      %dma_wait3A_384 = tpu.memref_squeeze %dma_wait3A_383 : memref<1x128xi32, #tpu.memory_space<vmem>> -> memref<128xi32, #tpu.memory_space<vmem>>
      %dma_wait3A_385 = arith.constant 0 : i32
      %dma_wait3A_386 = arith.constant 0 : i32
      %dma_wait3A_387 = tpu.memref_slice %arg2[%dma_wait3A_385, %dma_wait3A_386] : memref<20000x64xf32, #tpu.memory_space<hbm>> -> memref<20000x64xf32, #tpu.memory_space<hbm>>
      %dma_wait3A_388 = tpu.memref_slice %arg14[%dma_wait3A_377] : memref<5x!tpu.dma_semaphore, #tpu.memory_space<semaphore_mem>> -> memref<1x!tpu.dma_semaphore, #tpu.memory_space<semaphore_mem>>
      %dma_wait3A_389 = tpu.memref_squeeze %dma_wait3A_388 : memref<1x!tpu.dma_semaphore, #tpu.memory_space<semaphore_mem>> -> memref<!tpu.dma_semaphore, #tpu.memory_space<semaphore_mem>>
      tpu.wait_indirect_dma semaphore(%dma_wait3A_389 : memref<!tpu.dma_semaphore, #tpu.memory_space<semaphore_mem>>) src(%dma_wait3A_387 : memref<20000x64xf32, #tpu.memory_space<hbm>>) dst(%dma_wait3A_381 : memref<128x64xf32, #tpu.memory_space<vmem>>)
      %dma_start3A_390 = arith.constant 3 : i32
      %dma_start3A_391 = arith.constant 3 : i32
      %dma_start3A_392 = arith.constant 0 : i32
      %dma_start3A_393 = arith.constant 0 : i32
      %dma_start3A_394 = tpu.memref_slice %arg12[%dma_start3A_390, %dma_start3A_392, %dma_start3A_393] : memref<5x128x64xf32, #tpu.memory_space<vmem>> -> memref<1x128x64xf32, #tpu.memory_space<vmem>>
      %dma_start3A_395 = tpu.memref_squeeze %dma_start3A_394 : memref<1x128x64xf32, #tpu.memory_space<vmem>> -> memref<128x64xf32, #tpu.memory_space<vmem>>
      %dma_start3A_396 = arith.constant 0 : i32
      %dma_start3A_397 = tpu.memref_slice %arg11[%add3A_375, %dma_start3A_396] : memref<80x128xi32, #tpu.memory_space<vmem>> -> memref<1x128xi32, #tpu.memory_space<vmem>>
      %dma_start3A_398 = tpu.memref_squeeze %dma_start3A_397 : memref<1x128xi32, #tpu.memory_space<vmem>> -> memref<128xi32, #tpu.memory_space<vmem>>
      %dma_start3A_399 = arith.constant 0 : i32
      %dma_start3A_400 = arith.constant 0 : i32
      %dma_start3A_401 = tpu.memref_slice %arg13[%dma_start3A_399, %dma_start3A_400] : memref<10016x64xf32, #tpu.memory_space<vmem_shared>> -> memref<10016x64xf32, #tpu.memory_space<vmem_shared>>
      %dma_start3A_402 = tpu.memref_slice %arg15[%dma_start3A_391] : memref<5x!tpu.dma_semaphore, #tpu.memory_space<semaphore_mem>> -> memref<1x!tpu.dma_semaphore, #tpu.memory_space<semaphore_mem>>
      %dma_start3A_403 = tpu.memref_squeeze %dma_start3A_402 : memref<1x!tpu.dma_semaphore, #tpu.memory_space<semaphore_mem>> -> memref<!tpu.dma_semaphore, #tpu.memory_space<semaphore_mem>>
      tpu.enqueue_indirect_dma source(%dma_start3A_395 : memref<128x64xf32, #tpu.memory_space<vmem>>) target(%dma_start3A_401 : memref<10016x64xf32, #tpu.memory_space<vmem_shared>>) offsets(%dma_start3A_398 : memref<128xi32, #tpu.memory_space<vmem>>) semaphore(%dma_start3A_403 : memref<!tpu.dma_semaphore, #tpu.memory_space<semaphore_mem>>) {add = true}
      %ge3A_404 = arith.constant 5 : i32
      %ge3A_405 = arith.cmpi sge, %add3A_375, %ge3A_404 : i32
      %convert_element_type3A_406 = arith.extui %ge3A_405 : i1 to i32
      %cond3A_407 = arith.constant 0 : i32
      %cond3A_408 = arith.cmpi ne, %convert_element_type3A_406, %cond3A_407 : i32
      scf.if %cond3A_408 {
        %sub3A = arith.constant 5 : i32
        %sub3A_500 = arith.subi %add3A_375, %sub3A : i32
        %dma_wait3A_501 = arith.constant 3 : i32
        %dma_wait3A_502 = arith.constant 0 : i32
        %dma_wait3A_503 = tpu.memref_slice %arg11[%sub3A_500, %dma_wait3A_502] : memref<80x128xi32, #tpu.memory_space<vmem>> -> memref<1x128xi32, #tpu.memory_space<vmem>>
        %dma_wait3A_504 = tpu.memref_squeeze %dma_wait3A_503 : memref<1x128xi32, #tpu.memory_space<vmem>> -> memref<128xi32, #tpu.memory_space<vmem>>
        %dma_wait3A_505 = arith.constant 0 : i32
        %dma_wait3A_506 = arith.constant 0 : i32
        %dma_wait3A_507 = tpu.memref_slice %arg17[%dma_wait3A_505, %dma_wait3A_506] : memref<10016x16xf32, #tpu.memory_space<vmem_shared>> -> memref<10016x16xf32, #tpu.memory_space<vmem_shared>>
        %dma_wait3A_508 = tpu.memref_slice %arg18[%dma_wait3A_501] : memref<5x!tpu.dma_semaphore, #tpu.memory_space<semaphore_mem>> -> memref<1x!tpu.dma_semaphore, #tpu.memory_space<semaphore_mem>>
        %dma_wait3A_509 = tpu.memref_squeeze %dma_wait3A_508 : memref<1x!tpu.dma_semaphore, #tpu.memory_space<semaphore_mem>> -> memref<!tpu.dma_semaphore, #tpu.memory_space<semaphore_mem>>
        tpu.wait_indirect_dma semaphore(%dma_wait3A_509 : memref<!tpu.dma_semaphore, #tpu.memory_space<semaphore_mem>>) src(%arg16 : memref<128x16xf32, #tpu.memory_space<vmem>>) dst(%dma_wait3A_507 : memref<10016x16xf32, #tpu.memory_space<vmem_shared>>)
      } else {
      }
      %dma_start3A_409 = arith.constant 3 : i32
      %dma_start3A_410 = arith.constant 0 : i32
      %dma_start3A_411 = tpu.memref_slice %arg11[%add3A_375, %dma_start3A_410] : memref<80x128xi32, #tpu.memory_space<vmem>> -> memref<1x128xi32, #tpu.memory_space<vmem>>
      %dma_start3A_412 = tpu.memref_squeeze %dma_start3A_411 : memref<1x128xi32, #tpu.memory_space<vmem>> -> memref<128xi32, #tpu.memory_space<vmem>>
      %dma_start3A_413 = arith.constant 0 : i32
      %dma_start3A_414 = arith.constant 0 : i32
      %dma_start3A_415 = tpu.memref_slice %arg17[%dma_start3A_413, %dma_start3A_414] : memref<10016x16xf32, #tpu.memory_space<vmem_shared>> -> memref<10016x16xf32, #tpu.memory_space<vmem_shared>>
      %dma_start3A_416 = tpu.memref_slice %arg18[%dma_start3A_409] : memref<5x!tpu.dma_semaphore, #tpu.memory_space<semaphore_mem>> -> memref<1x!tpu.dma_semaphore, #tpu.memory_space<semaphore_mem>>
      %dma_start3A_417 = tpu.memref_squeeze %dma_start3A_416 : memref<1x!tpu.dma_semaphore, #tpu.memory_space<semaphore_mem>> -> memref<!tpu.dma_semaphore, #tpu.memory_space<semaphore_mem>>
      tpu.enqueue_indirect_dma source(%arg16 : memref<128x16xf32, #tpu.memory_space<vmem>>) target(%dma_start3A_415 : memref<10016x16xf32, #tpu.memory_space<vmem_shared>>) offsets(%dma_start3A_412 : memref<128xi32, #tpu.memory_space<vmem>>) semaphore(%dma_start3A_417 : memref<!tpu.dma_semaphore, #tpu.memory_space<semaphore_mem>>) {add = true}
      %add3A_418 = arith.constant 3 : i32
      %add3A_419 = arith.addi %add3A_375, %add3A_418 : i32
      %lt3A_420 = arith.constant 80 : i32
      %lt3A_421 = arith.cmpi slt, %add3A_419, %lt3A_420 : i32
      %add3A_422 = arith.constant 3 : i32
      %add3A_423 = arith.addi %add3A_375, %add3A_422 : i32
      %ge3A_424 = arith.constant 5 : i32
      %ge3A_425 = arith.cmpi sge, %add3A_423, %ge3A_424 : i32
      %and3A_426 = arith.andi %lt3A_421, %ge3A_425 : i1
      %convert_element_type3A_427 = arith.extui %and3A_426 : i1 to i32
      %cond3A_428 = arith.constant 0 : i32
      %cond3A_429 = arith.cmpi ne, %convert_element_type3A_427, %cond3A_428 : i32
      scf.if %cond3A_429 {
        %add3A_500 = arith.constant 3 : i32
        %add3A_501 = arith.addi %add3A_375, %add3A_500 : i32
        %sub3A = arith.constant 5 : i32
        %sub3A_502 = arith.subi %add3A_501, %sub3A : i32
        %dma_wait3A_503 = arith.constant 1 : i32
        %dma_wait3A_504 = arith.constant 1 : i32
        %dma_wait3A_505 = arith.constant 0 : i32
        %dma_wait3A_506 = arith.constant 0 : i32
        %dma_wait3A_507 = tpu.memref_slice %arg12[%dma_wait3A_503, %dma_wait3A_505, %dma_wait3A_506] : memref<5x128x64xf32, #tpu.memory_space<vmem>> -> memref<1x128x64xf32, #tpu.memory_space<vmem>>
        %dma_wait3A_508 = tpu.memref_squeeze %dma_wait3A_507 : memref<1x128x64xf32, #tpu.memory_space<vmem>> -> memref<128x64xf32, #tpu.memory_space<vmem>>
        %dma_wait3A_509 = arith.constant 0 : i32
        %dma_wait3A_510 = tpu.memref_slice %arg11[%sub3A_502, %dma_wait3A_509] : memref<80x128xi32, #tpu.memory_space<vmem>> -> memref<1x128xi32, #tpu.memory_space<vmem>>
        %dma_wait3A_511 = tpu.memref_squeeze %dma_wait3A_510 : memref<1x128xi32, #tpu.memory_space<vmem>> -> memref<128xi32, #tpu.memory_space<vmem>>
        %dma_wait3A_512 = arith.constant 0 : i32
        %dma_wait3A_513 = arith.constant 0 : i32
        %dma_wait3A_514 = tpu.memref_slice %arg13[%dma_wait3A_512, %dma_wait3A_513] : memref<10016x64xf32, #tpu.memory_space<vmem_shared>> -> memref<10016x64xf32, #tpu.memory_space<vmem_shared>>
        %dma_wait3A_515 = tpu.memref_slice %arg15[%dma_wait3A_504] : memref<5x!tpu.dma_semaphore, #tpu.memory_space<semaphore_mem>> -> memref<1x!tpu.dma_semaphore, #tpu.memory_space<semaphore_mem>>
        %dma_wait3A_516 = tpu.memref_squeeze %dma_wait3A_515 : memref<1x!tpu.dma_semaphore, #tpu.memory_space<semaphore_mem>> -> memref<!tpu.dma_semaphore, #tpu.memory_space<semaphore_mem>>
        tpu.wait_indirect_dma semaphore(%dma_wait3A_516 : memref<!tpu.dma_semaphore, #tpu.memory_space<semaphore_mem>>) src(%dma_wait3A_508 : memref<128x64xf32, #tpu.memory_space<vmem>>) dst(%dma_wait3A_514 : memref<10016x64xf32, #tpu.memory_space<vmem_shared>>)
      } else {
      }
      %add3A_430 = arith.constant 3 : i32
      %add3A_431 = arith.addi %add3A_375, %add3A_430 : i32
      %lt3A_432 = arith.constant 80 : i32
      %lt3A_433 = arith.cmpi slt, %add3A_431, %lt3A_432 : i32
      %convert_element_type3A_434 = arith.extui %lt3A_433 : i1 to i32
      %cond3A_435 = arith.constant 0 : i32
      %cond3A_436 = arith.cmpi ne, %convert_element_type3A_434, %cond3A_435 : i32
      scf.if %cond3A_436 {
        %add3A_500 = arith.constant 3 : i32
        %add3A_501 = arith.addi %add3A_375, %add3A_500 : i32
        %dma_start3A_502 = arith.constant 1 : i32
        %dma_start3A_503 = arith.constant 1 : i32
        %dma_start3A_504 = arith.constant 0 : i32
        %dma_start3A_505 = arith.constant 0 : i32
        %dma_start3A_506 = tpu.memref_slice %arg12[%dma_start3A_502, %dma_start3A_504, %dma_start3A_505] : memref<5x128x64xf32, #tpu.memory_space<vmem>> -> memref<1x128x64xf32, #tpu.memory_space<vmem>>
        %dma_start3A_507 = tpu.memref_squeeze %dma_start3A_506 : memref<1x128x64xf32, #tpu.memory_space<vmem>> -> memref<128x64xf32, #tpu.memory_space<vmem>>
        %dma_start3A_508 = arith.constant 0 : i32
        %dma_start3A_509 = tpu.memref_slice %arg10[%add3A_501, %dma_start3A_508] : memref<80x128xi32, #tpu.memory_space<vmem>> -> memref<1x128xi32, #tpu.memory_space<vmem>>
        %dma_start3A_510 = tpu.memref_squeeze %dma_start3A_509 : memref<1x128xi32, #tpu.memory_space<vmem>> -> memref<128xi32, #tpu.memory_space<vmem>>
        %dma_start3A_511 = arith.constant 0 : i32
        %dma_start3A_512 = arith.constant 0 : i32
        %dma_start3A_513 = tpu.memref_slice %arg2[%dma_start3A_511, %dma_start3A_512] : memref<20000x64xf32, #tpu.memory_space<hbm>> -> memref<20000x64xf32, #tpu.memory_space<hbm>>
        %dma_start3A_514 = tpu.memref_slice %arg14[%dma_start3A_503] : memref<5x!tpu.dma_semaphore, #tpu.memory_space<semaphore_mem>> -> memref<1x!tpu.dma_semaphore, #tpu.memory_space<semaphore_mem>>
        %dma_start3A_515 = tpu.memref_squeeze %dma_start3A_514 : memref<1x!tpu.dma_semaphore, #tpu.memory_space<semaphore_mem>> -> memref<!tpu.dma_semaphore, #tpu.memory_space<semaphore_mem>>
        tpu.enqueue_indirect_dma source(%dma_start3A_513 : memref<20000x64xf32, #tpu.memory_space<hbm>>) target(%dma_start3A_507 : memref<128x64xf32, #tpu.memory_space<vmem>>) offsets(%dma_start3A_510 : memref<128xi32, #tpu.memory_space<vmem>>) semaphore(%dma_start3A_515 : memref<!tpu.dma_semaphore, #tpu.memory_space<semaphore_mem>>)
      } else {
      }
      %add3A_437 = arith.constant 4 : i32
      %add3A_438 = arith.addi %add3A_187, %add3A_437 : i32
      %dma_wait3A_439 = arith.constant 4 : i32
      %dma_wait3A_440 = arith.constant 4 : i32
      %dma_wait3A_441 = arith.constant 0 : i32
      %dma_wait3A_442 = arith.constant 0 : i32
      %dma_wait3A_443 = tpu.memref_slice %arg12[%dma_wait3A_439, %dma_wait3A_441, %dma_wait3A_442] : memref<5x128x64xf32, #tpu.memory_space<vmem>> -> memref<1x128x64xf32, #tpu.memory_space<vmem>>
      %dma_wait3A_444 = tpu.memref_squeeze %dma_wait3A_443 : memref<1x128x64xf32, #tpu.memory_space<vmem>> -> memref<128x64xf32, #tpu.memory_space<vmem>>
      %dma_wait3A_445 = arith.constant 0 : i32
      %dma_wait3A_446 = tpu.memref_slice %arg10[%add3A_438, %dma_wait3A_445] : memref<80x128xi32, #tpu.memory_space<vmem>> -> memref<1x128xi32, #tpu.memory_space<vmem>>
      %dma_wait3A_447 = tpu.memref_squeeze %dma_wait3A_446 : memref<1x128xi32, #tpu.memory_space<vmem>> -> memref<128xi32, #tpu.memory_space<vmem>>
      %dma_wait3A_448 = arith.constant 0 : i32
      %dma_wait3A_449 = arith.constant 0 : i32
      %dma_wait3A_450 = tpu.memref_slice %arg2[%dma_wait3A_448, %dma_wait3A_449] : memref<20000x64xf32, #tpu.memory_space<hbm>> -> memref<20000x64xf32, #tpu.memory_space<hbm>>
      %dma_wait3A_451 = tpu.memref_slice %arg14[%dma_wait3A_440] : memref<5x!tpu.dma_semaphore, #tpu.memory_space<semaphore_mem>> -> memref<1x!tpu.dma_semaphore, #tpu.memory_space<semaphore_mem>>
      %dma_wait3A_452 = tpu.memref_squeeze %dma_wait3A_451 : memref<1x!tpu.dma_semaphore, #tpu.memory_space<semaphore_mem>> -> memref<!tpu.dma_semaphore, #tpu.memory_space<semaphore_mem>>
      tpu.wait_indirect_dma semaphore(%dma_wait3A_452 : memref<!tpu.dma_semaphore, #tpu.memory_space<semaphore_mem>>) src(%dma_wait3A_450 : memref<20000x64xf32, #tpu.memory_space<hbm>>) dst(%dma_wait3A_444 : memref<128x64xf32, #tpu.memory_space<vmem>>)
      %dma_start3A_453 = arith.constant 4 : i32
      %dma_start3A_454 = arith.constant 4 : i32
      %dma_start3A_455 = arith.constant 0 : i32
      %dma_start3A_456 = arith.constant 0 : i32
      %dma_start3A_457 = tpu.memref_slice %arg12[%dma_start3A_453, %dma_start3A_455, %dma_start3A_456] : memref<5x128x64xf32, #tpu.memory_space<vmem>> -> memref<1x128x64xf32, #tpu.memory_space<vmem>>
      %dma_start3A_458 = tpu.memref_squeeze %dma_start3A_457 : memref<1x128x64xf32, #tpu.memory_space<vmem>> -> memref<128x64xf32, #tpu.memory_space<vmem>>
      %dma_start3A_459 = arith.constant 0 : i32
      %dma_start3A_460 = tpu.memref_slice %arg11[%add3A_438, %dma_start3A_459] : memref<80x128xi32, #tpu.memory_space<vmem>> -> memref<1x128xi32, #tpu.memory_space<vmem>>
      %dma_start3A_461 = tpu.memref_squeeze %dma_start3A_460 : memref<1x128xi32, #tpu.memory_space<vmem>> -> memref<128xi32, #tpu.memory_space<vmem>>
      %dma_start3A_462 = arith.constant 0 : i32
      %dma_start3A_463 = arith.constant 0 : i32
      %dma_start3A_464 = tpu.memref_slice %arg13[%dma_start3A_462, %dma_start3A_463] : memref<10016x64xf32, #tpu.memory_space<vmem_shared>> -> memref<10016x64xf32, #tpu.memory_space<vmem_shared>>
      %dma_start3A_465 = tpu.memref_slice %arg15[%dma_start3A_454] : memref<5x!tpu.dma_semaphore, #tpu.memory_space<semaphore_mem>> -> memref<1x!tpu.dma_semaphore, #tpu.memory_space<semaphore_mem>>
      %dma_start3A_466 = tpu.memref_squeeze %dma_start3A_465 : memref<1x!tpu.dma_semaphore, #tpu.memory_space<semaphore_mem>> -> memref<!tpu.dma_semaphore, #tpu.memory_space<semaphore_mem>>
      tpu.enqueue_indirect_dma source(%dma_start3A_458 : memref<128x64xf32, #tpu.memory_space<vmem>>) target(%dma_start3A_464 : memref<10016x64xf32, #tpu.memory_space<vmem_shared>>) offsets(%dma_start3A_461 : memref<128xi32, #tpu.memory_space<vmem>>) semaphore(%dma_start3A_466 : memref<!tpu.dma_semaphore, #tpu.memory_space<semaphore_mem>>) {add = true}
      %ge3A_467 = arith.constant 5 : i32
      %ge3A_468 = arith.cmpi sge, %add3A_438, %ge3A_467 : i32
      %convert_element_type3A_469 = arith.extui %ge3A_468 : i1 to i32
      %cond3A_470 = arith.constant 0 : i32
      %cond3A_471 = arith.cmpi ne, %convert_element_type3A_469, %cond3A_470 : i32
      scf.if %cond3A_471 {
        %sub3A = arith.constant 5 : i32
        %sub3A_500 = arith.subi %add3A_438, %sub3A : i32
        %dma_wait3A_501 = arith.constant 4 : i32
        %dma_wait3A_502 = arith.constant 0 : i32
        %dma_wait3A_503 = tpu.memref_slice %arg11[%sub3A_500, %dma_wait3A_502] : memref<80x128xi32, #tpu.memory_space<vmem>> -> memref<1x128xi32, #tpu.memory_space<vmem>>
        %dma_wait3A_504 = tpu.memref_squeeze %dma_wait3A_503 : memref<1x128xi32, #tpu.memory_space<vmem>> -> memref<128xi32, #tpu.memory_space<vmem>>
        %dma_wait3A_505 = arith.constant 0 : i32
        %dma_wait3A_506 = arith.constant 0 : i32
        %dma_wait3A_507 = tpu.memref_slice %arg17[%dma_wait3A_505, %dma_wait3A_506] : memref<10016x16xf32, #tpu.memory_space<vmem_shared>> -> memref<10016x16xf32, #tpu.memory_space<vmem_shared>>
        %dma_wait3A_508 = tpu.memref_slice %arg18[%dma_wait3A_501] : memref<5x!tpu.dma_semaphore, #tpu.memory_space<semaphore_mem>> -> memref<1x!tpu.dma_semaphore, #tpu.memory_space<semaphore_mem>>
        %dma_wait3A_509 = tpu.memref_squeeze %dma_wait3A_508 : memref<1x!tpu.dma_semaphore, #tpu.memory_space<semaphore_mem>> -> memref<!tpu.dma_semaphore, #tpu.memory_space<semaphore_mem>>
        tpu.wait_indirect_dma semaphore(%dma_wait3A_509 : memref<!tpu.dma_semaphore, #tpu.memory_space<semaphore_mem>>) src(%arg16 : memref<128x16xf32, #tpu.memory_space<vmem>>) dst(%dma_wait3A_507 : memref<10016x16xf32, #tpu.memory_space<vmem_shared>>)
      } else {
      }
      %dma_start3A_472 = arith.constant 4 : i32
      %dma_start3A_473 = arith.constant 0 : i32
      %dma_start3A_474 = tpu.memref_slice %arg11[%add3A_438, %dma_start3A_473] : memref<80x128xi32, #tpu.memory_space<vmem>> -> memref<1x128xi32, #tpu.memory_space<vmem>>
      %dma_start3A_475 = tpu.memref_squeeze %dma_start3A_474 : memref<1x128xi32, #tpu.memory_space<vmem>> -> memref<128xi32, #tpu.memory_space<vmem>>
      %dma_start3A_476 = arith.constant 0 : i32
      %dma_start3A_477 = arith.constant 0 : i32
      %dma_start3A_478 = tpu.memref_slice %arg17[%dma_start3A_476, %dma_start3A_477] : memref<10016x16xf32, #tpu.memory_space<vmem_shared>> -> memref<10016x16xf32, #tpu.memory_space<vmem_shared>>
      %dma_start3A_479 = tpu.memref_slice %arg18[%dma_start3A_472] : memref<5x!tpu.dma_semaphore, #tpu.memory_space<semaphore_mem>> -> memref<1x!tpu.dma_semaphore, #tpu.memory_space<semaphore_mem>>
      %dma_start3A_480 = tpu.memref_squeeze %dma_start3A_479 : memref<1x!tpu.dma_semaphore, #tpu.memory_space<semaphore_mem>> -> memref<!tpu.dma_semaphore, #tpu.memory_space<semaphore_mem>>
      tpu.enqueue_indirect_dma source(%arg16 : memref<128x16xf32, #tpu.memory_space<vmem>>) target(%dma_start3A_478 : memref<10016x16xf32, #tpu.memory_space<vmem_shared>>) offsets(%dma_start3A_475 : memref<128xi32, #tpu.memory_space<vmem>>) semaphore(%dma_start3A_480 : memref<!tpu.dma_semaphore, #tpu.memory_space<semaphore_mem>>) {add = true}
      %add3A_481 = arith.constant 3 : i32
      %add3A_482 = arith.addi %add3A_438, %add3A_481 : i32
      %lt3A_483 = arith.constant 80 : i32
      %lt3A_484 = arith.cmpi slt, %add3A_482, %lt3A_483 : i32
      %add3A_485 = arith.constant 3 : i32
      %add3A_486 = arith.addi %add3A_438, %add3A_485 : i32
      %ge3A_487 = arith.constant 5 : i32
      %ge3A_488 = arith.cmpi sge, %add3A_486, %ge3A_487 : i32
      %and3A_489 = arith.andi %lt3A_484, %ge3A_488 : i1
      %convert_element_type3A_490 = arith.extui %and3A_489 : i1 to i32
      %cond3A_491 = arith.constant 0 : i32
      %cond3A_492 = arith.cmpi ne, %convert_element_type3A_490, %cond3A_491 : i32
      scf.if %cond3A_492 {
        %add3A_500 = arith.constant 3 : i32
        %add3A_501 = arith.addi %add3A_438, %add3A_500 : i32
        %sub3A = arith.constant 5 : i32
        %sub3A_502 = arith.subi %add3A_501, %sub3A : i32
        %dma_wait3A_503 = arith.constant 2 : i32
        %dma_wait3A_504 = arith.constant 2 : i32
        %dma_wait3A_505 = arith.constant 0 : i32
        %dma_wait3A_506 = arith.constant 0 : i32
        %dma_wait3A_507 = tpu.memref_slice %arg12[%dma_wait3A_503, %dma_wait3A_505, %dma_wait3A_506] : memref<5x128x64xf32, #tpu.memory_space<vmem>> -> memref<1x128x64xf32, #tpu.memory_space<vmem>>
        %dma_wait3A_508 = tpu.memref_squeeze %dma_wait3A_507 : memref<1x128x64xf32, #tpu.memory_space<vmem>> -> memref<128x64xf32, #tpu.memory_space<vmem>>
        %dma_wait3A_509 = arith.constant 0 : i32
        %dma_wait3A_510 = tpu.memref_slice %arg11[%sub3A_502, %dma_wait3A_509] : memref<80x128xi32, #tpu.memory_space<vmem>> -> memref<1x128xi32, #tpu.memory_space<vmem>>
        %dma_wait3A_511 = tpu.memref_squeeze %dma_wait3A_510 : memref<1x128xi32, #tpu.memory_space<vmem>> -> memref<128xi32, #tpu.memory_space<vmem>>
        %dma_wait3A_512 = arith.constant 0 : i32
        %dma_wait3A_513 = arith.constant 0 : i32
        %dma_wait3A_514 = tpu.memref_slice %arg13[%dma_wait3A_512, %dma_wait3A_513] : memref<10016x64xf32, #tpu.memory_space<vmem_shared>> -> memref<10016x64xf32, #tpu.memory_space<vmem_shared>>
        %dma_wait3A_515 = tpu.memref_slice %arg15[%dma_wait3A_504] : memref<5x!tpu.dma_semaphore, #tpu.memory_space<semaphore_mem>> -> memref<1x!tpu.dma_semaphore, #tpu.memory_space<semaphore_mem>>
        %dma_wait3A_516 = tpu.memref_squeeze %dma_wait3A_515 : memref<1x!tpu.dma_semaphore, #tpu.memory_space<semaphore_mem>> -> memref<!tpu.dma_semaphore, #tpu.memory_space<semaphore_mem>>
        tpu.wait_indirect_dma semaphore(%dma_wait3A_516 : memref<!tpu.dma_semaphore, #tpu.memory_space<semaphore_mem>>) src(%dma_wait3A_508 : memref<128x64xf32, #tpu.memory_space<vmem>>) dst(%dma_wait3A_514 : memref<10016x64xf32, #tpu.memory_space<vmem_shared>>)
      } else {
      }
      %add3A_493 = arith.constant 3 : i32
      %add3A_494 = arith.addi %add3A_438, %add3A_493 : i32
      %lt3A_495 = arith.constant 80 : i32
      %lt3A_496 = arith.cmpi slt, %add3A_494, %lt3A_495 : i32
      %convert_element_type3A_497 = arith.extui %lt3A_496 : i1 to i32
      %cond3A_498 = arith.constant 0 : i32
      %cond3A_499 = arith.cmpi ne, %convert_element_type3A_497, %cond3A_498 : i32
      scf.if %cond3A_499 {
        %add3A_500 = arith.constant 3 : i32
        %add3A_501 = arith.addi %add3A_438, %add3A_500 : i32
        %dma_start3A_502 = arith.constant 2 : i32
        %dma_start3A_503 = arith.constant 2 : i32
        %dma_start3A_504 = arith.constant 0 : i32
        %dma_start3A_505 = arith.constant 0 : i32
        %dma_start3A_506 = tpu.memref_slice %arg12[%dma_start3A_502, %dma_start3A_504, %dma_start3A_505] : memref<5x128x64xf32, #tpu.memory_space<vmem>> -> memref<1x128x64xf32, #tpu.memory_space<vmem>>
        %dma_start3A_507 = tpu.memref_squeeze %dma_start3A_506 : memref<1x128x64xf32, #tpu.memory_space<vmem>> -> memref<128x64xf32, #tpu.memory_space<vmem>>
        %dma_start3A_508 = arith.constant 0 : i32
        %dma_start3A_509 = tpu.memref_slice %arg10[%add3A_501, %dma_start3A_508] : memref<80x128xi32, #tpu.memory_space<vmem>> -> memref<1x128xi32, #tpu.memory_space<vmem>>
        %dma_start3A_510 = tpu.memref_squeeze %dma_start3A_509 : memref<1x128xi32, #tpu.memory_space<vmem>> -> memref<128xi32, #tpu.memory_space<vmem>>
        %dma_start3A_511 = arith.constant 0 : i32
        %dma_start3A_512 = arith.constant 0 : i32
        %dma_start3A_513 = tpu.memref_slice %arg2[%dma_start3A_511, %dma_start3A_512] : memref<20000x64xf32, #tpu.memory_space<hbm>> -> memref<20000x64xf32, #tpu.memory_space<hbm>>
        %dma_start3A_514 = tpu.memref_slice %arg14[%dma_start3A_503] : memref<5x!tpu.dma_semaphore, #tpu.memory_space<semaphore_mem>> -> memref<1x!tpu.dma_semaphore, #tpu.memory_space<semaphore_mem>>
        %dma_start3A_515 = tpu.memref_squeeze %dma_start3A_514 : memref<1x!tpu.dma_semaphore, #tpu.memory_space<semaphore_mem>> -> memref<!tpu.dma_semaphore, #tpu.memory_space<semaphore_mem>>
        tpu.enqueue_indirect_dma source(%dma_start3A_513 : memref<20000x64xf32, #tpu.memory_space<hbm>>) target(%dma_start3A_507 : memref<128x64xf32, #tpu.memory_space<vmem>>) offsets(%dma_start3A_510 : memref<128xi32, #tpu.memory_space<vmem>>) semaphore(%dma_start3A_515 : memref<!tpu.dma_semaphore, #tpu.memory_space<semaphore_mem>>)
      } else {
      }
    }
    %scan3A_52 = arith.constant 16 : i32
    %dma_wait3A = arith.constant 0 : i32
    %dma_wait3A_53 = arith.constant 75 : i32
    %dma_wait3A_54 = arith.constant 0 : i32
    %dma_wait3A_55 = arith.constant 0 : i32
    %dma_wait3A_56 = arith.constant 0 : i32
    %dma_wait3A_57 = tpu.memref_slice %arg12[%dma_wait3A, %dma_wait3A_55, %dma_wait3A_56] : memref<5x128x64xf32, #tpu.memory_space<vmem>> -> memref<1x128x64xf32, #tpu.memory_space<vmem>>
    %dma_wait3A_58 = tpu.memref_squeeze %dma_wait3A_57 : memref<1x128x64xf32, #tpu.memory_space<vmem>> -> memref<128x64xf32, #tpu.memory_space<vmem>>
    %dma_wait3A_59 = arith.constant 0 : i32
    %dma_wait3A_60 = tpu.memref_slice %arg11[%dma_wait3A_53, %dma_wait3A_59] : memref<80x128xi32, #tpu.memory_space<vmem>> -> memref<1x128xi32, #tpu.memory_space<vmem>>
    %dma_wait3A_61 = tpu.memref_squeeze %dma_wait3A_60 : memref<1x128xi32, #tpu.memory_space<vmem>> -> memref<128xi32, #tpu.memory_space<vmem>>
    %dma_wait3A_62 = arith.constant 0 : i32
    %dma_wait3A_63 = arith.constant 0 : i32
    %dma_wait3A_64 = tpu.memref_slice %arg13[%dma_wait3A_62, %dma_wait3A_63] : memref<10016x64xf32, #tpu.memory_space<vmem_shared>> -> memref<10016x64xf32, #tpu.memory_space<vmem_shared>>
    %dma_wait3A_65 = tpu.memref_slice %arg15[%dma_wait3A_54] : memref<5x!tpu.dma_semaphore, #tpu.memory_space<semaphore_mem>> -> memref<1x!tpu.dma_semaphore, #tpu.memory_space<semaphore_mem>>
    %dma_wait3A_66 = tpu.memref_squeeze %dma_wait3A_65 : memref<1x!tpu.dma_semaphore, #tpu.memory_space<semaphore_mem>> -> memref<!tpu.dma_semaphore, #tpu.memory_space<semaphore_mem>>
    tpu.wait_indirect_dma semaphore(%dma_wait3A_66 : memref<!tpu.dma_semaphore, #tpu.memory_space<semaphore_mem>>) src(%dma_wait3A_58 : memref<128x64xf32, #tpu.memory_space<vmem>>) dst(%dma_wait3A_64 : memref<10016x64xf32, #tpu.memory_space<vmem_shared>>)
    %dma_wait3A_67 = arith.constant 75 : i32
    %dma_wait3A_68 = arith.constant 0 : i32
    %dma_wait3A_69 = arith.constant 0 : i32
    %dma_wait3A_70 = tpu.memref_slice %arg11[%dma_wait3A_67, %dma_wait3A_69] : memref<80x128xi32, #tpu.memory_space<vmem>> -> memref<1x128xi32, #tpu.memory_space<vmem>>
    %dma_wait3A_71 = tpu.memref_squeeze %dma_wait3A_70 : memref<1x128xi32, #tpu.memory_space<vmem>> -> memref<128xi32, #tpu.memory_space<vmem>>
    %dma_wait3A_72 = arith.constant 0 : i32
    %dma_wait3A_73 = arith.constant 0 : i32
    %dma_wait3A_74 = tpu.memref_slice %arg17[%dma_wait3A_72, %dma_wait3A_73] : memref<10016x16xf32, #tpu.memory_space<vmem_shared>> -> memref<10016x16xf32, #tpu.memory_space<vmem_shared>>
    %dma_wait3A_75 = tpu.memref_slice %arg18[%dma_wait3A_68] : memref<5x!tpu.dma_semaphore, #tpu.memory_space<semaphore_mem>> -> memref<1x!tpu.dma_semaphore, #tpu.memory_space<semaphore_mem>>
    %dma_wait3A_76 = tpu.memref_squeeze %dma_wait3A_75 : memref<1x!tpu.dma_semaphore, #tpu.memory_space<semaphore_mem>> -> memref<!tpu.dma_semaphore, #tpu.memory_space<semaphore_mem>>
    tpu.wait_indirect_dma semaphore(%dma_wait3A_76 : memref<!tpu.dma_semaphore, #tpu.memory_space<semaphore_mem>>) src(%arg16 : memref<128x16xf32, #tpu.memory_space<vmem>>) dst(%dma_wait3A_74 : memref<10016x16xf32, #tpu.memory_space<vmem_shared>>)
    %dma_wait3A_77 = arith.constant 1 : i32
    %dma_wait3A_78 = arith.constant 76 : i32
    %dma_wait3A_79 = arith.constant 1 : i32
    %dma_wait3A_80 = arith.constant 0 : i32
    %dma_wait3A_81 = arith.constant 0 : i32
    %dma_wait3A_82 = tpu.memref_slice %arg12[%dma_wait3A_77, %dma_wait3A_80, %dma_wait3A_81] : memref<5x128x64xf32, #tpu.memory_space<vmem>> -> memref<1x128x64xf32, #tpu.memory_space<vmem>>
    %dma_wait3A_83 = tpu.memref_squeeze %dma_wait3A_82 : memref<1x128x64xf32, #tpu.memory_space<vmem>> -> memref<128x64xf32, #tpu.memory_space<vmem>>
    %dma_wait3A_84 = arith.constant 0 : i32
    %dma_wait3A_85 = tpu.memref_slice %arg11[%dma_wait3A_78, %dma_wait3A_84] : memref<80x128xi32, #tpu.memory_space<vmem>> -> memref<1x128xi32, #tpu.memory_space<vmem>>
    %dma_wait3A_86 = tpu.memref_squeeze %dma_wait3A_85 : memref<1x128xi32, #tpu.memory_space<vmem>> -> memref<128xi32, #tpu.memory_space<vmem>>
    %dma_wait3A_87 = arith.constant 0 : i32
    %dma_wait3A_88 = arith.constant 0 : i32
    %dma_wait3A_89 = tpu.memref_slice %arg13[%dma_wait3A_87, %dma_wait3A_88] : memref<10016x64xf32, #tpu.memory_space<vmem_shared>> -> memref<10016x64xf32, #tpu.memory_space<vmem_shared>>
    %dma_wait3A_90 = tpu.memref_slice %arg15[%dma_wait3A_79] : memref<5x!tpu.dma_semaphore, #tpu.memory_space<semaphore_mem>> -> memref<1x!tpu.dma_semaphore, #tpu.memory_space<semaphore_mem>>
    %dma_wait3A_91 = tpu.memref_squeeze %dma_wait3A_90 : memref<1x!tpu.dma_semaphore, #tpu.memory_space<semaphore_mem>> -> memref<!tpu.dma_semaphore, #tpu.memory_space<semaphore_mem>>
    tpu.wait_indirect_dma semaphore(%dma_wait3A_91 : memref<!tpu.dma_semaphore, #tpu.memory_space<semaphore_mem>>) src(%dma_wait3A_83 : memref<128x64xf32, #tpu.memory_space<vmem>>) dst(%dma_wait3A_89 : memref<10016x64xf32, #tpu.memory_space<vmem_shared>>)
    %dma_wait3A_92 = arith.constant 76 : i32
    %dma_wait3A_93 = arith.constant 1 : i32
    %dma_wait3A_94 = arith.constant 0 : i32
    %dma_wait3A_95 = tpu.memref_slice %arg11[%dma_wait3A_92, %dma_wait3A_94] : memref<80x128xi32, #tpu.memory_space<vmem>> -> memref<1x128xi32, #tpu.memory_space<vmem>>
    %dma_wait3A_96 = tpu.memref_squeeze %dma_wait3A_95 : memref<1x128xi32, #tpu.memory_space<vmem>> -> memref<128xi32, #tpu.memory_space<vmem>>
    %dma_wait3A_97 = arith.constant 0 : i32
    %dma_wait3A_98 = arith.constant 0 : i32
    %dma_wait3A_99 = tpu.memref_slice %arg17[%dma_wait3A_97, %dma_wait3A_98] : memref<10016x16xf32, #tpu.memory_space<vmem_shared>> -> memref<10016x16xf32, #tpu.memory_space<vmem_shared>>
    %dma_wait3A_100 = tpu.memref_slice %arg18[%dma_wait3A_93] : memref<5x!tpu.dma_semaphore, #tpu.memory_space<semaphore_mem>> -> memref<1x!tpu.dma_semaphore, #tpu.memory_space<semaphore_mem>>
    %dma_wait3A_101 = tpu.memref_squeeze %dma_wait3A_100 : memref<1x!tpu.dma_semaphore, #tpu.memory_space<semaphore_mem>> -> memref<!tpu.dma_semaphore, #tpu.memory_space<semaphore_mem>>
    tpu.wait_indirect_dma semaphore(%dma_wait3A_101 : memref<!tpu.dma_semaphore, #tpu.memory_space<semaphore_mem>>) src(%arg16 : memref<128x16xf32, #tpu.memory_space<vmem>>) dst(%dma_wait3A_99 : memref<10016x16xf32, #tpu.memory_space<vmem_shared>>)
    %dma_wait3A_102 = arith.constant 2 : i32
    %dma_wait3A_103 = arith.constant 77 : i32
    %dma_wait3A_104 = arith.constant 2 : i32
    %dma_wait3A_105 = arith.constant 0 : i32
    %dma_wait3A_106 = arith.constant 0 : i32
    %dma_wait3A_107 = tpu.memref_slice %arg12[%dma_wait3A_102, %dma_wait3A_105, %dma_wait3A_106] : memref<5x128x64xf32, #tpu.memory_space<vmem>> -> memref<1x128x64xf32, #tpu.memory_space<vmem>>
    %dma_wait3A_108 = tpu.memref_squeeze %dma_wait3A_107 : memref<1x128x64xf32, #tpu.memory_space<vmem>> -> memref<128x64xf32, #tpu.memory_space<vmem>>
    %dma_wait3A_109 = arith.constant 0 : i32
    %dma_wait3A_110 = tpu.memref_slice %arg11[%dma_wait3A_103, %dma_wait3A_109] : memref<80x128xi32, #tpu.memory_space<vmem>> -> memref<1x128xi32, #tpu.memory_space<vmem>>
    %dma_wait3A_111 = tpu.memref_squeeze %dma_wait3A_110 : memref<1x128xi32, #tpu.memory_space<vmem>> -> memref<128xi32, #tpu.memory_space<vmem>>
    %dma_wait3A_112 = arith.constant 0 : i32
    %dma_wait3A_113 = arith.constant 0 : i32
    %dma_wait3A_114 = tpu.memref_slice %arg13[%dma_wait3A_112, %dma_wait3A_113] : memref<10016x64xf32, #tpu.memory_space<vmem_shared>> -> memref<10016x64xf32, #tpu.memory_space<vmem_shared>>
    %dma_wait3A_115 = tpu.memref_slice %arg15[%dma_wait3A_104] : memref<5x!tpu.dma_semaphore, #tpu.memory_space<semaphore_mem>> -> memref<1x!tpu.dma_semaphore, #tpu.memory_space<semaphore_mem>>
    %dma_wait3A_116 = tpu.memref_squeeze %dma_wait3A_115 : memref<1x!tpu.dma_semaphore, #tpu.memory_space<semaphore_mem>> -> memref<!tpu.dma_semaphore, #tpu.memory_space<semaphore_mem>>
    tpu.wait_indirect_dma semaphore(%dma_wait3A_116 : memref<!tpu.dma_semaphore, #tpu.memory_space<semaphore_mem>>) src(%dma_wait3A_108 : memref<128x64xf32, #tpu.memory_space<vmem>>) dst(%dma_wait3A_114 : memref<10016x64xf32, #tpu.memory_space<vmem_shared>>)
    %dma_wait3A_117 = arith.constant 77 : i32
    %dma_wait3A_118 = arith.constant 2 : i32
    %dma_wait3A_119 = arith.constant 0 : i32
    %dma_wait3A_120 = tpu.memref_slice %arg11[%dma_wait3A_117, %dma_wait3A_119] : memref<80x128xi32, #tpu.memory_space<vmem>> -> memref<1x128xi32, #tpu.memory_space<vmem>>
    %dma_wait3A_121 = tpu.memref_squeeze %dma_wait3A_120 : memref<1x128xi32, #tpu.memory_space<vmem>> -> memref<128xi32, #tpu.memory_space<vmem>>
    %dma_wait3A_122 = arith.constant 0 : i32
    %dma_wait3A_123 = arith.constant 0 : i32
    %dma_wait3A_124 = tpu.memref_slice %arg17[%dma_wait3A_122, %dma_wait3A_123] : memref<10016x16xf32, #tpu.memory_space<vmem_shared>> -> memref<10016x16xf32, #tpu.memory_space<vmem_shared>>
    %dma_wait3A_125 = tpu.memref_slice %arg18[%dma_wait3A_118] : memref<5x!tpu.dma_semaphore, #tpu.memory_space<semaphore_mem>> -> memref<1x!tpu.dma_semaphore, #tpu.memory_space<semaphore_mem>>
    %dma_wait3A_126 = tpu.memref_squeeze %dma_wait3A_125 : memref<1x!tpu.dma_semaphore, #tpu.memory_space<semaphore_mem>> -> memref<!tpu.dma_semaphore, #tpu.memory_space<semaphore_mem>>
    tpu.wait_indirect_dma semaphore(%dma_wait3A_126 : memref<!tpu.dma_semaphore, #tpu.memory_space<semaphore_mem>>) src(%arg16 : memref<128x16xf32, #tpu.memory_space<vmem>>) dst(%dma_wait3A_124 : memref<10016x16xf32, #tpu.memory_space<vmem_shared>>)
    %dma_wait3A_127 = arith.constant 3 : i32
    %dma_wait3A_128 = arith.constant 78 : i32
    %dma_wait3A_129 = arith.constant 3 : i32
    %dma_wait3A_130 = arith.constant 0 : i32
    %dma_wait3A_131 = arith.constant 0 : i32
    %dma_wait3A_132 = tpu.memref_slice %arg12[%dma_wait3A_127, %dma_wait3A_130, %dma_wait3A_131] : memref<5x128x64xf32, #tpu.memory_space<vmem>> -> memref<1x128x64xf32, #tpu.memory_space<vmem>>
    %dma_wait3A_133 = tpu.memref_squeeze %dma_wait3A_132 : memref<1x128x64xf32, #tpu.memory_space<vmem>> -> memref<128x64xf32, #tpu.memory_space<vmem>>
    %dma_wait3A_134 = arith.constant 0 : i32
    %dma_wait3A_135 = tpu.memref_slice %arg11[%dma_wait3A_128, %dma_wait3A_134] : memref<80x128xi32, #tpu.memory_space<vmem>> -> memref<1x128xi32, #tpu.memory_space<vmem>>
    %dma_wait3A_136 = tpu.memref_squeeze %dma_wait3A_135 : memref<1x128xi32, #tpu.memory_space<vmem>> -> memref<128xi32, #tpu.memory_space<vmem>>
    %dma_wait3A_137 = arith.constant 0 : i32
    %dma_wait3A_138 = arith.constant 0 : i32
    %dma_wait3A_139 = tpu.memref_slice %arg13[%dma_wait3A_137, %dma_wait3A_138] : memref<10016x64xf32, #tpu.memory_space<vmem_shared>> -> memref<10016x64xf32, #tpu.memory_space<vmem_shared>>
    %dma_wait3A_140 = tpu.memref_slice %arg15[%dma_wait3A_129] : memref<5x!tpu.dma_semaphore, #tpu.memory_space<semaphore_mem>> -> memref<1x!tpu.dma_semaphore, #tpu.memory_space<semaphore_mem>>
    %dma_wait3A_141 = tpu.memref_squeeze %dma_wait3A_140 : memref<1x!tpu.dma_semaphore, #tpu.memory_space<semaphore_mem>> -> memref<!tpu.dma_semaphore, #tpu.memory_space<semaphore_mem>>
    tpu.wait_indirect_dma semaphore(%dma_wait3A_141 : memref<!tpu.dma_semaphore, #tpu.memory_space<semaphore_mem>>) src(%dma_wait3A_133 : memref<128x64xf32, #tpu.memory_space<vmem>>) dst(%dma_wait3A_139 : memref<10016x64xf32, #tpu.memory_space<vmem_shared>>)
    %dma_wait3A_142 = arith.constant 78 : i32
    %dma_wait3A_143 = arith.constant 3 : i32
    %dma_wait3A_144 = arith.constant 0 : i32
    %dma_wait3A_145 = tpu.memref_slice %arg11[%dma_wait3A_142, %dma_wait3A_144] : memref<80x128xi32, #tpu.memory_space<vmem>> -> memref<1x128xi32, #tpu.memory_space<vmem>>
    %dma_wait3A_146 = tpu.memref_squeeze %dma_wait3A_145 : memref<1x128xi32, #tpu.memory_space<vmem>> -> memref<128xi32, #tpu.memory_space<vmem>>
    %dma_wait3A_147 = arith.constant 0 : i32
    %dma_wait3A_148 = arith.constant 0 : i32
    %dma_wait3A_149 = tpu.memref_slice %arg17[%dma_wait3A_147, %dma_wait3A_148] : memref<10016x16xf32, #tpu.memory_space<vmem_shared>> -> memref<10016x16xf32, #tpu.memory_space<vmem_shared>>
    %dma_wait3A_150 = tpu.memref_slice %arg18[%dma_wait3A_143] : memref<5x!tpu.dma_semaphore, #tpu.memory_space<semaphore_mem>> -> memref<1x!tpu.dma_semaphore, #tpu.memory_space<semaphore_mem>>
    %dma_wait3A_151 = tpu.memref_squeeze %dma_wait3A_150 : memref<1x!tpu.dma_semaphore, #tpu.memory_space<semaphore_mem>> -> memref<!tpu.dma_semaphore, #tpu.memory_space<semaphore_mem>>
    tpu.wait_indirect_dma semaphore(%dma_wait3A_151 : memref<!tpu.dma_semaphore, #tpu.memory_space<semaphore_mem>>) src(%arg16 : memref<128x16xf32, #tpu.memory_space<vmem>>) dst(%dma_wait3A_149 : memref<10016x16xf32, #tpu.memory_space<vmem_shared>>)
    %dma_wait3A_152 = arith.constant 4 : i32
    %dma_wait3A_153 = arith.constant 79 : i32
    %dma_wait3A_154 = arith.constant 4 : i32
    %dma_wait3A_155 = arith.constant 0 : i32
    %dma_wait3A_156 = arith.constant 0 : i32
    %dma_wait3A_157 = tpu.memref_slice %arg12[%dma_wait3A_152, %dma_wait3A_155, %dma_wait3A_156] : memref<5x128x64xf32, #tpu.memory_space<vmem>> -> memref<1x128x64xf32, #tpu.memory_space<vmem>>
    %dma_wait3A_158 = tpu.memref_squeeze %dma_wait3A_157 : memref<1x128x64xf32, #tpu.memory_space<vmem>> -> memref<128x64xf32, #tpu.memory_space<vmem>>
    %dma_wait3A_159 = arith.constant 0 : i32
    %dma_wait3A_160 = tpu.memref_slice %arg11[%dma_wait3A_153, %dma_wait3A_159] : memref<80x128xi32, #tpu.memory_space<vmem>> -> memref<1x128xi32, #tpu.memory_space<vmem>>
    %dma_wait3A_161 = tpu.memref_squeeze %dma_wait3A_160 : memref<1x128xi32, #tpu.memory_space<vmem>> -> memref<128xi32, #tpu.memory_space<vmem>>
    %dma_wait3A_162 = arith.constant 0 : i32
    %dma_wait3A_163 = arith.constant 0 : i32
    %dma_wait3A_164 = tpu.memref_slice %arg13[%dma_wait3A_162, %dma_wait3A_163] : memref<10016x64xf32, #tpu.memory_space<vmem_shared>> -> memref<10016x64xf32, #tpu.memory_space<vmem_shared>>
    %dma_wait3A_165 = tpu.memref_slice %arg15[%dma_wait3A_154] : memref<5x!tpu.dma_semaphore, #tpu.memory_space<semaphore_mem>> -> memref<1x!tpu.dma_semaphore, #tpu.memory_space<semaphore_mem>>
    %dma_wait3A_166 = tpu.memref_squeeze %dma_wait3A_165 : memref<1x!tpu.dma_semaphore, #tpu.memory_space<semaphore_mem>> -> memref<!tpu.dma_semaphore, #tpu.memory_space<semaphore_mem>>
    tpu.wait_indirect_dma semaphore(%dma_wait3A_166 : memref<!tpu.dma_semaphore, #tpu.memory_space<semaphore_mem>>) src(%dma_wait3A_158 : memref<128x64xf32, #tpu.memory_space<vmem>>) dst(%dma_wait3A_164 : memref<10016x64xf32, #tpu.memory_space<vmem_shared>>)
    %dma_wait3A_167 = arith.constant 79 : i32
    %dma_wait3A_168 = arith.constant 4 : i32
    %dma_wait3A_169 = arith.constant 0 : i32
    %dma_wait3A_170 = tpu.memref_slice %arg11[%dma_wait3A_167, %dma_wait3A_169] : memref<80x128xi32, #tpu.memory_space<vmem>> -> memref<1x128xi32, #tpu.memory_space<vmem>>
    %dma_wait3A_171 = tpu.memref_squeeze %dma_wait3A_170 : memref<1x128xi32, #tpu.memory_space<vmem>> -> memref<128xi32, #tpu.memory_space<vmem>>
    %dma_wait3A_172 = arith.constant 0 : i32
    %dma_wait3A_173 = arith.constant 0 : i32
    %dma_wait3A_174 = tpu.memref_slice %arg17[%dma_wait3A_172, %dma_wait3A_173] : memref<10016x16xf32, #tpu.memory_space<vmem_shared>> -> memref<10016x16xf32, #tpu.memory_space<vmem_shared>>
    %dma_wait3A_175 = tpu.memref_slice %arg18[%dma_wait3A_168] : memref<5x!tpu.dma_semaphore, #tpu.memory_space<semaphore_mem>> -> memref<1x!tpu.dma_semaphore, #tpu.memory_space<semaphore_mem>>
    %dma_wait3A_176 = tpu.memref_squeeze %dma_wait3A_175 : memref<1x!tpu.dma_semaphore, #tpu.memory_space<semaphore_mem>> -> memref<!tpu.dma_semaphore, #tpu.memory_space<semaphore_mem>>
    tpu.wait_indirect_dma semaphore(%dma_wait3A_176 : memref<!tpu.dma_semaphore, #tpu.memory_space<semaphore_mem>>) src(%arg16 : memref<128x16xf32, #tpu.memory_space<vmem>>) dst(%dma_wait3A_174 : memref<10016x16xf32, #tpu.memory_space<vmem_shared>>)
    %barrier3A_177 = arith.constant 0 : index
    tpu.barrier barrier_id(%barrier3A_177)
    "tpu.region"() ({
      %run_scoped3A = tpu.sem_alloc : memref<!tpu.dma_semaphore, #tpu.memory_space<semaphore_mem>>
      %dma_start3A_183 = arith.constant 0 : i32
      %dma_start3A_184 = arith.constant 0 : i32
      %dma_start3A_185 = tpu.memref_slice %arg8[%arg0, %dma_start3A_183, %dma_start3A_184] : memref<2x10000x64xf32, #tpu.memory_space<hbm>> -> memref<1x10000x64xf32, #tpu.memory_space<hbm>>
      %dma_start3A_186 = tpu.memref_squeeze %dma_start3A_185 : memref<1x10000x64xf32, #tpu.memory_space<hbm>> -> memref<10000x64xf32, #tpu.memory_space<hbm>>
      %dma_start3A_187 = arith.constant 0 : i32
      %dma_start3A_188 = tpu.memref_slice %dma_start3A_186[%mul3A_2, %dma_start3A_187] : memref<10000x64xf32, #tpu.memory_space<hbm>> -> memref<624x64xf32, #tpu.memory_space<hbm>>
      %dma_start3A_189 = arith.constant 0 : i32
      %dma_start3A_190 = tpu.memref_slice %arg13[%mul3A_2, %dma_start3A_189] : memref<10016x64xf32, #tpu.memory_space<vmem_shared>> -> memref<624x64xf32, #tpu.memory_space<vmem_shared>>
      tpu.enqueue_dma source(%dma_start3A_190 : memref<624x64xf32, #tpu.memory_space<vmem_shared>>) target(%dma_start3A_188 : memref<624x64xf32, #tpu.memory_space<hbm>>) target_semaphore(%run_scoped3A : memref<!tpu.dma_semaphore, #tpu.memory_space<semaphore_mem>>)
      %dma_wait3A_191 = arith.constant 0 : i32
      %dma_wait3A_192 = arith.constant 0 : i32
      %dma_wait3A_193 = tpu.memref_slice %arg8[%arg0, %dma_wait3A_191, %dma_wait3A_192] : memref<2x10000x64xf32, #tpu.memory_space<hbm>> -> memref<1x10000x64xf32, #tpu.memory_space<hbm>>
      %dma_wait3A_194 = tpu.memref_squeeze %dma_wait3A_193 : memref<1x10000x64xf32, #tpu.memory_space<hbm>> -> memref<10000x64xf32, #tpu.memory_space<hbm>>
      %dma_wait3A_195 = arith.constant 0 : i32
      %dma_wait3A_196 = tpu.memref_slice %dma_wait3A_194[%mul3A_2, %dma_wait3A_195] : memref<10000x64xf32, #tpu.memory_space<hbm>> -> memref<624x64xf32, #tpu.memory_space<hbm>>
      %dma_wait3A_197 = arith.constant 0 : i32
      %dma_wait3A_198 = tpu.memref_slice %arg13[%mul3A_2, %dma_wait3A_197] : memref<10016x64xf32, #tpu.memory_space<vmem_shared>> -> memref<624x64xf32, #tpu.memory_space<vmem_shared>>
      tpu.wait_dma2 semaphore(%run_scoped3A : memref<!tpu.dma_semaphore, #tpu.memory_space<semaphore_mem>>) src(%dma_wait3A_198 : memref<624x64xf32, #tpu.memory_space<vmem_shared>>) dst(%dma_wait3A_196 : memref<624x64xf32, #tpu.memory_space<hbm>>)
      tpu.yield
    }) : () -> ()
    "tpu.region"() ({
      %run_scoped3A = tpu.sem_alloc : memref<!tpu.dma_semaphore, #tpu.memory_space<semaphore_mem>>
      %dma_start3A_183 = arith.constant 0 : i32
      %dma_start3A_184 = arith.constant 0 : i32
      %dma_start3A_185 = tpu.memref_slice %arg9[%arg0, %dma_start3A_183, %dma_start3A_184] : memref<2x10000x16xf32, #tpu.memory_space<hbm>> -> memref<1x10000x16xf32, #tpu.memory_space<hbm>>
      %dma_start3A_186 = tpu.memref_squeeze %dma_start3A_185 : memref<1x10000x16xf32, #tpu.memory_space<hbm>> -> memref<10000x16xf32, #tpu.memory_space<hbm>>
      %dma_start3A_187 = arith.constant 0 : i32
      %dma_start3A_188 = tpu.memref_slice %dma_start3A_186[%mul3A_2, %dma_start3A_187] : memref<10000x16xf32, #tpu.memory_space<hbm>> -> memref<624x16xf32, #tpu.memory_space<hbm>>
      %dma_start3A_189 = arith.constant 0 : i32
      %dma_start3A_190 = tpu.memref_slice %arg17[%mul3A_2, %dma_start3A_189] : memref<10016x16xf32, #tpu.memory_space<vmem_shared>> -> memref<624x16xf32, #tpu.memory_space<vmem_shared>>
      tpu.enqueue_dma source(%dma_start3A_190 : memref<624x16xf32, #tpu.memory_space<vmem_shared>>) target(%dma_start3A_188 : memref<624x16xf32, #tpu.memory_space<hbm>>) target_semaphore(%run_scoped3A : memref<!tpu.dma_semaphore, #tpu.memory_space<semaphore_mem>>)
      %dma_wait3A_191 = arith.constant 0 : i32
      %dma_wait3A_192 = arith.constant 0 : i32
      %dma_wait3A_193 = tpu.memref_slice %arg9[%arg0, %dma_wait3A_191, %dma_wait3A_192] : memref<2x10000x16xf32, #tpu.memory_space<hbm>> -> memref<1x10000x16xf32, #tpu.memory_space<hbm>>
      %dma_wait3A_194 = tpu.memref_squeeze %dma_wait3A_193 : memref<1x10000x16xf32, #tpu.memory_space<hbm>> -> memref<10000x16xf32, #tpu.memory_space<hbm>>
      %dma_wait3A_195 = arith.constant 0 : i32
      %dma_wait3A_196 = tpu.memref_slice %dma_wait3A_194[%mul3A_2, %dma_wait3A_195] : memref<10000x16xf32, #tpu.memory_space<hbm>> -> memref<624x16xf32, #tpu.memory_space<hbm>>
      %dma_wait3A_197 = arith.constant 0 : i32
      %dma_wait3A_198 = tpu.memref_slice %arg17[%mul3A_2, %dma_wait3A_197] : memref<10016x16xf32, #tpu.memory_space<vmem_shared>> -> memref<624x16xf32, #tpu.memory_space<vmem_shared>>
      tpu.wait_dma2 semaphore(%run_scoped3A : memref<!tpu.dma_semaphore, #tpu.memory_space<semaphore_mem>>) src(%dma_wait3A_198 : memref<624x16xf32, #tpu.memory_space<vmem_shared>>) dst(%dma_wait3A_196 : memref<624x16xf32, #tpu.memory_space<hbm>>)
      tpu.yield
    }) : () -> ()
    %eq3A_178 = arith.constant 15 : i32
    %eq3A_179 = arith.cmpi eq, %arg1, %eq3A_178 : i32
    %convert_element_type3A_180 = arith.extui %eq3A_179 : i1 to i32
    %cond3A_181 = arith.constant 0 : i32
    %cond3A_182 = arith.cmpi ne, %convert_element_type3A_180, %cond3A_181 : i32
    scf.if %cond3A_182 {
      "tpu.region"() ({
        %run_scoped3A = tpu.sem_alloc : memref<!tpu.dma_semaphore, #tpu.memory_space<semaphore_mem>>
        %dma_start3A_183 = arith.constant 0 : i32
        %dma_start3A_184 = arith.constant 0 : i32
        %dma_start3A_185 = tpu.memref_slice %arg8[%arg0, %dma_start3A_183, %dma_start3A_184] : memref<2x10000x64xf32, #tpu.memory_space<hbm>> -> memref<1x10000x64xf32, #tpu.memory_space<hbm>>
        %dma_start3A_186 = tpu.memref_squeeze %dma_start3A_185 : memref<1x10000x64xf32, #tpu.memory_space<hbm>> -> memref<10000x64xf32, #tpu.memory_space<hbm>>
        %dma_start3A_187 = arith.constant 9984 : i32
        %dma_start3A_188 = arith.constant 0 : i32
        %dma_start3A_189 = tpu.memref_slice %dma_start3A_186[%dma_start3A_187, %dma_start3A_188] : memref<10000x64xf32, #tpu.memory_space<hbm>> -> memref<16x64xf32, #tpu.memory_space<hbm>>
        %dma_start3A_190 = arith.constant 9984 : i32
        %dma_start3A_191 = arith.constant 0 : i32
        %dma_start3A_192 = tpu.memref_slice %arg13[%dma_start3A_190, %dma_start3A_191] : memref<10016x64xf32, #tpu.memory_space<vmem_shared>> -> memref<16x64xf32, #tpu.memory_space<vmem_shared>>
        tpu.enqueue_dma source(%dma_start3A_192 : memref<16x64xf32, #tpu.memory_space<vmem_shared>>) target(%dma_start3A_189 : memref<16x64xf32, #tpu.memory_space<hbm>>) target_semaphore(%run_scoped3A : memref<!tpu.dma_semaphore, #tpu.memory_space<semaphore_mem>>)
        %dma_wait3A_193 = arith.constant 0 : i32
        %dma_wait3A_194 = arith.constant 0 : i32
        %dma_wait3A_195 = tpu.memref_slice %arg8[%arg0, %dma_wait3A_193, %dma_wait3A_194] : memref<2x10000x64xf32, #tpu.memory_space<hbm>> -> memref<1x10000x64xf32, #tpu.memory_space<hbm>>
        %dma_wait3A_196 = tpu.memref_squeeze %dma_wait3A_195 : memref<1x10000x64xf32, #tpu.memory_space<hbm>> -> memref<10000x64xf32, #tpu.memory_space<hbm>>
        %dma_wait3A_197 = arith.constant 9984 : i32
        %dma_wait3A_198 = arith.constant 0 : i32
        %dma_wait3A_199 = tpu.memref_slice %dma_wait3A_196[%dma_wait3A_197, %dma_wait3A_198] : memref<10000x64xf32, #tpu.memory_space<hbm>> -> memref<16x64xf32, #tpu.memory_space<hbm>>
        %dma_wait3A_200 = arith.constant 9984 : i32
        %dma_wait3A_201 = arith.constant 0 : i32
        %dma_wait3A_202 = tpu.memref_slice %arg13[%dma_wait3A_200, %dma_wait3A_201] : memref<10016x64xf32, #tpu.memory_space<vmem_shared>> -> memref<16x64xf32, #tpu.memory_space<vmem_shared>>
        tpu.wait_dma2 semaphore(%run_scoped3A : memref<!tpu.dma_semaphore, #tpu.memory_space<semaphore_mem>>) src(%dma_wait3A_202 : memref<16x64xf32, #tpu.memory_space<vmem_shared>>) dst(%dma_wait3A_199 : memref<16x64xf32, #tpu.memory_space<hbm>>)
        tpu.yield
      }) : () -> ()
      "tpu.region"() ({
        %run_scoped3A = tpu.sem_alloc : memref<!tpu.dma_semaphore, #tpu.memory_space<semaphore_mem>>
        %dma_start3A_183 = arith.constant 0 : i32
        %dma_start3A_184 = arith.constant 0 : i32
        %dma_start3A_185 = tpu.memref_slice %arg9[%arg0, %dma_start3A_183, %dma_start3A_184] : memref<2x10000x16xf32, #tpu.memory_space<hbm>> -> memref<1x10000x16xf32, #tpu.memory_space<hbm>>
        %dma_start3A_186 = tpu.memref_squeeze %dma_start3A_185 : memref<1x10000x16xf32, #tpu.memory_space<hbm>> -> memref<10000x16xf32, #tpu.memory_space<hbm>>
        %dma_start3A_187 = arith.constant 9984 : i32
        %dma_start3A_188 = arith.constant 0 : i32
        %dma_start3A_189 = tpu.memref_slice %dma_start3A_186[%dma_start3A_187, %dma_start3A_188] : memref<10000x16xf32, #tpu.memory_space<hbm>> -> memref<16x16xf32, #tpu.memory_space<hbm>>
        %dma_start3A_190 = arith.constant 9984 : i32
        %dma_start3A_191 = arith.constant 0 : i32
        %dma_start3A_192 = tpu.memref_slice %arg17[%dma_start3A_190, %dma_start3A_191] : memref<10016x16xf32, #tpu.memory_space<vmem_shared>> -> memref<16x16xf32, #tpu.memory_space<vmem_shared>>
        tpu.enqueue_dma source(%dma_start3A_192 : memref<16x16xf32, #tpu.memory_space<vmem_shared>>) target(%dma_start3A_189 : memref<16x16xf32, #tpu.memory_space<hbm>>) target_semaphore(%run_scoped3A : memref<!tpu.dma_semaphore, #tpu.memory_space<semaphore_mem>>)
        %dma_wait3A_193 = arith.constant 0 : i32
        %dma_wait3A_194 = arith.constant 0 : i32
        %dma_wait3A_195 = tpu.memref_slice %arg9[%arg0, %dma_wait3A_193, %dma_wait3A_194] : memref<2x10000x16xf32, #tpu.memory_space<hbm>> -> memref<1x10000x16xf32, #tpu.memory_space<hbm>>
        %dma_wait3A_196 = tpu.memref_squeeze %dma_wait3A_195 : memref<1x10000x16xf32, #tpu.memory_space<hbm>> -> memref<10000x16xf32, #tpu.memory_space<hbm>>
        %dma_wait3A_197 = arith.constant 9984 : i32
        %dma_wait3A_198 = arith.constant 0 : i32
        %dma_wait3A_199 = tpu.memref_slice %dma_wait3A_196[%dma_wait3A_197, %dma_wait3A_198] : memref<10000x16xf32, #tpu.memory_space<hbm>> -> memref<16x16xf32, #tpu.memory_space<hbm>>
        %dma_wait3A_200 = arith.constant 9984 : i32
        %dma_wait3A_201 = arith.constant 0 : i32
        %dma_wait3A_202 = tpu.memref_slice %arg17[%dma_wait3A_200, %dma_wait3A_201] : memref<10016x16xf32, #tpu.memory_space<vmem_shared>> -> memref<16x16xf32, #tpu.memory_space<vmem_shared>>
        tpu.wait_dma2 semaphore(%run_scoped3A : memref<!tpu.dma_semaphore, #tpu.memory_space<semaphore_mem>>) src(%dma_wait3A_202 : memref<16x16xf32, #tpu.memory_space<vmem_shared>>) dst(%dma_wait3A_199 : memref<16x16xf32, #tpu.memory_space<hbm>>)
        tpu.yield
      }) : () -> ()
    } else {
    }
    return
  }
}

#map = affine_map<(d0, d1) -> (0, 0)>
#map1 = affine_map<(d0, d1) -> (0, 0, 0)>
module attributes {stable_mosaic.version = 14 : i64} {
  func.func @body(%arg0: i32, %arg1: i32, %arg2: memref<20000x64xf32, #tpu.memory_space<hbm>>, %arg3: memref<32x80x128xi32, #tpu.memory_space<hbm>>, %arg4: memref<32x80x128xi32, #tpu.memory_space<hbm>>, %arg5: memref<10016x64xf32, #tpu.memory_space<hbm>>, %arg6: memref<2x10000x64xf32, #tpu.memory_space<hbm>>, %arg7: memref<80x128xi32, #tpu.memory_space<vmem>>, %arg8: memref<80x128xi32, #tpu.memory_space<vmem>>, %arg9: memref<5x128x64xf32, #tpu.memory_space<vmem>>, %arg10: memref<10016x64xf32, #tpu.memory_space<vmem_shared>>, %arg11: memref<5x!tpu.dma_semaphore, #tpu.memory_space<semaphore_mem>>, %arg12: memref<5x!tpu.dma_semaphore, #tpu.memory_space<semaphore_mem>>) attributes {dimension_semantics = [#tpu.dimension_semantics<core_parallel>, #tpu.dimension_semantics<subcore_parallel>], iteration_bounds = array<i64: 2, 16>, scalar_prefetch = 0 : i64, scratch_operands = 6 : i64, tpu.core_type = #tpu.core_type<sc_vector_subcore>, window_params = [{transform_indices = #map}, {transform_indices = #map1}, {transform_indices = #map1}, {transform_indices = #map}, {transform_indices = #map1}]} {
    %mul3A = arith.constant 2 : i32
    %mul3A_0 = arith.muli %arg1, %mul3A : i32
    %add3A = arith.addi %mul3A_0, %arg0 : i32
    %mul3A_1 = arith.constant 624 : i32
    %mul3A_2 = arith.muli %arg1, %mul3A_1 : i32
    "tpu.region"() ({
      %run_scoped3A = tpu.sem_alloc : memref<!tpu.dma_semaphore, #tpu.memory_space<semaphore_mem>>
      %dma_start3A_133 = arith.constant 0 : i32
      %dma_start3A_134 = tpu.memref_slice %arg10[%mul3A_2, %dma_start3A_133] : memref<10016x64xf32, #tpu.memory_space<vmem_shared>> -> memref<624x64xf32, #tpu.memory_space<vmem_shared>>
      %dma_start3A_135 = arith.constant 0 : i32
      %dma_start3A_136 = tpu.memref_slice %arg5[%mul3A_2, %dma_start3A_135] : memref<10016x64xf32, #tpu.memory_space<hbm>> -> memref<624x64xf32, #tpu.memory_space<hbm>>
      tpu.enqueue_dma source(%dma_start3A_136 : memref<624x64xf32, #tpu.memory_space<hbm>>) target(%dma_start3A_134 : memref<624x64xf32, #tpu.memory_space<vmem_shared>>) target_semaphore(%run_scoped3A : memref<!tpu.dma_semaphore, #tpu.memory_space<semaphore_mem>>)
      %dma_wait3A_137 = arith.constant 0 : i32
      %dma_wait3A_138 = tpu.memref_slice %arg10[%mul3A_2, %dma_wait3A_137] : memref<10016x64xf32, #tpu.memory_space<vmem_shared>> -> memref<624x64xf32, #tpu.memory_space<vmem_shared>>
      %dma_wait3A_139 = arith.constant 0 : i32
      %dma_wait3A_140 = tpu.memref_slice %arg5[%mul3A_2, %dma_wait3A_139] : memref<10016x64xf32, #tpu.memory_space<hbm>> -> memref<624x64xf32, #tpu.memory_space<hbm>>
      tpu.wait_dma2 semaphore(%run_scoped3A : memref<!tpu.dma_semaphore, #tpu.memory_space<semaphore_mem>>) src(%dma_wait3A_140 : memref<624x64xf32, #tpu.memory_space<hbm>>) dst(%dma_wait3A_138 : memref<624x64xf32, #tpu.memory_space<vmem_shared>>)
      tpu.yield
    }) : () -> ()
    %eq3A = arith.constant 15 : i32
    %eq3A_3 = arith.cmpi eq, %arg1, %eq3A : i32
    %convert_element_type3A = arith.extui %eq3A_3 : i1 to i32
    %cond3A = arith.constant 0 : i32
    %cond3A_4 = arith.cmpi ne, %convert_element_type3A, %cond3A : i32
    scf.if %cond3A_4 {
      "tpu.region"() ({
        %run_scoped3A = tpu.sem_alloc : memref<!tpu.dma_semaphore, #tpu.memory_space<semaphore_mem>>
        %dma_start3A_133 = arith.constant 9984 : i32
        %dma_start3A_134 = arith.constant 0 : i32
        %dma_start3A_135 = tpu.memref_slice %arg10[%dma_start3A_133, %dma_start3A_134] : memref<10016x64xf32, #tpu.memory_space<vmem_shared>> -> memref<32x64xf32, #tpu.memory_space<vmem_shared>>
        %dma_start3A_136 = arith.constant 9984 : i32
        %dma_start3A_137 = arith.constant 0 : i32
        %dma_start3A_138 = tpu.memref_slice %arg5[%dma_start3A_136, %dma_start3A_137] : memref<10016x64xf32, #tpu.memory_space<hbm>> -> memref<32x64xf32, #tpu.memory_space<hbm>>
        tpu.enqueue_dma source(%dma_start3A_138 : memref<32x64xf32, #tpu.memory_space<hbm>>) target(%dma_start3A_135 : memref<32x64xf32, #tpu.memory_space<vmem_shared>>) target_semaphore(%run_scoped3A : memref<!tpu.dma_semaphore, #tpu.memory_space<semaphore_mem>>)
        %dma_wait3A_139 = arith.constant 9984 : i32
        %dma_wait3A_140 = arith.constant 0 : i32
        %dma_wait3A_141 = tpu.memref_slice %arg10[%dma_wait3A_139, %dma_wait3A_140] : memref<10016x64xf32, #tpu.memory_space<vmem_shared>> -> memref<32x64xf32, #tpu.memory_space<vmem_shared>>
        %dma_wait3A_142 = arith.constant 9984 : i32
        %dma_wait3A_143 = arith.constant 0 : i32
        %dma_wait3A_144 = tpu.memref_slice %arg5[%dma_wait3A_142, %dma_wait3A_143] : memref<10016x64xf32, #tpu.memory_space<hbm>> -> memref<32x64xf32, #tpu.memory_space<hbm>>
        tpu.wait_dma2 semaphore(%run_scoped3A : memref<!tpu.dma_semaphore, #tpu.memory_space<semaphore_mem>>) src(%dma_wait3A_144 : memref<32x64xf32, #tpu.memory_space<hbm>>) dst(%dma_wait3A_141 : memref<32x64xf32, #tpu.memory_space<vmem_shared>>)
        tpu.yield
      }) : () -> ()
    } else {
    }
    "tpu.region"() ({
      %run_scoped3A = tpu.sem_alloc : memref<!tpu.dma_semaphore, #tpu.memory_space<semaphore_mem>>
      %dma_start3A_133 = arith.constant 0 : i32
      %dma_start3A_134 = arith.constant 0 : i32
      %dma_start3A_135 = tpu.memref_slice %arg3[%add3A, %dma_start3A_133, %dma_start3A_134] : memref<32x80x128xi32, #tpu.memory_space<hbm>> -> memref<1x80x128xi32, #tpu.memory_space<hbm>>
      %dma_start3A_136 = tpu.memref_squeeze %dma_start3A_135 : memref<1x80x128xi32, #tpu.memory_space<hbm>> -> memref<80x128xi32, #tpu.memory_space<hbm>>
      %dma_start3A_137 = arith.constant 0 : i32
      %dma_start3A_138 = arith.constant 0 : i32
      %dma_start3A_139 = tpu.memref_slice %arg3[%add3A, %dma_start3A_137, %dma_start3A_138] : memref<32x80x128xi32, #tpu.memory_space<hbm>> -> memref<1x80x128xi32, #tpu.memory_space<hbm>>
      %dma_start3A_140 = tpu.memref_squeeze %dma_start3A_139 : memref<1x80x128xi32, #tpu.memory_space<hbm>> -> memref<80x128xi32, #tpu.memory_space<hbm>>
      tpu.enqueue_dma source(%dma_start3A_140 : memref<80x128xi32, #tpu.memory_space<hbm>>) target(%arg7 : memref<80x128xi32, #tpu.memory_space<vmem>>) target_semaphore(%run_scoped3A : memref<!tpu.dma_semaphore, #tpu.memory_space<semaphore_mem>>)
      %dma_wait3A_141 = arith.constant 0 : i32
      %dma_wait3A_142 = arith.constant 0 : i32
      %dma_wait3A_143 = tpu.memref_slice %arg3[%add3A, %dma_wait3A_141, %dma_wait3A_142] : memref<32x80x128xi32, #tpu.memory_space<hbm>> -> memref<1x80x128xi32, #tpu.memory_space<hbm>>
      %dma_wait3A_144 = tpu.memref_squeeze %dma_wait3A_143 : memref<1x80x128xi32, #tpu.memory_space<hbm>> -> memref<80x128xi32, #tpu.memory_space<hbm>>
      %dma_wait3A_145 = arith.constant 0 : i32
      %dma_wait3A_146 = arith.constant 0 : i32
      %dma_wait3A_147 = tpu.memref_slice %arg3[%add3A, %dma_wait3A_145, %dma_wait3A_146] : memref<32x80x128xi32, #tpu.memory_space<hbm>> -> memref<1x80x128xi32, #tpu.memory_space<hbm>>
      %dma_wait3A_148 = tpu.memref_squeeze %dma_wait3A_147 : memref<1x80x128xi32, #tpu.memory_space<hbm>> -> memref<80x128xi32, #tpu.memory_space<hbm>>
      tpu.wait_dma2 semaphore(%run_scoped3A : memref<!tpu.dma_semaphore, #tpu.memory_space<semaphore_mem>>) src(%dma_wait3A_148 : memref<80x128xi32, #tpu.memory_space<hbm>>) dst(%arg7 : memref<80x128xi32, #tpu.memory_space<vmem>>)
      tpu.yield
    }) : () -> ()
    "tpu.region"() ({
      %run_scoped3A = tpu.sem_alloc : memref<!tpu.dma_semaphore, #tpu.memory_space<semaphore_mem>>
      %dma_start3A_133 = arith.constant 0 : i32
      %dma_start3A_134 = arith.constant 0 : i32
      %dma_start3A_135 = tpu.memref_slice %arg4[%add3A, %dma_start3A_133, %dma_start3A_134] : memref<32x80x128xi32, #tpu.memory_space<hbm>> -> memref<1x80x128xi32, #tpu.memory_space<hbm>>
      %dma_start3A_136 = tpu.memref_squeeze %dma_start3A_135 : memref<1x80x128xi32, #tpu.memory_space<hbm>> -> memref<80x128xi32, #tpu.memory_space<hbm>>
      %dma_start3A_137 = arith.constant 0 : i32
      %dma_start3A_138 = arith.constant 0 : i32
      %dma_start3A_139 = tpu.memref_slice %arg4[%add3A, %dma_start3A_137, %dma_start3A_138] : memref<32x80x128xi32, #tpu.memory_space<hbm>> -> memref<1x80x128xi32, #tpu.memory_space<hbm>>
      %dma_start3A_140 = tpu.memref_squeeze %dma_start3A_139 : memref<1x80x128xi32, #tpu.memory_space<hbm>> -> memref<80x128xi32, #tpu.memory_space<hbm>>
      tpu.enqueue_dma source(%dma_start3A_140 : memref<80x128xi32, #tpu.memory_space<hbm>>) target(%arg8 : memref<80x128xi32, #tpu.memory_space<vmem>>) target_semaphore(%run_scoped3A : memref<!tpu.dma_semaphore, #tpu.memory_space<semaphore_mem>>)
      %dma_wait3A_141 = arith.constant 0 : i32
      %dma_wait3A_142 = arith.constant 0 : i32
      %dma_wait3A_143 = tpu.memref_slice %arg4[%add3A, %dma_wait3A_141, %dma_wait3A_142] : memref<32x80x128xi32, #tpu.memory_space<hbm>> -> memref<1x80x128xi32, #tpu.memory_space<hbm>>
      %dma_wait3A_144 = tpu.memref_squeeze %dma_wait3A_143 : memref<1x80x128xi32, #tpu.memory_space<hbm>> -> memref<80x128xi32, #tpu.memory_space<hbm>>
      %dma_wait3A_145 = arith.constant 0 : i32
      %dma_wait3A_146 = arith.constant 0 : i32
      %dma_wait3A_147 = tpu.memref_slice %arg4[%add3A, %dma_wait3A_145, %dma_wait3A_146] : memref<32x80x128xi32, #tpu.memory_space<hbm>> -> memref<1x80x128xi32, #tpu.memory_space<hbm>>
      %dma_wait3A_148 = tpu.memref_squeeze %dma_wait3A_147 : memref<1x80x128xi32, #tpu.memory_space<hbm>> -> memref<80x128xi32, #tpu.memory_space<hbm>>
      tpu.wait_dma2 semaphore(%run_scoped3A : memref<!tpu.dma_semaphore, #tpu.memory_space<semaphore_mem>>) src(%dma_wait3A_148 : memref<80x128xi32, #tpu.memory_space<hbm>>) dst(%arg8 : memref<80x128xi32, #tpu.memory_space<vmem>>)
      tpu.yield
    }) : () -> ()
    %barrier3A = arith.constant 0 : index
    tpu.barrier barrier_id(%barrier3A)
    %dma_start3A = arith.constant 0 : i32
    %dma_start3A_5 = arith.constant 0 : i32
    %dma_start3A_6 = arith.constant 0 : i32
    %dma_start3A_7 = arith.constant 0 : i32
    %dma_start3A_8 = arith.constant 0 : i32
    %dma_start3A_9 = tpu.memref_slice %arg9[%dma_start3A_5, %dma_start3A_7, %dma_start3A_8] : memref<5x128x64xf32, #tpu.memory_space<vmem>> -> memref<1x128x64xf32, #tpu.memory_space<vmem>>
    %dma_start3A_10 = tpu.memref_squeeze %dma_start3A_9 : memref<1x128x64xf32, #tpu.memory_space<vmem>> -> memref<128x64xf32, #tpu.memory_space<vmem>>
    %dma_start3A_11 = arith.constant 0 : i32
    %dma_start3A_12 = tpu.memref_slice %arg7[%dma_start3A, %dma_start3A_11] : memref<80x128xi32, #tpu.memory_space<vmem>> -> memref<1x128xi32, #tpu.memory_space<vmem>>
    %dma_start3A_13 = tpu.memref_squeeze %dma_start3A_12 : memref<1x128xi32, #tpu.memory_space<vmem>> -> memref<128xi32, #tpu.memory_space<vmem>>
    %dma_start3A_14 = arith.constant 0 : i32
    %dma_start3A_15 = arith.constant 0 : i32
    %dma_start3A_16 = tpu.memref_slice %arg2[%dma_start3A_14, %dma_start3A_15] : memref<20000x64xf32, #tpu.memory_space<hbm>> -> memref<20000x64xf32, #tpu.memory_space<hbm>>
    %dma_start3A_17 = tpu.memref_slice %arg11[%dma_start3A_6] : memref<5x!tpu.dma_semaphore, #tpu.memory_space<semaphore_mem>> -> memref<1x!tpu.dma_semaphore, #tpu.memory_space<semaphore_mem>>
    %dma_start3A_18 = tpu.memref_squeeze %dma_start3A_17 : memref<1x!tpu.dma_semaphore, #tpu.memory_space<semaphore_mem>> -> memref<!tpu.dma_semaphore, #tpu.memory_space<semaphore_mem>>
    tpu.enqueue_indirect_dma source(%dma_start3A_16 : memref<20000x64xf32, #tpu.memory_space<hbm>>) target(%dma_start3A_10 : memref<128x64xf32, #tpu.memory_space<vmem>>) offsets(%dma_start3A_13 : memref<128xi32, #tpu.memory_space<vmem>>) semaphore(%dma_start3A_18 : memref<!tpu.dma_semaphore, #tpu.memory_space<semaphore_mem>>)
    %dma_start3A_19 = arith.constant 1 : i32
    %dma_start3A_20 = arith.constant 1 : i32
    %dma_start3A_21 = arith.constant 1 : i32
    %dma_start3A_22 = arith.constant 0 : i32
    %dma_start3A_23 = arith.constant 0 : i32
    %dma_start3A_24 = tpu.memref_slice %arg9[%dma_start3A_20, %dma_start3A_22, %dma_start3A_23] : memref<5x128x64xf32, #tpu.memory_space<vmem>> -> memref<1x128x64xf32, #tpu.memory_space<vmem>>
    %dma_start3A_25 = tpu.memref_squeeze %dma_start3A_24 : memref<1x128x64xf32, #tpu.memory_space<vmem>> -> memref<128x64xf32, #tpu.memory_space<vmem>>
    %dma_start3A_26 = arith.constant 0 : i32
    %dma_start3A_27 = tpu.memref_slice %arg7[%dma_start3A_19, %dma_start3A_26] : memref<80x128xi32, #tpu.memory_space<vmem>> -> memref<1x128xi32, #tpu.memory_space<vmem>>
    %dma_start3A_28 = tpu.memref_squeeze %dma_start3A_27 : memref<1x128xi32, #tpu.memory_space<vmem>> -> memref<128xi32, #tpu.memory_space<vmem>>
    %dma_start3A_29 = arith.constant 0 : i32
    %dma_start3A_30 = arith.constant 0 : i32
    %dma_start3A_31 = tpu.memref_slice %arg2[%dma_start3A_29, %dma_start3A_30] : memref<20000x64xf32, #tpu.memory_space<hbm>> -> memref<20000x64xf32, #tpu.memory_space<hbm>>
    %dma_start3A_32 = tpu.memref_slice %arg11[%dma_start3A_21] : memref<5x!tpu.dma_semaphore, #tpu.memory_space<semaphore_mem>> -> memref<1x!tpu.dma_semaphore, #tpu.memory_space<semaphore_mem>>
    %dma_start3A_33 = tpu.memref_squeeze %dma_start3A_32 : memref<1x!tpu.dma_semaphore, #tpu.memory_space<semaphore_mem>> -> memref<!tpu.dma_semaphore, #tpu.memory_space<semaphore_mem>>
    tpu.enqueue_indirect_dma source(%dma_start3A_31 : memref<20000x64xf32, #tpu.memory_space<hbm>>) target(%dma_start3A_25 : memref<128x64xf32, #tpu.memory_space<vmem>>) offsets(%dma_start3A_28 : memref<128xi32, #tpu.memory_space<vmem>>) semaphore(%dma_start3A_33 : memref<!tpu.dma_semaphore, #tpu.memory_space<semaphore_mem>>)
    %dma_start3A_34 = arith.constant 2 : i32
    %dma_start3A_35 = arith.constant 2 : i32
    %dma_start3A_36 = arith.constant 2 : i32
    %dma_start3A_37 = arith.constant 0 : i32
    %dma_start3A_38 = arith.constant 0 : i32
    %dma_start3A_39 = tpu.memref_slice %arg9[%dma_start3A_35, %dma_start3A_37, %dma_start3A_38] : memref<5x128x64xf32, #tpu.memory_space<vmem>> -> memref<1x128x64xf32, #tpu.memory_space<vmem>>
    %dma_start3A_40 = tpu.memref_squeeze %dma_start3A_39 : memref<1x128x64xf32, #tpu.memory_space<vmem>> -> memref<128x64xf32, #tpu.memory_space<vmem>>
    %dma_start3A_41 = arith.constant 0 : i32
    %dma_start3A_42 = tpu.memref_slice %arg7[%dma_start3A_34, %dma_start3A_41] : memref<80x128xi32, #tpu.memory_space<vmem>> -> memref<1x128xi32, #tpu.memory_space<vmem>>
    %dma_start3A_43 = tpu.memref_squeeze %dma_start3A_42 : memref<1x128xi32, #tpu.memory_space<vmem>> -> memref<128xi32, #tpu.memory_space<vmem>>
    %dma_start3A_44 = arith.constant 0 : i32
    %dma_start3A_45 = arith.constant 0 : i32
    %dma_start3A_46 = tpu.memref_slice %arg2[%dma_start3A_44, %dma_start3A_45] : memref<20000x64xf32, #tpu.memory_space<hbm>> -> memref<20000x64xf32, #tpu.memory_space<hbm>>
    %dma_start3A_47 = tpu.memref_slice %arg11[%dma_start3A_36] : memref<5x!tpu.dma_semaphore, #tpu.memory_space<semaphore_mem>> -> memref<1x!tpu.dma_semaphore, #tpu.memory_space<semaphore_mem>>
    %dma_start3A_48 = tpu.memref_squeeze %dma_start3A_47 : memref<1x!tpu.dma_semaphore, #tpu.memory_space<semaphore_mem>> -> memref<!tpu.dma_semaphore, #tpu.memory_space<semaphore_mem>>
    tpu.enqueue_indirect_dma source(%dma_start3A_46 : memref<20000x64xf32, #tpu.memory_space<hbm>>) target(%dma_start3A_40 : memref<128x64xf32, #tpu.memory_space<vmem>>) offsets(%dma_start3A_43 : memref<128xi32, #tpu.memory_space<vmem>>) semaphore(%dma_start3A_48 : memref<!tpu.dma_semaphore, #tpu.memory_space<semaphore_mem>>)
    %scan3A = arith.constant 0 : i32
    %scan3A_49 = arith.constant 16 : i32
    %scan3A_50 = arith.addi %scan3A, %scan3A_49 : i32
    %scan3A_51 = arith.constant 1 : i32
    scf.for %scan3A_133 = %scan3A to %scan3A_50 step %scan3A_51  : i32 {
      %mul3A_134 = arith.constant 5 : i32
      %mul3A_135 = arith.muli %scan3A_133, %mul3A_134 : i32
      %add3A_136 = arith.constant 0 : i32
      %add3A_137 = arith.addi %add3A_136, %mul3A_135 : i32
      %add3A_138 = arith.constant 0 : i32
      %add3A_139 = arith.addi %add3A_137, %add3A_138 : i32
      %dma_wait3A_140 = arith.constant 0 : i32
      %dma_wait3A_141 = arith.constant 0 : i32
      %dma_wait3A_142 = arith.constant 0 : i32
      %dma_wait3A_143 = arith.constant 0 : i32
      %dma_wait3A_144 = tpu.memref_slice %arg9[%dma_wait3A_140, %dma_wait3A_142, %dma_wait3A_143] : memref<5x128x64xf32, #tpu.memory_space<vmem>> -> memref<1x128x64xf32, #tpu.memory_space<vmem>>
      %dma_wait3A_145 = tpu.memref_squeeze %dma_wait3A_144 : memref<1x128x64xf32, #tpu.memory_space<vmem>> -> memref<128x64xf32, #tpu.memory_space<vmem>>
      %dma_wait3A_146 = arith.constant 0 : i32
      %dma_wait3A_147 = tpu.memref_slice %arg7[%add3A_139, %dma_wait3A_146] : memref<80x128xi32, #tpu.memory_space<vmem>> -> memref<1x128xi32, #tpu.memory_space<vmem>>
      %dma_wait3A_148 = tpu.memref_squeeze %dma_wait3A_147 : memref<1x128xi32, #tpu.memory_space<vmem>> -> memref<128xi32, #tpu.memory_space<vmem>>
      %dma_wait3A_149 = arith.constant 0 : i32
      %dma_wait3A_150 = arith.constant 0 : i32
      %dma_wait3A_151 = tpu.memref_slice %arg2[%dma_wait3A_149, %dma_wait3A_150] : memref<20000x64xf32, #tpu.memory_space<hbm>> -> memref<20000x64xf32, #tpu.memory_space<hbm>>
      %dma_wait3A_152 = tpu.memref_slice %arg11[%dma_wait3A_141] : memref<5x!tpu.dma_semaphore, #tpu.memory_space<semaphore_mem>> -> memref<1x!tpu.dma_semaphore, #tpu.memory_space<semaphore_mem>>
      %dma_wait3A_153 = tpu.memref_squeeze %dma_wait3A_152 : memref<1x!tpu.dma_semaphore, #tpu.memory_space<semaphore_mem>> -> memref<!tpu.dma_semaphore, #tpu.memory_space<semaphore_mem>>
      tpu.wait_indirect_dma semaphore(%dma_wait3A_153 : memref<!tpu.dma_semaphore, #tpu.memory_space<semaphore_mem>>) src(%dma_wait3A_151 : memref<20000x64xf32, #tpu.memory_space<hbm>>) dst(%dma_wait3A_145 : memref<128x64xf32, #tpu.memory_space<vmem>>)
      %dma_start3A_154 = arith.constant 0 : i32
      %dma_start3A_155 = arith.constant 0 : i32
      %dma_start3A_156 = arith.constant 0 : i32
      %dma_start3A_157 = arith.constant 0 : i32
      %dma_start3A_158 = tpu.memref_slice %arg9[%dma_start3A_154, %dma_start3A_156, %dma_start3A_157] : memref<5x128x64xf32, #tpu.memory_space<vmem>> -> memref<1x128x64xf32, #tpu.memory_space<vmem>>
      %dma_start3A_159 = tpu.memref_squeeze %dma_start3A_158 : memref<1x128x64xf32, #tpu.memory_space<vmem>> -> memref<128x64xf32, #tpu.memory_space<vmem>>
      %dma_start3A_160 = arith.constant 0 : i32
      %dma_start3A_161 = tpu.memref_slice %arg8[%add3A_139, %dma_start3A_160] : memref<80x128xi32, #tpu.memory_space<vmem>> -> memref<1x128xi32, #tpu.memory_space<vmem>>
      %dma_start3A_162 = tpu.memref_squeeze %dma_start3A_161 : memref<1x128xi32, #tpu.memory_space<vmem>> -> memref<128xi32, #tpu.memory_space<vmem>>
      %dma_start3A_163 = arith.constant 0 : i32
      %dma_start3A_164 = arith.constant 0 : i32
      %dma_start3A_165 = tpu.memref_slice %arg10[%dma_start3A_163, %dma_start3A_164] : memref<10016x64xf32, #tpu.memory_space<vmem_shared>> -> memref<10016x64xf32, #tpu.memory_space<vmem_shared>>
      %dma_start3A_166 = tpu.memref_slice %arg12[%dma_start3A_155] : memref<5x!tpu.dma_semaphore, #tpu.memory_space<semaphore_mem>> -> memref<1x!tpu.dma_semaphore, #tpu.memory_space<semaphore_mem>>
      %dma_start3A_167 = tpu.memref_squeeze %dma_start3A_166 : memref<1x!tpu.dma_semaphore, #tpu.memory_space<semaphore_mem>> -> memref<!tpu.dma_semaphore, #tpu.memory_space<semaphore_mem>>
      tpu.enqueue_indirect_dma source(%dma_start3A_159 : memref<128x64xf32, #tpu.memory_space<vmem>>) target(%dma_start3A_165 : memref<10016x64xf32, #tpu.memory_space<vmem_shared>>) offsets(%dma_start3A_162 : memref<128xi32, #tpu.memory_space<vmem>>) semaphore(%dma_start3A_167 : memref<!tpu.dma_semaphore, #tpu.memory_space<semaphore_mem>>) {add = true}
      %add3A_168 = arith.constant 3 : i32
      %add3A_169 = arith.addi %add3A_139, %add3A_168 : i32
      %lt3A = arith.constant 80 : i32
      %lt3A_170 = arith.cmpi slt, %add3A_169, %lt3A : i32
      %add3A_171 = arith.constant 3 : i32
      %add3A_172 = arith.addi %add3A_139, %add3A_171 : i32
      %ge3A = arith.constant 5 : i32
      %ge3A_173 = arith.cmpi sge, %add3A_172, %ge3A : i32
      %and3A = arith.andi %lt3A_170, %ge3A_173 : i1
      %convert_element_type3A_174 = arith.extui %and3A : i1 to i32
      %cond3A_175 = arith.constant 0 : i32
      %cond3A_176 = arith.cmpi ne, %convert_element_type3A_174, %cond3A_175 : i32
      scf.if %cond3A_176 {
        %add3A_380 = arith.constant 3 : i32
        %add3A_381 = arith.addi %add3A_139, %add3A_380 : i32
        %sub3A = arith.constant 5 : i32
        %sub3A_382 = arith.subi %add3A_381, %sub3A : i32
        %dma_wait3A_383 = arith.constant 3 : i32
        %dma_wait3A_384 = arith.constant 3 : i32
        %dma_wait3A_385 = arith.constant 0 : i32
        %dma_wait3A_386 = arith.constant 0 : i32
        %dma_wait3A_387 = tpu.memref_slice %arg9[%dma_wait3A_383, %dma_wait3A_385, %dma_wait3A_386] : memref<5x128x64xf32, #tpu.memory_space<vmem>> -> memref<1x128x64xf32, #tpu.memory_space<vmem>>
        %dma_wait3A_388 = tpu.memref_squeeze %dma_wait3A_387 : memref<1x128x64xf32, #tpu.memory_space<vmem>> -> memref<128x64xf32, #tpu.memory_space<vmem>>
        %dma_wait3A_389 = arith.constant 0 : i32
        %dma_wait3A_390 = tpu.memref_slice %arg8[%sub3A_382, %dma_wait3A_389] : memref<80x128xi32, #tpu.memory_space<vmem>> -> memref<1x128xi32, #tpu.memory_space<vmem>>
        %dma_wait3A_391 = tpu.memref_squeeze %dma_wait3A_390 : memref<1x128xi32, #tpu.memory_space<vmem>> -> memref<128xi32, #tpu.memory_space<vmem>>
        %dma_wait3A_392 = arith.constant 0 : i32
        %dma_wait3A_393 = arith.constant 0 : i32
        %dma_wait3A_394 = tpu.memref_slice %arg10[%dma_wait3A_392, %dma_wait3A_393] : memref<10016x64xf32, #tpu.memory_space<vmem_shared>> -> memref<10016x64xf32, #tpu.memory_space<vmem_shared>>
        %dma_wait3A_395 = tpu.memref_slice %arg12[%dma_wait3A_384] : memref<5x!tpu.dma_semaphore, #tpu.memory_space<semaphore_mem>> -> memref<1x!tpu.dma_semaphore, #tpu.memory_space<semaphore_mem>>
        %dma_wait3A_396 = tpu.memref_squeeze %dma_wait3A_395 : memref<1x!tpu.dma_semaphore, #tpu.memory_space<semaphore_mem>> -> memref<!tpu.dma_semaphore, #tpu.memory_space<semaphore_mem>>
        tpu.wait_indirect_dma semaphore(%dma_wait3A_396 : memref<!tpu.dma_semaphore, #tpu.memory_space<semaphore_mem>>) src(%dma_wait3A_388 : memref<128x64xf32, #tpu.memory_space<vmem>>) dst(%dma_wait3A_394 : memref<10016x64xf32, #tpu.memory_space<vmem_shared>>)
      } else {
      }
      %add3A_177 = arith.constant 3 : i32
      %add3A_178 = arith.addi %add3A_139, %add3A_177 : i32
      %lt3A_179 = arith.constant 80 : i32
      %lt3A_180 = arith.cmpi slt, %add3A_178, %lt3A_179 : i32
      %convert_element_type3A_181 = arith.extui %lt3A_180 : i1 to i32
      %cond3A_182 = arith.constant 0 : i32
      %cond3A_183 = arith.cmpi ne, %convert_element_type3A_181, %cond3A_182 : i32
      scf.if %cond3A_183 {
        %add3A_380 = arith.constant 3 : i32
        %add3A_381 = arith.addi %add3A_139, %add3A_380 : i32
        %dma_start3A_382 = arith.constant 3 : i32
        %dma_start3A_383 = arith.constant 3 : i32
        %dma_start3A_384 = arith.constant 0 : i32
        %dma_start3A_385 = arith.constant 0 : i32
        %dma_start3A_386 = tpu.memref_slice %arg9[%dma_start3A_382, %dma_start3A_384, %dma_start3A_385] : memref<5x128x64xf32, #tpu.memory_space<vmem>> -> memref<1x128x64xf32, #tpu.memory_space<vmem>>
        %dma_start3A_387 = tpu.memref_squeeze %dma_start3A_386 : memref<1x128x64xf32, #tpu.memory_space<vmem>> -> memref<128x64xf32, #tpu.memory_space<vmem>>
        %dma_start3A_388 = arith.constant 0 : i32
        %dma_start3A_389 = tpu.memref_slice %arg7[%add3A_381, %dma_start3A_388] : memref<80x128xi32, #tpu.memory_space<vmem>> -> memref<1x128xi32, #tpu.memory_space<vmem>>
        %dma_start3A_390 = tpu.memref_squeeze %dma_start3A_389 : memref<1x128xi32, #tpu.memory_space<vmem>> -> memref<128xi32, #tpu.memory_space<vmem>>
        %dma_start3A_391 = arith.constant 0 : i32
        %dma_start3A_392 = arith.constant 0 : i32
        %dma_start3A_393 = tpu.memref_slice %arg2[%dma_start3A_391, %dma_start3A_392] : memref<20000x64xf32, #tpu.memory_space<hbm>> -> memref<20000x64xf32, #tpu.memory_space<hbm>>
        %dma_start3A_394 = tpu.memref_slice %arg11[%dma_start3A_383] : memref<5x!tpu.dma_semaphore, #tpu.memory_space<semaphore_mem>> -> memref<1x!tpu.dma_semaphore, #tpu.memory_space<semaphore_mem>>
        %dma_start3A_395 = tpu.memref_squeeze %dma_start3A_394 : memref<1x!tpu.dma_semaphore, #tpu.memory_space<semaphore_mem>> -> memref<!tpu.dma_semaphore, #tpu.memory_space<semaphore_mem>>
        tpu.enqueue_indirect_dma source(%dma_start3A_393 : memref<20000x64xf32, #tpu.memory_space<hbm>>) target(%dma_start3A_387 : memref<128x64xf32, #tpu.memory_space<vmem>>) offsets(%dma_start3A_390 : memref<128xi32, #tpu.memory_space<vmem>>) semaphore(%dma_start3A_395 : memref<!tpu.dma_semaphore, #tpu.memory_space<semaphore_mem>>)
      } else {
      }
      %add3A_184 = arith.constant 1 : i32
      %add3A_185 = arith.addi %add3A_137, %add3A_184 : i32
      %dma_wait3A_186 = arith.constant 1 : i32
      %dma_wait3A_187 = arith.constant 1 : i32
      %dma_wait3A_188 = arith.constant 0 : i32
      %dma_wait3A_189 = arith.constant 0 : i32
      %dma_wait3A_190 = tpu.memref_slice %arg9[%dma_wait3A_186, %dma_wait3A_188, %dma_wait3A_189] : memref<5x128x64xf32, #tpu.memory_space<vmem>> -> memref<1x128x64xf32, #tpu.memory_space<vmem>>
      %dma_wait3A_191 = tpu.memref_squeeze %dma_wait3A_190 : memref<1x128x64xf32, #tpu.memory_space<vmem>> -> memref<128x64xf32, #tpu.memory_space<vmem>>
      %dma_wait3A_192 = arith.constant 0 : i32
      %dma_wait3A_193 = tpu.memref_slice %arg7[%add3A_185, %dma_wait3A_192] : memref<80x128xi32, #tpu.memory_space<vmem>> -> memref<1x128xi32, #tpu.memory_space<vmem>>
      %dma_wait3A_194 = tpu.memref_squeeze %dma_wait3A_193 : memref<1x128xi32, #tpu.memory_space<vmem>> -> memref<128xi32, #tpu.memory_space<vmem>>
      %dma_wait3A_195 = arith.constant 0 : i32
      %dma_wait3A_196 = arith.constant 0 : i32
      %dma_wait3A_197 = tpu.memref_slice %arg2[%dma_wait3A_195, %dma_wait3A_196] : memref<20000x64xf32, #tpu.memory_space<hbm>> -> memref<20000x64xf32, #tpu.memory_space<hbm>>
      %dma_wait3A_198 = tpu.memref_slice %arg11[%dma_wait3A_187] : memref<5x!tpu.dma_semaphore, #tpu.memory_space<semaphore_mem>> -> memref<1x!tpu.dma_semaphore, #tpu.memory_space<semaphore_mem>>
      %dma_wait3A_199 = tpu.memref_squeeze %dma_wait3A_198 : memref<1x!tpu.dma_semaphore, #tpu.memory_space<semaphore_mem>> -> memref<!tpu.dma_semaphore, #tpu.memory_space<semaphore_mem>>
      tpu.wait_indirect_dma semaphore(%dma_wait3A_199 : memref<!tpu.dma_semaphore, #tpu.memory_space<semaphore_mem>>) src(%dma_wait3A_197 : memref<20000x64xf32, #tpu.memory_space<hbm>>) dst(%dma_wait3A_191 : memref<128x64xf32, #tpu.memory_space<vmem>>)
      %dma_start3A_200 = arith.constant 1 : i32
      %dma_start3A_201 = arith.constant 1 : i32
      %dma_start3A_202 = arith.constant 0 : i32
      %dma_start3A_203 = arith.constant 0 : i32
      %dma_start3A_204 = tpu.memref_slice %arg9[%dma_start3A_200, %dma_start3A_202, %dma_start3A_203] : memref<5x128x64xf32, #tpu.memory_space<vmem>> -> memref<1x128x64xf32, #tpu.memory_space<vmem>>
      %dma_start3A_205 = tpu.memref_squeeze %dma_start3A_204 : memref<1x128x64xf32, #tpu.memory_space<vmem>> -> memref<128x64xf32, #tpu.memory_space<vmem>>
      %dma_start3A_206 = arith.constant 0 : i32
      %dma_start3A_207 = tpu.memref_slice %arg8[%add3A_185, %dma_start3A_206] : memref<80x128xi32, #tpu.memory_space<vmem>> -> memref<1x128xi32, #tpu.memory_space<vmem>>
      %dma_start3A_208 = tpu.memref_squeeze %dma_start3A_207 : memref<1x128xi32, #tpu.memory_space<vmem>> -> memref<128xi32, #tpu.memory_space<vmem>>
      %dma_start3A_209 = arith.constant 0 : i32
      %dma_start3A_210 = arith.constant 0 : i32
      %dma_start3A_211 = tpu.memref_slice %arg10[%dma_start3A_209, %dma_start3A_210] : memref<10016x64xf32, #tpu.memory_space<vmem_shared>> -> memref<10016x64xf32, #tpu.memory_space<vmem_shared>>
      %dma_start3A_212 = tpu.memref_slice %arg12[%dma_start3A_201] : memref<5x!tpu.dma_semaphore, #tpu.memory_space<semaphore_mem>> -> memref<1x!tpu.dma_semaphore, #tpu.memory_space<semaphore_mem>>
      %dma_start3A_213 = tpu.memref_squeeze %dma_start3A_212 : memref<1x!tpu.dma_semaphore, #tpu.memory_space<semaphore_mem>> -> memref<!tpu.dma_semaphore, #tpu.memory_space<semaphore_mem>>
      tpu.enqueue_indirect_dma source(%dma_start3A_205 : memref<128x64xf32, #tpu.memory_space<vmem>>) target(%dma_start3A_211 : memref<10016x64xf32, #tpu.memory_space<vmem_shared>>) offsets(%dma_start3A_208 : memref<128xi32, #tpu.memory_space<vmem>>) semaphore(%dma_start3A_213 : memref<!tpu.dma_semaphore, #tpu.memory_space<semaphore_mem>>) {add = true}
      %add3A_214 = arith.constant 3 : i32
      %add3A_215 = arith.addi %add3A_185, %add3A_214 : i32
      %lt3A_216 = arith.constant 80 : i32
      %lt3A_217 = arith.cmpi slt, %add3A_215, %lt3A_216 : i32
      %add3A_218 = arith.constant 3 : i32
      %add3A_219 = arith.addi %add3A_185, %add3A_218 : i32
      %ge3A_220 = arith.constant 5 : i32
      %ge3A_221 = arith.cmpi sge, %add3A_219, %ge3A_220 : i32
      %and3A_222 = arith.andi %lt3A_217, %ge3A_221 : i1
      %convert_element_type3A_223 = arith.extui %and3A_222 : i1 to i32
      %cond3A_224 = arith.constant 0 : i32
      %cond3A_225 = arith.cmpi ne, %convert_element_type3A_223, %cond3A_224 : i32
      scf.if %cond3A_225 {
        %add3A_380 = arith.constant 3 : i32
        %add3A_381 = arith.addi %add3A_185, %add3A_380 : i32
        %sub3A = arith.constant 5 : i32
        %sub3A_382 = arith.subi %add3A_381, %sub3A : i32
        %dma_wait3A_383 = arith.constant 4 : i32
        %dma_wait3A_384 = arith.constant 4 : i32
        %dma_wait3A_385 = arith.constant 0 : i32
        %dma_wait3A_386 = arith.constant 0 : i32
        %dma_wait3A_387 = tpu.memref_slice %arg9[%dma_wait3A_383, %dma_wait3A_385, %dma_wait3A_386] : memref<5x128x64xf32, #tpu.memory_space<vmem>> -> memref<1x128x64xf32, #tpu.memory_space<vmem>>
        %dma_wait3A_388 = tpu.memref_squeeze %dma_wait3A_387 : memref<1x128x64xf32, #tpu.memory_space<vmem>> -> memref<128x64xf32, #tpu.memory_space<vmem>>
        %dma_wait3A_389 = arith.constant 0 : i32
        %dma_wait3A_390 = tpu.memref_slice %arg8[%sub3A_382, %dma_wait3A_389] : memref<80x128xi32, #tpu.memory_space<vmem>> -> memref<1x128xi32, #tpu.memory_space<vmem>>
        %dma_wait3A_391 = tpu.memref_squeeze %dma_wait3A_390 : memref<1x128xi32, #tpu.memory_space<vmem>> -> memref<128xi32, #tpu.memory_space<vmem>>
        %dma_wait3A_392 = arith.constant 0 : i32
        %dma_wait3A_393 = arith.constant 0 : i32
        %dma_wait3A_394 = tpu.memref_slice %arg10[%dma_wait3A_392, %dma_wait3A_393] : memref<10016x64xf32, #tpu.memory_space<vmem_shared>> -> memref<10016x64xf32, #tpu.memory_space<vmem_shared>>
        %dma_wait3A_395 = tpu.memref_slice %arg12[%dma_wait3A_384] : memref<5x!tpu.dma_semaphore, #tpu.memory_space<semaphore_mem>> -> memref<1x!tpu.dma_semaphore, #tpu.memory_space<semaphore_mem>>
        %dma_wait3A_396 = tpu.memref_squeeze %dma_wait3A_395 : memref<1x!tpu.dma_semaphore, #tpu.memory_space<semaphore_mem>> -> memref<!tpu.dma_semaphore, #tpu.memory_space<semaphore_mem>>
        tpu.wait_indirect_dma semaphore(%dma_wait3A_396 : memref<!tpu.dma_semaphore, #tpu.memory_space<semaphore_mem>>) src(%dma_wait3A_388 : memref<128x64xf32, #tpu.memory_space<vmem>>) dst(%dma_wait3A_394 : memref<10016x64xf32, #tpu.memory_space<vmem_shared>>)
      } else {
      }
      %add3A_226 = arith.constant 3 : i32
      %add3A_227 = arith.addi %add3A_185, %add3A_226 : i32
      %lt3A_228 = arith.constant 80 : i32
      %lt3A_229 = arith.cmpi slt, %add3A_227, %lt3A_228 : i32
      %convert_element_type3A_230 = arith.extui %lt3A_229 : i1 to i32
      %cond3A_231 = arith.constant 0 : i32
      %cond3A_232 = arith.cmpi ne, %convert_element_type3A_230, %cond3A_231 : i32
      scf.if %cond3A_232 {
        %add3A_380 = arith.constant 3 : i32
        %add3A_381 = arith.addi %add3A_185, %add3A_380 : i32
        %dma_start3A_382 = arith.constant 4 : i32
        %dma_start3A_383 = arith.constant 4 : i32
        %dma_start3A_384 = arith.constant 0 : i32
        %dma_start3A_385 = arith.constant 0 : i32
        %dma_start3A_386 = tpu.memref_slice %arg9[%dma_start3A_382, %dma_start3A_384, %dma_start3A_385] : memref<5x128x64xf32, #tpu.memory_space<vmem>> -> memref<1x128x64xf32, #tpu.memory_space<vmem>>
        %dma_start3A_387 = tpu.memref_squeeze %dma_start3A_386 : memref<1x128x64xf32, #tpu.memory_space<vmem>> -> memref<128x64xf32, #tpu.memory_space<vmem>>
        %dma_start3A_388 = arith.constant 0 : i32
        %dma_start3A_389 = tpu.memref_slice %arg7[%add3A_381, %dma_start3A_388] : memref<80x128xi32, #tpu.memory_space<vmem>> -> memref<1x128xi32, #tpu.memory_space<vmem>>
        %dma_start3A_390 = tpu.memref_squeeze %dma_start3A_389 : memref<1x128xi32, #tpu.memory_space<vmem>> -> memref<128xi32, #tpu.memory_space<vmem>>
        %dma_start3A_391 = arith.constant 0 : i32
        %dma_start3A_392 = arith.constant 0 : i32
        %dma_start3A_393 = tpu.memref_slice %arg2[%dma_start3A_391, %dma_start3A_392] : memref<20000x64xf32, #tpu.memory_space<hbm>> -> memref<20000x64xf32, #tpu.memory_space<hbm>>
        %dma_start3A_394 = tpu.memref_slice %arg11[%dma_start3A_383] : memref<5x!tpu.dma_semaphore, #tpu.memory_space<semaphore_mem>> -> memref<1x!tpu.dma_semaphore, #tpu.memory_space<semaphore_mem>>
        %dma_start3A_395 = tpu.memref_squeeze %dma_start3A_394 : memref<1x!tpu.dma_semaphore, #tpu.memory_space<semaphore_mem>> -> memref<!tpu.dma_semaphore, #tpu.memory_space<semaphore_mem>>
        tpu.enqueue_indirect_dma source(%dma_start3A_393 : memref<20000x64xf32, #tpu.memory_space<hbm>>) target(%dma_start3A_387 : memref<128x64xf32, #tpu.memory_space<vmem>>) offsets(%dma_start3A_390 : memref<128xi32, #tpu.memory_space<vmem>>) semaphore(%dma_start3A_395 : memref<!tpu.dma_semaphore, #tpu.memory_space<semaphore_mem>>)
      } else {
      }
      %add3A_233 = arith.constant 2 : i32
      %add3A_234 = arith.addi %add3A_137, %add3A_233 : i32
      %dma_wait3A_235 = arith.constant 2 : i32
      %dma_wait3A_236 = arith.constant 2 : i32
      %dma_wait3A_237 = arith.constant 0 : i32
      %dma_wait3A_238 = arith.constant 0 : i32
      %dma_wait3A_239 = tpu.memref_slice %arg9[%dma_wait3A_235, %dma_wait3A_237, %dma_wait3A_238] : memref<5x128x64xf32, #tpu.memory_space<vmem>> -> memref<1x128x64xf32, #tpu.memory_space<vmem>>
      %dma_wait3A_240 = tpu.memref_squeeze %dma_wait3A_239 : memref<1x128x64xf32, #tpu.memory_space<vmem>> -> memref<128x64xf32, #tpu.memory_space<vmem>>
      %dma_wait3A_241 = arith.constant 0 : i32
      %dma_wait3A_242 = tpu.memref_slice %arg7[%add3A_234, %dma_wait3A_241] : memref<80x128xi32, #tpu.memory_space<vmem>> -> memref<1x128xi32, #tpu.memory_space<vmem>>
      %dma_wait3A_243 = tpu.memref_squeeze %dma_wait3A_242 : memref<1x128xi32, #tpu.memory_space<vmem>> -> memref<128xi32, #tpu.memory_space<vmem>>
      %dma_wait3A_244 = arith.constant 0 : i32
      %dma_wait3A_245 = arith.constant 0 : i32
      %dma_wait3A_246 = tpu.memref_slice %arg2[%dma_wait3A_244, %dma_wait3A_245] : memref<20000x64xf32, #tpu.memory_space<hbm>> -> memref<20000x64xf32, #tpu.memory_space<hbm>>
      %dma_wait3A_247 = tpu.memref_slice %arg11[%dma_wait3A_236] : memref<5x!tpu.dma_semaphore, #tpu.memory_space<semaphore_mem>> -> memref<1x!tpu.dma_semaphore, #tpu.memory_space<semaphore_mem>>
      %dma_wait3A_248 = tpu.memref_squeeze %dma_wait3A_247 : memref<1x!tpu.dma_semaphore, #tpu.memory_space<semaphore_mem>> -> memref<!tpu.dma_semaphore, #tpu.memory_space<semaphore_mem>>
      tpu.wait_indirect_dma semaphore(%dma_wait3A_248 : memref<!tpu.dma_semaphore, #tpu.memory_space<semaphore_mem>>) src(%dma_wait3A_246 : memref<20000x64xf32, #tpu.memory_space<hbm>>) dst(%dma_wait3A_240 : memref<128x64xf32, #tpu.memory_space<vmem>>)
      %dma_start3A_249 = arith.constant 2 : i32
      %dma_start3A_250 = arith.constant 2 : i32
      %dma_start3A_251 = arith.constant 0 : i32
      %dma_start3A_252 = arith.constant 0 : i32
      %dma_start3A_253 = tpu.memref_slice %arg9[%dma_start3A_249, %dma_start3A_251, %dma_start3A_252] : memref<5x128x64xf32, #tpu.memory_space<vmem>> -> memref<1x128x64xf32, #tpu.memory_space<vmem>>
      %dma_start3A_254 = tpu.memref_squeeze %dma_start3A_253 : memref<1x128x64xf32, #tpu.memory_space<vmem>> -> memref<128x64xf32, #tpu.memory_space<vmem>>
      %dma_start3A_255 = arith.constant 0 : i32
      %dma_start3A_256 = tpu.memref_slice %arg8[%add3A_234, %dma_start3A_255] : memref<80x128xi32, #tpu.memory_space<vmem>> -> memref<1x128xi32, #tpu.memory_space<vmem>>
      %dma_start3A_257 = tpu.memref_squeeze %dma_start3A_256 : memref<1x128xi32, #tpu.memory_space<vmem>> -> memref<128xi32, #tpu.memory_space<vmem>>
      %dma_start3A_258 = arith.constant 0 : i32
      %dma_start3A_259 = arith.constant 0 : i32
      %dma_start3A_260 = tpu.memref_slice %arg10[%dma_start3A_258, %dma_start3A_259] : memref<10016x64xf32, #tpu.memory_space<vmem_shared>> -> memref<10016x64xf32, #tpu.memory_space<vmem_shared>>
      %dma_start3A_261 = tpu.memref_slice %arg12[%dma_start3A_250] : memref<5x!tpu.dma_semaphore, #tpu.memory_space<semaphore_mem>> -> memref<1x!tpu.dma_semaphore, #tpu.memory_space<semaphore_mem>>
      %dma_start3A_262 = tpu.memref_squeeze %dma_start3A_261 : memref<1x!tpu.dma_semaphore, #tpu.memory_space<semaphore_mem>> -> memref<!tpu.dma_semaphore, #tpu.memory_space<semaphore_mem>>
      tpu.enqueue_indirect_dma source(%dma_start3A_254 : memref<128x64xf32, #tpu.memory_space<vmem>>) target(%dma_start3A_260 : memref<10016x64xf32, #tpu.memory_space<vmem_shared>>) offsets(%dma_start3A_257 : memref<128xi32, #tpu.memory_space<vmem>>) semaphore(%dma_start3A_262 : memref<!tpu.dma_semaphore, #tpu.memory_space<semaphore_mem>>) {add = true}
      %add3A_263 = arith.constant 3 : i32
      %add3A_264 = arith.addi %add3A_234, %add3A_263 : i32
      %lt3A_265 = arith.constant 80 : i32
      %lt3A_266 = arith.cmpi slt, %add3A_264, %lt3A_265 : i32
      %add3A_267 = arith.constant 3 : i32
      %add3A_268 = arith.addi %add3A_234, %add3A_267 : i32
      %ge3A_269 = arith.constant 5 : i32
      %ge3A_270 = arith.cmpi sge, %add3A_268, %ge3A_269 : i32
      %and3A_271 = arith.andi %lt3A_266, %ge3A_270 : i1
      %convert_element_type3A_272 = arith.extui %and3A_271 : i1 to i32
      %cond3A_273 = arith.constant 0 : i32
      %cond3A_274 = arith.cmpi ne, %convert_element_type3A_272, %cond3A_273 : i32
      scf.if %cond3A_274 {
        %add3A_380 = arith.constant 3 : i32
        %add3A_381 = arith.addi %add3A_234, %add3A_380 : i32
        %sub3A = arith.constant 5 : i32
        %sub3A_382 = arith.subi %add3A_381, %sub3A : i32
        %dma_wait3A_383 = arith.constant 0 : i32
        %dma_wait3A_384 = arith.constant 0 : i32
        %dma_wait3A_385 = arith.constant 0 : i32
        %dma_wait3A_386 = arith.constant 0 : i32
        %dma_wait3A_387 = tpu.memref_slice %arg9[%dma_wait3A_383, %dma_wait3A_385, %dma_wait3A_386] : memref<5x128x64xf32, #tpu.memory_space<vmem>> -> memref<1x128x64xf32, #tpu.memory_space<vmem>>
        %dma_wait3A_388 = tpu.memref_squeeze %dma_wait3A_387 : memref<1x128x64xf32, #tpu.memory_space<vmem>> -> memref<128x64xf32, #tpu.memory_space<vmem>>
        %dma_wait3A_389 = arith.constant 0 : i32
        %dma_wait3A_390 = tpu.memref_slice %arg8[%sub3A_382, %dma_wait3A_389] : memref<80x128xi32, #tpu.memory_space<vmem>> -> memref<1x128xi32, #tpu.memory_space<vmem>>
        %dma_wait3A_391 = tpu.memref_squeeze %dma_wait3A_390 : memref<1x128xi32, #tpu.memory_space<vmem>> -> memref<128xi32, #tpu.memory_space<vmem>>
        %dma_wait3A_392 = arith.constant 0 : i32
        %dma_wait3A_393 = arith.constant 0 : i32
        %dma_wait3A_394 = tpu.memref_slice %arg10[%dma_wait3A_392, %dma_wait3A_393] : memref<10016x64xf32, #tpu.memory_space<vmem_shared>> -> memref<10016x64xf32, #tpu.memory_space<vmem_shared>>
        %dma_wait3A_395 = tpu.memref_slice %arg12[%dma_wait3A_384] : memref<5x!tpu.dma_semaphore, #tpu.memory_space<semaphore_mem>> -> memref<1x!tpu.dma_semaphore, #tpu.memory_space<semaphore_mem>>
        %dma_wait3A_396 = tpu.memref_squeeze %dma_wait3A_395 : memref<1x!tpu.dma_semaphore, #tpu.memory_space<semaphore_mem>> -> memref<!tpu.dma_semaphore, #tpu.memory_space<semaphore_mem>>
        tpu.wait_indirect_dma semaphore(%dma_wait3A_396 : memref<!tpu.dma_semaphore, #tpu.memory_space<semaphore_mem>>) src(%dma_wait3A_388 : memref<128x64xf32, #tpu.memory_space<vmem>>) dst(%dma_wait3A_394 : memref<10016x64xf32, #tpu.memory_space<vmem_shared>>)
      } else {
      }
      %add3A_275 = arith.constant 3 : i32
      %add3A_276 = arith.addi %add3A_234, %add3A_275 : i32
      %lt3A_277 = arith.constant 80 : i32
      %lt3A_278 = arith.cmpi slt, %add3A_276, %lt3A_277 : i32
      %convert_element_type3A_279 = arith.extui %lt3A_278 : i1 to i32
      %cond3A_280 = arith.constant 0 : i32
      %cond3A_281 = arith.cmpi ne, %convert_element_type3A_279, %cond3A_280 : i32
      scf.if %cond3A_281 {
        %add3A_380 = arith.constant 3 : i32
        %add3A_381 = arith.addi %add3A_234, %add3A_380 : i32
        %dma_start3A_382 = arith.constant 0 : i32
        %dma_start3A_383 = arith.constant 0 : i32
        %dma_start3A_384 = arith.constant 0 : i32
        %dma_start3A_385 = arith.constant 0 : i32
        %dma_start3A_386 = tpu.memref_slice %arg9[%dma_start3A_382, %dma_start3A_384, %dma_start3A_385] : memref<5x128x64xf32, #tpu.memory_space<vmem>> -> memref<1x128x64xf32, #tpu.memory_space<vmem>>
        %dma_start3A_387 = tpu.memref_squeeze %dma_start3A_386 : memref<1x128x64xf32, #tpu.memory_space<vmem>> -> memref<128x64xf32, #tpu.memory_space<vmem>>
        %dma_start3A_388 = arith.constant 0 : i32
        %dma_start3A_389 = tpu.memref_slice %arg7[%add3A_381, %dma_start3A_388] : memref<80x128xi32, #tpu.memory_space<vmem>> -> memref<1x128xi32, #tpu.memory_space<vmem>>
        %dma_start3A_390 = tpu.memref_squeeze %dma_start3A_389 : memref<1x128xi32, #tpu.memory_space<vmem>> -> memref<128xi32, #tpu.memory_space<vmem>>
        %dma_start3A_391 = arith.constant 0 : i32
        %dma_start3A_392 = arith.constant 0 : i32
        %dma_start3A_393 = tpu.memref_slice %arg2[%dma_start3A_391, %dma_start3A_392] : memref<20000x64xf32, #tpu.memory_space<hbm>> -> memref<20000x64xf32, #tpu.memory_space<hbm>>
        %dma_start3A_394 = tpu.memref_slice %arg11[%dma_start3A_383] : memref<5x!tpu.dma_semaphore, #tpu.memory_space<semaphore_mem>> -> memref<1x!tpu.dma_semaphore, #tpu.memory_space<semaphore_mem>>
        %dma_start3A_395 = tpu.memref_squeeze %dma_start3A_394 : memref<1x!tpu.dma_semaphore, #tpu.memory_space<semaphore_mem>> -> memref<!tpu.dma_semaphore, #tpu.memory_space<semaphore_mem>>
        tpu.enqueue_indirect_dma source(%dma_start3A_393 : memref<20000x64xf32, #tpu.memory_space<hbm>>) target(%dma_start3A_387 : memref<128x64xf32, #tpu.memory_space<vmem>>) offsets(%dma_start3A_390 : memref<128xi32, #tpu.memory_space<vmem>>) semaphore(%dma_start3A_395 : memref<!tpu.dma_semaphore, #tpu.memory_space<semaphore_mem>>)
      } else {
      }
      %add3A_282 = arith.constant 3 : i32
      %add3A_283 = arith.addi %add3A_137, %add3A_282 : i32
      %dma_wait3A_284 = arith.constant 3 : i32
      %dma_wait3A_285 = arith.constant 3 : i32
      %dma_wait3A_286 = arith.constant 0 : i32
      %dma_wait3A_287 = arith.constant 0 : i32
      %dma_wait3A_288 = tpu.memref_slice %arg9[%dma_wait3A_284, %dma_wait3A_286, %dma_wait3A_287] : memref<5x128x64xf32, #tpu.memory_space<vmem>> -> memref<1x128x64xf32, #tpu.memory_space<vmem>>
      %dma_wait3A_289 = tpu.memref_squeeze %dma_wait3A_288 : memref<1x128x64xf32, #tpu.memory_space<vmem>> -> memref<128x64xf32, #tpu.memory_space<vmem>>
      %dma_wait3A_290 = arith.constant 0 : i32
      %dma_wait3A_291 = tpu.memref_slice %arg7[%add3A_283, %dma_wait3A_290] : memref<80x128xi32, #tpu.memory_space<vmem>> -> memref<1x128xi32, #tpu.memory_space<vmem>>
      %dma_wait3A_292 = tpu.memref_squeeze %dma_wait3A_291 : memref<1x128xi32, #tpu.memory_space<vmem>> -> memref<128xi32, #tpu.memory_space<vmem>>
      %dma_wait3A_293 = arith.constant 0 : i32
      %dma_wait3A_294 = arith.constant 0 : i32
      %dma_wait3A_295 = tpu.memref_slice %arg2[%dma_wait3A_293, %dma_wait3A_294] : memref<20000x64xf32, #tpu.memory_space<hbm>> -> memref<20000x64xf32, #tpu.memory_space<hbm>>
      %dma_wait3A_296 = tpu.memref_slice %arg11[%dma_wait3A_285] : memref<5x!tpu.dma_semaphore, #tpu.memory_space<semaphore_mem>> -> memref<1x!tpu.dma_semaphore, #tpu.memory_space<semaphore_mem>>
      %dma_wait3A_297 = tpu.memref_squeeze %dma_wait3A_296 : memref<1x!tpu.dma_semaphore, #tpu.memory_space<semaphore_mem>> -> memref<!tpu.dma_semaphore, #tpu.memory_space<semaphore_mem>>
      tpu.wait_indirect_dma semaphore(%dma_wait3A_297 : memref<!tpu.dma_semaphore, #tpu.memory_space<semaphore_mem>>) src(%dma_wait3A_295 : memref<20000x64xf32, #tpu.memory_space<hbm>>) dst(%dma_wait3A_289 : memref<128x64xf32, #tpu.memory_space<vmem>>)
      %dma_start3A_298 = arith.constant 3 : i32
      %dma_start3A_299 = arith.constant 3 : i32
      %dma_start3A_300 = arith.constant 0 : i32
      %dma_start3A_301 = arith.constant 0 : i32
      %dma_start3A_302 = tpu.memref_slice %arg9[%dma_start3A_298, %dma_start3A_300, %dma_start3A_301] : memref<5x128x64xf32, #tpu.memory_space<vmem>> -> memref<1x128x64xf32, #tpu.memory_space<vmem>>
      %dma_start3A_303 = tpu.memref_squeeze %dma_start3A_302 : memref<1x128x64xf32, #tpu.memory_space<vmem>> -> memref<128x64xf32, #tpu.memory_space<vmem>>
      %dma_start3A_304 = arith.constant 0 : i32
      %dma_start3A_305 = tpu.memref_slice %arg8[%add3A_283, %dma_start3A_304] : memref<80x128xi32, #tpu.memory_space<vmem>> -> memref<1x128xi32, #tpu.memory_space<vmem>>
      %dma_start3A_306 = tpu.memref_squeeze %dma_start3A_305 : memref<1x128xi32, #tpu.memory_space<vmem>> -> memref<128xi32, #tpu.memory_space<vmem>>
      %dma_start3A_307 = arith.constant 0 : i32
      %dma_start3A_308 = arith.constant 0 : i32
      %dma_start3A_309 = tpu.memref_slice %arg10[%dma_start3A_307, %dma_start3A_308] : memref<10016x64xf32, #tpu.memory_space<vmem_shared>> -> memref<10016x64xf32, #tpu.memory_space<vmem_shared>>
      %dma_start3A_310 = tpu.memref_slice %arg12[%dma_start3A_299] : memref<5x!tpu.dma_semaphore, #tpu.memory_space<semaphore_mem>> -> memref<1x!tpu.dma_semaphore, #tpu.memory_space<semaphore_mem>>
      %dma_start3A_311 = tpu.memref_squeeze %dma_start3A_310 : memref<1x!tpu.dma_semaphore, #tpu.memory_space<semaphore_mem>> -> memref<!tpu.dma_semaphore, #tpu.memory_space<semaphore_mem>>
      tpu.enqueue_indirect_dma source(%dma_start3A_303 : memref<128x64xf32, #tpu.memory_space<vmem>>) target(%dma_start3A_309 : memref<10016x64xf32, #tpu.memory_space<vmem_shared>>) offsets(%dma_start3A_306 : memref<128xi32, #tpu.memory_space<vmem>>) semaphore(%dma_start3A_311 : memref<!tpu.dma_semaphore, #tpu.memory_space<semaphore_mem>>) {add = true}
      %add3A_312 = arith.constant 3 : i32
      %add3A_313 = arith.addi %add3A_283, %add3A_312 : i32
      %lt3A_314 = arith.constant 80 : i32
      %lt3A_315 = arith.cmpi slt, %add3A_313, %lt3A_314 : i32
      %add3A_316 = arith.constant 3 : i32
      %add3A_317 = arith.addi %add3A_283, %add3A_316 : i32
      %ge3A_318 = arith.constant 5 : i32
      %ge3A_319 = arith.cmpi sge, %add3A_317, %ge3A_318 : i32
      %and3A_320 = arith.andi %lt3A_315, %ge3A_319 : i1
      %convert_element_type3A_321 = arith.extui %and3A_320 : i1 to i32
      %cond3A_322 = arith.constant 0 : i32
      %cond3A_323 = arith.cmpi ne, %convert_element_type3A_321, %cond3A_322 : i32
      scf.if %cond3A_323 {
        %add3A_380 = arith.constant 3 : i32
        %add3A_381 = arith.addi %add3A_283, %add3A_380 : i32
        %sub3A = arith.constant 5 : i32
        %sub3A_382 = arith.subi %add3A_381, %sub3A : i32
        %dma_wait3A_383 = arith.constant 1 : i32
        %dma_wait3A_384 = arith.constant 1 : i32
        %dma_wait3A_385 = arith.constant 0 : i32
        %dma_wait3A_386 = arith.constant 0 : i32
        %dma_wait3A_387 = tpu.memref_slice %arg9[%dma_wait3A_383, %dma_wait3A_385, %dma_wait3A_386] : memref<5x128x64xf32, #tpu.memory_space<vmem>> -> memref<1x128x64xf32, #tpu.memory_space<vmem>>
        %dma_wait3A_388 = tpu.memref_squeeze %dma_wait3A_387 : memref<1x128x64xf32, #tpu.memory_space<vmem>> -> memref<128x64xf32, #tpu.memory_space<vmem>>
        %dma_wait3A_389 = arith.constant 0 : i32
        %dma_wait3A_390 = tpu.memref_slice %arg8[%sub3A_382, %dma_wait3A_389] : memref<80x128xi32, #tpu.memory_space<vmem>> -> memref<1x128xi32, #tpu.memory_space<vmem>>
        %dma_wait3A_391 = tpu.memref_squeeze %dma_wait3A_390 : memref<1x128xi32, #tpu.memory_space<vmem>> -> memref<128xi32, #tpu.memory_space<vmem>>
        %dma_wait3A_392 = arith.constant 0 : i32
        %dma_wait3A_393 = arith.constant 0 : i32
        %dma_wait3A_394 = tpu.memref_slice %arg10[%dma_wait3A_392, %dma_wait3A_393] : memref<10016x64xf32, #tpu.memory_space<vmem_shared>> -> memref<10016x64xf32, #tpu.memory_space<vmem_shared>>
        %dma_wait3A_395 = tpu.memref_slice %arg12[%dma_wait3A_384] : memref<5x!tpu.dma_semaphore, #tpu.memory_space<semaphore_mem>> -> memref<1x!tpu.dma_semaphore, #tpu.memory_space<semaphore_mem>>
        %dma_wait3A_396 = tpu.memref_squeeze %dma_wait3A_395 : memref<1x!tpu.dma_semaphore, #tpu.memory_space<semaphore_mem>> -> memref<!tpu.dma_semaphore, #tpu.memory_space<semaphore_mem>>
        tpu.wait_indirect_dma semaphore(%dma_wait3A_396 : memref<!tpu.dma_semaphore, #tpu.memory_space<semaphore_mem>>) src(%dma_wait3A_388 : memref<128x64xf32, #tpu.memory_space<vmem>>) dst(%dma_wait3A_394 : memref<10016x64xf32, #tpu.memory_space<vmem_shared>>)
      } else {
      }
      %add3A_324 = arith.constant 3 : i32
      %add3A_325 = arith.addi %add3A_283, %add3A_324 : i32
      %lt3A_326 = arith.constant 80 : i32
      %lt3A_327 = arith.cmpi slt, %add3A_325, %lt3A_326 : i32
      %convert_element_type3A_328 = arith.extui %lt3A_327 : i1 to i32
      %cond3A_329 = arith.constant 0 : i32
      %cond3A_330 = arith.cmpi ne, %convert_element_type3A_328, %cond3A_329 : i32
      scf.if %cond3A_330 {
        %add3A_380 = arith.constant 3 : i32
        %add3A_381 = arith.addi %add3A_283, %add3A_380 : i32
        %dma_start3A_382 = arith.constant 1 : i32
        %dma_start3A_383 = arith.constant 1 : i32
        %dma_start3A_384 = arith.constant 0 : i32
        %dma_start3A_385 = arith.constant 0 : i32
        %dma_start3A_386 = tpu.memref_slice %arg9[%dma_start3A_382, %dma_start3A_384, %dma_start3A_385] : memref<5x128x64xf32, #tpu.memory_space<vmem>> -> memref<1x128x64xf32, #tpu.memory_space<vmem>>
        %dma_start3A_387 = tpu.memref_squeeze %dma_start3A_386 : memref<1x128x64xf32, #tpu.memory_space<vmem>> -> memref<128x64xf32, #tpu.memory_space<vmem>>
        %dma_start3A_388 = arith.constant 0 : i32
        %dma_start3A_389 = tpu.memref_slice %arg7[%add3A_381, %dma_start3A_388] : memref<80x128xi32, #tpu.memory_space<vmem>> -> memref<1x128xi32, #tpu.memory_space<vmem>>
        %dma_start3A_390 = tpu.memref_squeeze %dma_start3A_389 : memref<1x128xi32, #tpu.memory_space<vmem>> -> memref<128xi32, #tpu.memory_space<vmem>>
        %dma_start3A_391 = arith.constant 0 : i32
        %dma_start3A_392 = arith.constant 0 : i32
        %dma_start3A_393 = tpu.memref_slice %arg2[%dma_start3A_391, %dma_start3A_392] : memref<20000x64xf32, #tpu.memory_space<hbm>> -> memref<20000x64xf32, #tpu.memory_space<hbm>>
        %dma_start3A_394 = tpu.memref_slice %arg11[%dma_start3A_383] : memref<5x!tpu.dma_semaphore, #tpu.memory_space<semaphore_mem>> -> memref<1x!tpu.dma_semaphore, #tpu.memory_space<semaphore_mem>>
        %dma_start3A_395 = tpu.memref_squeeze %dma_start3A_394 : memref<1x!tpu.dma_semaphore, #tpu.memory_space<semaphore_mem>> -> memref<!tpu.dma_semaphore, #tpu.memory_space<semaphore_mem>>
        tpu.enqueue_indirect_dma source(%dma_start3A_393 : memref<20000x64xf32, #tpu.memory_space<hbm>>) target(%dma_start3A_387 : memref<128x64xf32, #tpu.memory_space<vmem>>) offsets(%dma_start3A_390 : memref<128xi32, #tpu.memory_space<vmem>>) semaphore(%dma_start3A_395 : memref<!tpu.dma_semaphore, #tpu.memory_space<semaphore_mem>>)
      } else {
      }
      %add3A_331 = arith.constant 4 : i32
      %add3A_332 = arith.addi %add3A_137, %add3A_331 : i32
      %dma_wait3A_333 = arith.constant 4 : i32
      %dma_wait3A_334 = arith.constant 4 : i32
      %dma_wait3A_335 = arith.constant 0 : i32
      %dma_wait3A_336 = arith.constant 0 : i32
      %dma_wait3A_337 = tpu.memref_slice %arg9[%dma_wait3A_333, %dma_wait3A_335, %dma_wait3A_336] : memref<5x128x64xf32, #tpu.memory_space<vmem>> -> memref<1x128x64xf32, #tpu.memory_space<vmem>>
      %dma_wait3A_338 = tpu.memref_squeeze %dma_wait3A_337 : memref<1x128x64xf32, #tpu.memory_space<vmem>> -> memref<128x64xf32, #tpu.memory_space<vmem>>
      %dma_wait3A_339 = arith.constant 0 : i32
      %dma_wait3A_340 = tpu.memref_slice %arg7[%add3A_332, %dma_wait3A_339] : memref<80x128xi32, #tpu.memory_space<vmem>> -> memref<1x128xi32, #tpu.memory_space<vmem>>
      %dma_wait3A_341 = tpu.memref_squeeze %dma_wait3A_340 : memref<1x128xi32, #tpu.memory_space<vmem>> -> memref<128xi32, #tpu.memory_space<vmem>>
      %dma_wait3A_342 = arith.constant 0 : i32
      %dma_wait3A_343 = arith.constant 0 : i32
      %dma_wait3A_344 = tpu.memref_slice %arg2[%dma_wait3A_342, %dma_wait3A_343] : memref<20000x64xf32, #tpu.memory_space<hbm>> -> memref<20000x64xf32, #tpu.memory_space<hbm>>
      %dma_wait3A_345 = tpu.memref_slice %arg11[%dma_wait3A_334] : memref<5x!tpu.dma_semaphore, #tpu.memory_space<semaphore_mem>> -> memref<1x!tpu.dma_semaphore, #tpu.memory_space<semaphore_mem>>
      %dma_wait3A_346 = tpu.memref_squeeze %dma_wait3A_345 : memref<1x!tpu.dma_semaphore, #tpu.memory_space<semaphore_mem>> -> memref<!tpu.dma_semaphore, #tpu.memory_space<semaphore_mem>>
      tpu.wait_indirect_dma semaphore(%dma_wait3A_346 : memref<!tpu.dma_semaphore, #tpu.memory_space<semaphore_mem>>) src(%dma_wait3A_344 : memref<20000x64xf32, #tpu.memory_space<hbm>>) dst(%dma_wait3A_338 : memref<128x64xf32, #tpu.memory_space<vmem>>)
      %dma_start3A_347 = arith.constant 4 : i32
      %dma_start3A_348 = arith.constant 4 : i32
      %dma_start3A_349 = arith.constant 0 : i32
      %dma_start3A_350 = arith.constant 0 : i32
      %dma_start3A_351 = tpu.memref_slice %arg9[%dma_start3A_347, %dma_start3A_349, %dma_start3A_350] : memref<5x128x64xf32, #tpu.memory_space<vmem>> -> memref<1x128x64xf32, #tpu.memory_space<vmem>>
      %dma_start3A_352 = tpu.memref_squeeze %dma_start3A_351 : memref<1x128x64xf32, #tpu.memory_space<vmem>> -> memref<128x64xf32, #tpu.memory_space<vmem>>
      %dma_start3A_353 = arith.constant 0 : i32
      %dma_start3A_354 = tpu.memref_slice %arg8[%add3A_332, %dma_start3A_353] : memref<80x128xi32, #tpu.memory_space<vmem>> -> memref<1x128xi32, #tpu.memory_space<vmem>>
      %dma_start3A_355 = tpu.memref_squeeze %dma_start3A_354 : memref<1x128xi32, #tpu.memory_space<vmem>> -> memref<128xi32, #tpu.memory_space<vmem>>
      %dma_start3A_356 = arith.constant 0 : i32
      %dma_start3A_357 = arith.constant 0 : i32
      %dma_start3A_358 = tpu.memref_slice %arg10[%dma_start3A_356, %dma_start3A_357] : memref<10016x64xf32, #tpu.memory_space<vmem_shared>> -> memref<10016x64xf32, #tpu.memory_space<vmem_shared>>
      %dma_start3A_359 = tpu.memref_slice %arg12[%dma_start3A_348] : memref<5x!tpu.dma_semaphore, #tpu.memory_space<semaphore_mem>> -> memref<1x!tpu.dma_semaphore, #tpu.memory_space<semaphore_mem>>
      %dma_start3A_360 = tpu.memref_squeeze %dma_start3A_359 : memref<1x!tpu.dma_semaphore, #tpu.memory_space<semaphore_mem>> -> memref<!tpu.dma_semaphore, #tpu.memory_space<semaphore_mem>>
      tpu.enqueue_indirect_dma source(%dma_start3A_352 : memref<128x64xf32, #tpu.memory_space<vmem>>) target(%dma_start3A_358 : memref<10016x64xf32, #tpu.memory_space<vmem_shared>>) offsets(%dma_start3A_355 : memref<128xi32, #tpu.memory_space<vmem>>) semaphore(%dma_start3A_360 : memref<!tpu.dma_semaphore, #tpu.memory_space<semaphore_mem>>) {add = true}
      %add3A_361 = arith.constant 3 : i32
      %add3A_362 = arith.addi %add3A_332, %add3A_361 : i32
      %lt3A_363 = arith.constant 80 : i32
      %lt3A_364 = arith.cmpi slt, %add3A_362, %lt3A_363 : i32
      %add3A_365 = arith.constant 3 : i32
      %add3A_366 = arith.addi %add3A_332, %add3A_365 : i32
      %ge3A_367 = arith.constant 5 : i32
      %ge3A_368 = arith.cmpi sge, %add3A_366, %ge3A_367 : i32
      %and3A_369 = arith.andi %lt3A_364, %ge3A_368 : i1
      %convert_element_type3A_370 = arith.extui %and3A_369 : i1 to i32
      %cond3A_371 = arith.constant 0 : i32
      %cond3A_372 = arith.cmpi ne, %convert_element_type3A_370, %cond3A_371 : i32
      scf.if %cond3A_372 {
        %add3A_380 = arith.constant 3 : i32
        %add3A_381 = arith.addi %add3A_332, %add3A_380 : i32
        %sub3A = arith.constant 5 : i32
        %sub3A_382 = arith.subi %add3A_381, %sub3A : i32
        %dma_wait3A_383 = arith.constant 2 : i32
        %dma_wait3A_384 = arith.constant 2 : i32
        %dma_wait3A_385 = arith.constant 0 : i32
        %dma_wait3A_386 = arith.constant 0 : i32
        %dma_wait3A_387 = tpu.memref_slice %arg9[%dma_wait3A_383, %dma_wait3A_385, %dma_wait3A_386] : memref<5x128x64xf32, #tpu.memory_space<vmem>> -> memref<1x128x64xf32, #tpu.memory_space<vmem>>
        %dma_wait3A_388 = tpu.memref_squeeze %dma_wait3A_387 : memref<1x128x64xf32, #tpu.memory_space<vmem>> -> memref<128x64xf32, #tpu.memory_space<vmem>>
        %dma_wait3A_389 = arith.constant 0 : i32
        %dma_wait3A_390 = tpu.memref_slice %arg8[%sub3A_382, %dma_wait3A_389] : memref<80x128xi32, #tpu.memory_space<vmem>> -> memref<1x128xi32, #tpu.memory_space<vmem>>
        %dma_wait3A_391 = tpu.memref_squeeze %dma_wait3A_390 : memref<1x128xi32, #tpu.memory_space<vmem>> -> memref<128xi32, #tpu.memory_space<vmem>>
        %dma_wait3A_392 = arith.constant 0 : i32
        %dma_wait3A_393 = arith.constant 0 : i32
        %dma_wait3A_394 = tpu.memref_slice %arg10[%dma_wait3A_392, %dma_wait3A_393] : memref<10016x64xf32, #tpu.memory_space<vmem_shared>> -> memref<10016x64xf32, #tpu.memory_space<vmem_shared>>
        %dma_wait3A_395 = tpu.memref_slice %arg12[%dma_wait3A_384] : memref<5x!tpu.dma_semaphore, #tpu.memory_space<semaphore_mem>> -> memref<1x!tpu.dma_semaphore, #tpu.memory_space<semaphore_mem>>
        %dma_wait3A_396 = tpu.memref_squeeze %dma_wait3A_395 : memref<1x!tpu.dma_semaphore, #tpu.memory_space<semaphore_mem>> -> memref<!tpu.dma_semaphore, #tpu.memory_space<semaphore_mem>>
        tpu.wait_indirect_dma semaphore(%dma_wait3A_396 : memref<!tpu.dma_semaphore, #tpu.memory_space<semaphore_mem>>) src(%dma_wait3A_388 : memref<128x64xf32, #tpu.memory_space<vmem>>) dst(%dma_wait3A_394 : memref<10016x64xf32, #tpu.memory_space<vmem_shared>>)
      } else {
      }
      %add3A_373 = arith.constant 3 : i32
      %add3A_374 = arith.addi %add3A_332, %add3A_373 : i32
      %lt3A_375 = arith.constant 80 : i32
      %lt3A_376 = arith.cmpi slt, %add3A_374, %lt3A_375 : i32
      %convert_element_type3A_377 = arith.extui %lt3A_376 : i1 to i32
      %cond3A_378 = arith.constant 0 : i32
      %cond3A_379 = arith.cmpi ne, %convert_element_type3A_377, %cond3A_378 : i32
      scf.if %cond3A_379 {
        %add3A_380 = arith.constant 3 : i32
        %add3A_381 = arith.addi %add3A_332, %add3A_380 : i32
        %dma_start3A_382 = arith.constant 2 : i32
        %dma_start3A_383 = arith.constant 2 : i32
        %dma_start3A_384 = arith.constant 0 : i32
        %dma_start3A_385 = arith.constant 0 : i32
        %dma_start3A_386 = tpu.memref_slice %arg9[%dma_start3A_382, %dma_start3A_384, %dma_start3A_385] : memref<5x128x64xf32, #tpu.memory_space<vmem>> -> memref<1x128x64xf32, #tpu.memory_space<vmem>>
        %dma_start3A_387 = tpu.memref_squeeze %dma_start3A_386 : memref<1x128x64xf32, #tpu.memory_space<vmem>> -> memref<128x64xf32, #tpu.memory_space<vmem>>
        %dma_start3A_388 = arith.constant 0 : i32
        %dma_start3A_389 = tpu.memref_slice %arg7[%add3A_381, %dma_start3A_388] : memref<80x128xi32, #tpu.memory_space<vmem>> -> memref<1x128xi32, #tpu.memory_space<vmem>>
        %dma_start3A_390 = tpu.memref_squeeze %dma_start3A_389 : memref<1x128xi32, #tpu.memory_space<vmem>> -> memref<128xi32, #tpu.memory_space<vmem>>
        %dma_start3A_391 = arith.constant 0 : i32
        %dma_start3A_392 = arith.constant 0 : i32
        %dma_start3A_393 = tpu.memref_slice %arg2[%dma_start3A_391, %dma_start3A_392] : memref<20000x64xf32, #tpu.memory_space<hbm>> -> memref<20000x64xf32, #tpu.memory_space<hbm>>
        %dma_start3A_394 = tpu.memref_slice %arg11[%dma_start3A_383] : memref<5x!tpu.dma_semaphore, #tpu.memory_space<semaphore_mem>> -> memref<1x!tpu.dma_semaphore, #tpu.memory_space<semaphore_mem>>
        %dma_start3A_395 = tpu.memref_squeeze %dma_start3A_394 : memref<1x!tpu.dma_semaphore, #tpu.memory_space<semaphore_mem>> -> memref<!tpu.dma_semaphore, #tpu.memory_space<semaphore_mem>>
        tpu.enqueue_indirect_dma source(%dma_start3A_393 : memref<20000x64xf32, #tpu.memory_space<hbm>>) target(%dma_start3A_387 : memref<128x64xf32, #tpu.memory_space<vmem>>) offsets(%dma_start3A_390 : memref<128xi32, #tpu.memory_space<vmem>>) semaphore(%dma_start3A_395 : memref<!tpu.dma_semaphore, #tpu.memory_space<semaphore_mem>>)
      } else {
      }
    }
    %scan3A_52 = arith.constant 16 : i32
    %dma_wait3A = arith.constant 0 : i32
    %dma_wait3A_53 = arith.constant 75 : i32
    %dma_wait3A_54 = arith.constant 0 : i32
    %dma_wait3A_55 = arith.constant 0 : i32
    %dma_wait3A_56 = arith.constant 0 : i32
    %dma_wait3A_57 = tpu.memref_slice %arg9[%dma_wait3A, %dma_wait3A_55, %dma_wait3A_56] : memref<5x128x64xf32, #tpu.memory_space<vmem>> -> memref<1x128x64xf32, #tpu.memory_space<vmem>>
    %dma_wait3A_58 = tpu.memref_squeeze %dma_wait3A_57 : memref<1x128x64xf32, #tpu.memory_space<vmem>> -> memref<128x64xf32, #tpu.memory_space<vmem>>
    %dma_wait3A_59 = arith.constant 0 : i32
    %dma_wait3A_60 = tpu.memref_slice %arg8[%dma_wait3A_53, %dma_wait3A_59] : memref<80x128xi32, #tpu.memory_space<vmem>> -> memref<1x128xi32, #tpu.memory_space<vmem>>
    %dma_wait3A_61 = tpu.memref_squeeze %dma_wait3A_60 : memref<1x128xi32, #tpu.memory_space<vmem>> -> memref<128xi32, #tpu.memory_space<vmem>>
    %dma_wait3A_62 = arith.constant 0 : i32
    %dma_wait3A_63 = arith.constant 0 : i32
    %dma_wait3A_64 = tpu.memref_slice %arg10[%dma_wait3A_62, %dma_wait3A_63] : memref<10016x64xf32, #tpu.memory_space<vmem_shared>> -> memref<10016x64xf32, #tpu.memory_space<vmem_shared>>
    %dma_wait3A_65 = tpu.memref_slice %arg12[%dma_wait3A_54] : memref<5x!tpu.dma_semaphore, #tpu.memory_space<semaphore_mem>> -> memref<1x!tpu.dma_semaphore, #tpu.memory_space<semaphore_mem>>
    %dma_wait3A_66 = tpu.memref_squeeze %dma_wait3A_65 : memref<1x!tpu.dma_semaphore, #tpu.memory_space<semaphore_mem>> -> memref<!tpu.dma_semaphore, #tpu.memory_space<semaphore_mem>>
    tpu.wait_indirect_dma semaphore(%dma_wait3A_66 : memref<!tpu.dma_semaphore, #tpu.memory_space<semaphore_mem>>) src(%dma_wait3A_58 : memref<128x64xf32, #tpu.memory_space<vmem>>) dst(%dma_wait3A_64 : memref<10016x64xf32, #tpu.memory_space<vmem_shared>>)
    %dma_wait3A_67 = arith.constant 1 : i32
    %dma_wait3A_68 = arith.constant 76 : i32
    %dma_wait3A_69 = arith.constant 1 : i32
    %dma_wait3A_70 = arith.constant 0 : i32
    %dma_wait3A_71 = arith.constant 0 : i32
    %dma_wait3A_72 = tpu.memref_slice %arg9[%dma_wait3A_67, %dma_wait3A_70, %dma_wait3A_71] : memref<5x128x64xf32, #tpu.memory_space<vmem>> -> memref<1x128x64xf32, #tpu.memory_space<vmem>>
    %dma_wait3A_73 = tpu.memref_squeeze %dma_wait3A_72 : memref<1x128x64xf32, #tpu.memory_space<vmem>> -> memref<128x64xf32, #tpu.memory_space<vmem>>
    %dma_wait3A_74 = arith.constant 0 : i32
    %dma_wait3A_75 = tpu.memref_slice %arg8[%dma_wait3A_68, %dma_wait3A_74] : memref<80x128xi32, #tpu.memory_space<vmem>> -> memref<1x128xi32, #tpu.memory_space<vmem>>
    %dma_wait3A_76 = tpu.memref_squeeze %dma_wait3A_75 : memref<1x128xi32, #tpu.memory_space<vmem>> -> memref<128xi32, #tpu.memory_space<vmem>>
    %dma_wait3A_77 = arith.constant 0 : i32
    %dma_wait3A_78 = arith.constant 0 : i32
    %dma_wait3A_79 = tpu.memref_slice %arg10[%dma_wait3A_77, %dma_wait3A_78] : memref<10016x64xf32, #tpu.memory_space<vmem_shared>> -> memref<10016x64xf32, #tpu.memory_space<vmem_shared>>
    %dma_wait3A_80 = tpu.memref_slice %arg12[%dma_wait3A_69] : memref<5x!tpu.dma_semaphore, #tpu.memory_space<semaphore_mem>> -> memref<1x!tpu.dma_semaphore, #tpu.memory_space<semaphore_mem>>
    %dma_wait3A_81 = tpu.memref_squeeze %dma_wait3A_80 : memref<1x!tpu.dma_semaphore, #tpu.memory_space<semaphore_mem>> -> memref<!tpu.dma_semaphore, #tpu.memory_space<semaphore_mem>>
    tpu.wait_indirect_dma semaphore(%dma_wait3A_81 : memref<!tpu.dma_semaphore, #tpu.memory_space<semaphore_mem>>) src(%dma_wait3A_73 : memref<128x64xf32, #tpu.memory_space<vmem>>) dst(%dma_wait3A_79 : memref<10016x64xf32, #tpu.memory_space<vmem_shared>>)
    %dma_wait3A_82 = arith.constant 2 : i32
    %dma_wait3A_83 = arith.constant 77 : i32
    %dma_wait3A_84 = arith.constant 2 : i32
    %dma_wait3A_85 = arith.constant 0 : i32
    %dma_wait3A_86 = arith.constant 0 : i32
    %dma_wait3A_87 = tpu.memref_slice %arg9[%dma_wait3A_82, %dma_wait3A_85, %dma_wait3A_86] : memref<5x128x64xf32, #tpu.memory_space<vmem>> -> memref<1x128x64xf32, #tpu.memory_space<vmem>>
    %dma_wait3A_88 = tpu.memref_squeeze %dma_wait3A_87 : memref<1x128x64xf32, #tpu.memory_space<vmem>> -> memref<128x64xf32, #tpu.memory_space<vmem>>
    %dma_wait3A_89 = arith.constant 0 : i32
    %dma_wait3A_90 = tpu.memref_slice %arg8[%dma_wait3A_83, %dma_wait3A_89] : memref<80x128xi32, #tpu.memory_space<vmem>> -> memref<1x128xi32, #tpu.memory_space<vmem>>
    %dma_wait3A_91 = tpu.memref_squeeze %dma_wait3A_90 : memref<1x128xi32, #tpu.memory_space<vmem>> -> memref<128xi32, #tpu.memory_space<vmem>>
    %dma_wait3A_92 = arith.constant 0 : i32
    %dma_wait3A_93 = arith.constant 0 : i32
    %dma_wait3A_94 = tpu.memref_slice %arg10[%dma_wait3A_92, %dma_wait3A_93] : memref<10016x64xf32, #tpu.memory_space<vmem_shared>> -> memref<10016x64xf32, #tpu.memory_space<vmem_shared>>
    %dma_wait3A_95 = tpu.memref_slice %arg12[%dma_wait3A_84] : memref<5x!tpu.dma_semaphore, #tpu.memory_space<semaphore_mem>> -> memref<1x!tpu.dma_semaphore, #tpu.memory_space<semaphore_mem>>
    %dma_wait3A_96 = tpu.memref_squeeze %dma_wait3A_95 : memref<1x!tpu.dma_semaphore, #tpu.memory_space<semaphore_mem>> -> memref<!tpu.dma_semaphore, #tpu.memory_space<semaphore_mem>>
    tpu.wait_indirect_dma semaphore(%dma_wait3A_96 : memref<!tpu.dma_semaphore, #tpu.memory_space<semaphore_mem>>) src(%dma_wait3A_88 : memref<128x64xf32, #tpu.memory_space<vmem>>) dst(%dma_wait3A_94 : memref<10016x64xf32, #tpu.memory_space<vmem_shared>>)
    %dma_wait3A_97 = arith.constant 3 : i32
    %dma_wait3A_98 = arith.constant 78 : i32
    %dma_wait3A_99 = arith.constant 3 : i32
    %dma_wait3A_100 = arith.constant 0 : i32
    %dma_wait3A_101 = arith.constant 0 : i32
    %dma_wait3A_102 = tpu.memref_slice %arg9[%dma_wait3A_97, %dma_wait3A_100, %dma_wait3A_101] : memref<5x128x64xf32, #tpu.memory_space<vmem>> -> memref<1x128x64xf32, #tpu.memory_space<vmem>>
    %dma_wait3A_103 = tpu.memref_squeeze %dma_wait3A_102 : memref<1x128x64xf32, #tpu.memory_space<vmem>> -> memref<128x64xf32, #tpu.memory_space<vmem>>
    %dma_wait3A_104 = arith.constant 0 : i32
    %dma_wait3A_105 = tpu.memref_slice %arg8[%dma_wait3A_98, %dma_wait3A_104] : memref<80x128xi32, #tpu.memory_space<vmem>> -> memref<1x128xi32, #tpu.memory_space<vmem>>
    %dma_wait3A_106 = tpu.memref_squeeze %dma_wait3A_105 : memref<1x128xi32, #tpu.memory_space<vmem>> -> memref<128xi32, #tpu.memory_space<vmem>>
    %dma_wait3A_107 = arith.constant 0 : i32
    %dma_wait3A_108 = arith.constant 0 : i32
    %dma_wait3A_109 = tpu.memref_slice %arg10[%dma_wait3A_107, %dma_wait3A_108] : memref<10016x64xf32, #tpu.memory_space<vmem_shared>> -> memref<10016x64xf32, #tpu.memory_space<vmem_shared>>
    %dma_wait3A_110 = tpu.memref_slice %arg12[%dma_wait3A_99] : memref<5x!tpu.dma_semaphore, #tpu.memory_space<semaphore_mem>> -> memref<1x!tpu.dma_semaphore, #tpu.memory_space<semaphore_mem>>
    %dma_wait3A_111 = tpu.memref_squeeze %dma_wait3A_110 : memref<1x!tpu.dma_semaphore, #tpu.memory_space<semaphore_mem>> -> memref<!tpu.dma_semaphore, #tpu.memory_space<semaphore_mem>>
    tpu.wait_indirect_dma semaphore(%dma_wait3A_111 : memref<!tpu.dma_semaphore, #tpu.memory_space<semaphore_mem>>) src(%dma_wait3A_103 : memref<128x64xf32, #tpu.memory_space<vmem>>) dst(%dma_wait3A_109 : memref<10016x64xf32, #tpu.memory_space<vmem_shared>>)
    %dma_wait3A_112 = arith.constant 4 : i32
    %dma_wait3A_113 = arith.constant 79 : i32
    %dma_wait3A_114 = arith.constant 4 : i32
    %dma_wait3A_115 = arith.constant 0 : i32
    %dma_wait3A_116 = arith.constant 0 : i32
    %dma_wait3A_117 = tpu.memref_slice %arg9[%dma_wait3A_112, %dma_wait3A_115, %dma_wait3A_116] : memref<5x128x64xf32, #tpu.memory_space<vmem>> -> memref<1x128x64xf32, #tpu.memory_space<vmem>>
    %dma_wait3A_118 = tpu.memref_squeeze %dma_wait3A_117 : memref<1x128x64xf32, #tpu.memory_space<vmem>> -> memref<128x64xf32, #tpu.memory_space<vmem>>
    %dma_wait3A_119 = arith.constant 0 : i32
    %dma_wait3A_120 = tpu.memref_slice %arg8[%dma_wait3A_113, %dma_wait3A_119] : memref<80x128xi32, #tpu.memory_space<vmem>> -> memref<1x128xi32, #tpu.memory_space<vmem>>
    %dma_wait3A_121 = tpu.memref_squeeze %dma_wait3A_120 : memref<1x128xi32, #tpu.memory_space<vmem>> -> memref<128xi32, #tpu.memory_space<vmem>>
    %dma_wait3A_122 = arith.constant 0 : i32
    %dma_wait3A_123 = arith.constant 0 : i32
    %dma_wait3A_124 = tpu.memref_slice %arg10[%dma_wait3A_122, %dma_wait3A_123] : memref<10016x64xf32, #tpu.memory_space<vmem_shared>> -> memref<10016x64xf32, #tpu.memory_space<vmem_shared>>
    %dma_wait3A_125 = tpu.memref_slice %arg12[%dma_wait3A_114] : memref<5x!tpu.dma_semaphore, #tpu.memory_space<semaphore_mem>> -> memref<1x!tpu.dma_semaphore, #tpu.memory_space<semaphore_mem>>
    %dma_wait3A_126 = tpu.memref_squeeze %dma_wait3A_125 : memref<1x!tpu.dma_semaphore, #tpu.memory_space<semaphore_mem>> -> memref<!tpu.dma_semaphore, #tpu.memory_space<semaphore_mem>>
    tpu.wait_indirect_dma semaphore(%dma_wait3A_126 : memref<!tpu.dma_semaphore, #tpu.memory_space<semaphore_mem>>) src(%dma_wait3A_118 : memref<128x64xf32, #tpu.memory_space<vmem>>) dst(%dma_wait3A_124 : memref<10016x64xf32, #tpu.memory_space<vmem_shared>>)
    %barrier3A_127 = arith.constant 0 : index
    tpu.barrier barrier_id(%barrier3A_127)
    "tpu.region"() ({
      %run_scoped3A = tpu.sem_alloc : memref<!tpu.dma_semaphore, #tpu.memory_space<semaphore_mem>>
      %dma_start3A_133 = arith.constant 0 : i32
      %dma_start3A_134 = arith.constant 0 : i32
      %dma_start3A_135 = tpu.memref_slice %arg6[%arg0, %dma_start3A_133, %dma_start3A_134] : memref<2x10000x64xf32, #tpu.memory_space<hbm>> -> memref<1x10000x64xf32, #tpu.memory_space<hbm>>
      %dma_start3A_136 = tpu.memref_squeeze %dma_start3A_135 : memref<1x10000x64xf32, #tpu.memory_space<hbm>> -> memref<10000x64xf32, #tpu.memory_space<hbm>>
      %dma_start3A_137 = arith.constant 0 : i32
      %dma_start3A_138 = tpu.memref_slice %dma_start3A_136[%mul3A_2, %dma_start3A_137] : memref<10000x64xf32, #tpu.memory_space<hbm>> -> memref<624x64xf32, #tpu.memory_space<hbm>>
      %dma_start3A_139 = arith.constant 0 : i32
      %dma_start3A_140 = tpu.memref_slice %arg10[%mul3A_2, %dma_start3A_139] : memref<10016x64xf32, #tpu.memory_space<vmem_shared>> -> memref<624x64xf32, #tpu.memory_space<vmem_shared>>
      tpu.enqueue_dma source(%dma_start3A_140 : memref<624x64xf32, #tpu.memory_space<vmem_shared>>) target(%dma_start3A_138 : memref<624x64xf32, #tpu.memory_space<hbm>>) target_semaphore(%run_scoped3A : memref<!tpu.dma_semaphore, #tpu.memory_space<semaphore_mem>>)
      %dma_wait3A_141 = arith.constant 0 : i32
      %dma_wait3A_142 = arith.constant 0 : i32
      %dma_wait3A_143 = tpu.memref_slice %arg6[%arg0, %dma_wait3A_141, %dma_wait3A_142] : memref<2x10000x64xf32, #tpu.memory_space<hbm>> -> memref<1x10000x64xf32, #tpu.memory_space<hbm>>
      %dma_wait3A_144 = tpu.memref_squeeze %dma_wait3A_143 : memref<1x10000x64xf32, #tpu.memory_space<hbm>> -> memref<10000x64xf32, #tpu.memory_space<hbm>>
      %dma_wait3A_145 = arith.constant 0 : i32
      %dma_wait3A_146 = tpu.memref_slice %dma_wait3A_144[%mul3A_2, %dma_wait3A_145] : memref<10000x64xf32, #tpu.memory_space<hbm>> -> memref<624x64xf32, #tpu.memory_space<hbm>>
      %dma_wait3A_147 = arith.constant 0 : i32
      %dma_wait3A_148 = tpu.memref_slice %arg10[%mul3A_2, %dma_wait3A_147] : memref<10016x64xf32, #tpu.memory_space<vmem_shared>> -> memref<624x64xf32, #tpu.memory_space<vmem_shared>>
      tpu.wait_dma2 semaphore(%run_scoped3A : memref<!tpu.dma_semaphore, #tpu.memory_space<semaphore_mem>>) src(%dma_wait3A_148 : memref<624x64xf32, #tpu.memory_space<vmem_shared>>) dst(%dma_wait3A_146 : memref<624x64xf32, #tpu.memory_space<hbm>>)
      tpu.yield
    }) : () -> ()
    %eq3A_128 = arith.constant 15 : i32
    %eq3A_129 = arith.cmpi eq, %arg1, %eq3A_128 : i32
    %convert_element_type3A_130 = arith.extui %eq3A_129 : i1 to i32
    %cond3A_131 = arith.constant 0 : i32
    %cond3A_132 = arith.cmpi ne, %convert_element_type3A_130, %cond3A_131 : i32
    scf.if %cond3A_132 {
      "tpu.region"() ({
        %run_scoped3A = tpu.sem_alloc : memref<!tpu.dma_semaphore, #tpu.memory_space<semaphore_mem>>
        %dma_start3A_133 = arith.constant 0 : i32
        %dma_start3A_134 = arith.constant 0 : i32
        %dma_start3A_135 = tpu.memref_slice %arg6[%arg0, %dma_start3A_133, %dma_start3A_134] : memref<2x10000x64xf32, #tpu.memory_space<hbm>> -> memref<1x10000x64xf32, #tpu.memory_space<hbm>>
        %dma_start3A_136 = tpu.memref_squeeze %dma_start3A_135 : memref<1x10000x64xf32, #tpu.memory_space<hbm>> -> memref<10000x64xf32, #tpu.memory_space<hbm>>
        %dma_start3A_137 = arith.constant 9984 : i32
        %dma_start3A_138 = arith.constant 0 : i32
        %dma_start3A_139 = tpu.memref_slice %dma_start3A_136[%dma_start3A_137, %dma_start3A_138] : memref<10000x64xf32, #tpu.memory_space<hbm>> -> memref<16x64xf32, #tpu.memory_space<hbm>>
        %dma_start3A_140 = arith.constant 9984 : i32
        %dma_start3A_141 = arith.constant 0 : i32
        %dma_start3A_142 = tpu.memref_slice %arg10[%dma_start3A_140, %dma_start3A_141] : memref<10016x64xf32, #tpu.memory_space<vmem_shared>> -> memref<16x64xf32, #tpu.memory_space<vmem_shared>>
        tpu.enqueue_dma source(%dma_start3A_142 : memref<16x64xf32, #tpu.memory_space<vmem_shared>>) target(%dma_start3A_139 : memref<16x64xf32, #tpu.memory_space<hbm>>) target_semaphore(%run_scoped3A : memref<!tpu.dma_semaphore, #tpu.memory_space<semaphore_mem>>)
        %dma_wait3A_143 = arith.constant 0 : i32
        %dma_wait3A_144 = arith.constant 0 : i32
        %dma_wait3A_145 = tpu.memref_slice %arg6[%arg0, %dma_wait3A_143, %dma_wait3A_144] : memref<2x10000x64xf32, #tpu.memory_space<hbm>> -> memref<1x10000x64xf32, #tpu.memory_space<hbm>>
        %dma_wait3A_146 = tpu.memref_squeeze %dma_wait3A_145 : memref<1x10000x64xf32, #tpu.memory_space<hbm>> -> memref<10000x64xf32, #tpu.memory_space<hbm>>
        %dma_wait3A_147 = arith.constant 9984 : i32
        %dma_wait3A_148 = arith.constant 0 : i32
        %dma_wait3A_149 = tpu.memref_slice %dma_wait3A_146[%dma_wait3A_147, %dma_wait3A_148] : memref<10000x64xf32, #tpu.memory_space<hbm>> -> memref<16x64xf32, #tpu.memory_space<hbm>>
        %dma_wait3A_150 = arith.constant 9984 : i32
        %dma_wait3A_151 = arith.constant 0 : i32
        %dma_wait3A_152 = tpu.memref_slice %arg10[%dma_wait3A_150, %dma_wait3A_151] : memref<10016x64xf32, #tpu.memory_space<vmem_shared>> -> memref<16x64xf32, #tpu.memory_space<vmem_shared>>
        tpu.wait_dma2 semaphore(%run_scoped3A : memref<!tpu.dma_semaphore, #tpu.memory_space<semaphore_mem>>) src(%dma_wait3A_152 : memref<16x64xf32, #tpu.memory_space<vmem_shared>>) dst(%dma_wait3A_149 : memref<16x64xf32, #tpu.memory_space<hbm>>)
        tpu.yield
      }) : () -> ()
    } else {
    }
    return
  }
}

module attributes {stable_mosaic.version = 14 : i64} {
  func.func @_tc_conv1_body(%arg0: i32, %arg1: memref<2x2000x64xf32, #tpu.memory_space<vmem>>, %arg2: memref<2x2000x16xf32, #tpu.memory_space<vmem>>, %arg3: memref<2000x128xf32, #tpu.memory_space<vmem>>, %arg4: memref<64x64xf32, #tpu.memory_space<vmem>>, %arg5: memref<1x64xf32, #tpu.memory_space<vmem>>, %arg6: memref<2000x128xf32, #tpu.memory_space<vmem>>) attributes {dimension_semantics = [#tpu.dimension_semantics<arbitrary>], iteration_bounds = array<i64: 5>, scalar_prefetch = 0 : i64, scratch_operands = 0 : i64, tpu.core_type = #tpu.core_type<tc>, window_params = [{transform_indices = @transform_0, window_bounds = array<i64: 2, 2000, 64>}, {transform_indices = @transform_1, window_bounds = array<i64: 2, 2000, 16>}, {transform_indices = @transform_2, window_bounds = array<i64: 2000, 128>}, {pipeline_mode = #tpu.pipeline_mode<synchronous>, transform_indices = @transform_3, window_bounds = array<i64: 64, 64>}, {pipeline_mode = #tpu.pipeline_mode<synchronous>, transform_indices = @transform_4, window_bounds = array<i64: 1, 64>}, {transform_indices = @transform_5, window_bounds = array<i64: 2000, 128>}]} {
    %get3A = arith.constant 0 : index
    %get3A_0 = arith.constant 0 : index
    %get3A_1 = arith.constant 0 : index
    %get3A_2 = vector.load %arg1[%get3A, %get3A_0, %get3A_1] : memref<2x2000x64xf32, #tpu.memory_space<vmem>>, vector<1x2000x64xf32>
    %get3A_3 = vector.shape_cast %get3A_2 : vector<1x2000x64xf32> to vector<2000x64xf32>
    %get3A_4 = arith.constant 1 : index
    %get3A_5 = arith.constant 0 : index
    %get3A_6 = arith.constant 0 : index
    %get3A_7 = vector.load %arg1[%get3A_4, %get3A_5, %get3A_6] : memref<2x2000x64xf32, #tpu.memory_space<vmem>>, vector<1x2000x64xf32>
    %get3A_8 = vector.shape_cast %get3A_7 : vector<1x2000x64xf32> to vector<2000x64xf32>
    %add3A = arith.addf %get3A_3, %get3A_8 : vector<2000x64xf32>
    %get3A_9 = arith.constant 0 : index
    %get3A_10 = arith.constant 0 : index
    %get3A_11 = arith.constant 0 : index
    %get3A_12 = vector.load %arg2[%get3A_9, %get3A_10, %get3A_11] : memref<2x2000x16xf32, #tpu.memory_space<vmem>>, vector<1x2000x16xf32>
    %get3A_13 = vector.shape_cast %get3A_12 : vector<1x2000x16xf32> to vector<2000x16xf32>
    %get3A_14 = arith.constant 1 : index
    %get3A_15 = arith.constant 0 : index
    %get3A_16 = arith.constant 0 : index
    %get3A_17 = vector.load %arg2[%get3A_14, %get3A_15, %get3A_16] : memref<2x2000x16xf32, #tpu.memory_space<vmem>>, vector<1x2000x16xf32>
    %get3A_18 = vector.shape_cast %get3A_17 : vector<1x2000x16xf32> to vector<2000x16xf32>
    %add3A_19 = arith.addf %get3A_13, %get3A_18 : vector<2000x16xf32>
    %slice3A = vector.extract_strided_slice %add3A_19 {offsets = [0, 0], sizes = [2000, 1], strides = [1, 1]} : vector<2000x16xf32> to vector<2000x1xf32>
    %max3A = arith.constant 1.000000e+00 : f32
    %max3A_20 = vector.broadcast %max3A : f32 to vector<2000x1xf32>
    %max3A_21 = arith.maximumf %slice3A, %max3A_20 : vector<2000x1xf32>
    %div3A = arith.constant 1.000000e+00 : f32
    %div3A_22 = vector.broadcast %div3A : f32 to vector<2000x1xf32>
    %div3A_23 = arith.divf %div3A_22, %max3A_21 : vector<2000x1xf32>
    %mul3A = vector.broadcast %div3A_23 : vector<2000x1xf32> to vector<2000x64xf32>
    %mul3A_24 = arith.mulf %add3A, %mul3A : vector<2000x64xf32>
    %get3A_25 = arith.constant 0 : index
    %get3A_26 = arith.constant 0 : index
    %get3A_27 = vector.load %arg4[%get3A_25, %get3A_26] : memref<64x64xf32, #tpu.memory_space<vmem>>, vector<64x64xf32>
    %dot_general3A = arith.constant dense<0.000000e+00> : vector<2000x64xf32>
    %dot_general3A_28 = tpu.matmul %mul3A_24, %get3A_27, %dot_general3A {dimension_numbers = #tpu.dot_dimension_numbers<[1], [0], [0], [1], [0, 0, 1, 1], [], []>, transpose_lhs_hint = false} : vector<2000x64xf32>, vector<64x64xf32>, vector<2000x64xf32> -> vector<2000x64xf32>
    %get3A_29 = arith.constant 0 : index
    %get3A_30 = arith.constant 0 : index
    %get3A_31 = vector.load %arg3[%get3A_29, %get3A_30] : memref<2000x128xf32, #tpu.memory_space<vmem>>, vector<2000x64xf32>
    %add3A_32 = arith.addf %get3A_31, %dot_general3A_28 : vector<2000x64xf32>
    %get3A_33 = arith.constant 0 : index
    %get3A_34 = arith.constant 0 : index
    %get3A_35 = vector.load %arg5[%get3A_33, %get3A_34] : memref<1x64xf32, #tpu.memory_space<vmem>>, vector<1x64xf32>
    %add3A_36 = vector.broadcast %get3A_35 : vector<1x64xf32> to vector<2000x64xf32>
    %add3A_37 = arith.addf %add3A_32, %add3A_36 : vector<2000x64xf32>
    %broadcast_in_dim3A = arith.constant 0.000000e+00 : f32
    %broadcast_in_dim3A_38 = vector.broadcast %broadcast_in_dim3A : f32 to vector<2000x64xf32>
    %concatenate3A = tpu.concatenate %add3A_37, %broadcast_in_dim3A_38 in 1 : vector<2000x64xf32>, vector<2000x64xf32> -> vector<2000x128xf32>
    %swap3A = arith.constant 0 : index
    %swap3A_39 = arith.constant 0 : index
    %swap3A_40 = vector.load %arg6[%swap3A, %swap3A_39] : memref<2000x128xf32, #tpu.memory_space<vmem>>, vector<2000x128xf32>
    tpu.vector_store %arg6[%swap3A, %swap3A_39], %concatenate3A {strides = array<i32>} : memref<2000x128xf32, #tpu.memory_space<vmem>>, vector<2000x128xf32>,
    return
  }
  func.func @transform_0(%arg0: i32) -> (i32, i32, i32) {
    %c0_i32 = arith.constant 0 : i32
    %c0_i32_0 = arith.constant 0 : i32
    %c0_i32_1 = arith.constant 0 : i32
    return %c0_i32, %arg0, %c0_i32_0 : i32, i32, i32
  }
  func.func @transform_1(%arg0: i32) -> (i32, i32, i32) {
    %c0_i32 = arith.constant 0 : i32
    %c0_i32_0 = arith.constant 0 : i32
    %c0_i32_1 = arith.constant 0 : i32
    return %c0_i32, %arg0, %c0_i32_0 : i32, i32, i32
  }
  func.func @transform_2(%arg0: i32) -> (i32, i32) {
    %c0_i32 = arith.constant 0 : i32
    %c0_i32_0 = arith.constant 0 : i32
    return %arg0, %c0_i32 : i32, i32
  }
  func.func @transform_3(%arg0: i32) -> (i32, i32) {
    %c0_i32 = arith.constant 0 : i32
    %c0_i32_0 = arith.constant 0 : i32
    %c0_i32_1 = arith.constant 0 : i32
    return %c0_i32, %c0_i32_0 : i32, i32
  }
  func.func @transform_4(%arg0: i32) -> (i32, i32) {
    %c0_i32 = arith.constant 0 : i32
    %c0_i32_0 = arith.constant 0 : i32
    %c0_i32_1 = arith.constant 0 : i32
    return %c0_i32, %c0_i32_0 : i32, i32
  }
  func.func @transform_5(%arg0: i32) -> (i32, i32) {
    %c0_i32 = arith.constant 0 : i32
    %c0_i32_0 = arith.constant 0 : i32
    return %arg0, %c0_i32 : i32, i32
  }
}

module attributes {stable_mosaic.version = 14 : i64} {
  func.func @_tc_conv2_body(%arg0: i32, %arg1: memref<2x2000x64xf32, #tpu.memory_space<vmem>>, %arg2: memref<2x2000x16xf32, #tpu.memory_space<vmem>>, %arg3: memref<2000x128xf32, #tpu.memory_space<vmem>>, %arg4: memref<2000x128xf32, #tpu.memory_space<vmem>>, %arg5: memref<64x64xf32, #tpu.memory_space<vmem>>, %arg6: memref<1x64xf32, #tpu.memory_space<vmem>>, %arg7: memref<2000x128xf32, #tpu.memory_space<vmem>>) attributes {dimension_semantics = [#tpu.dimension_semantics<arbitrary>], iteration_bounds = array<i64: 5>, scalar_prefetch = 0 : i64, scratch_operands = 0 : i64, tpu.core_type = #tpu.core_type<tc>, window_params = [{transform_indices = @transform_0, window_bounds = array<i64: 2, 2000, 64>}, {transform_indices = @transform_1, window_bounds = array<i64: 2, 2000, 16>}, {transform_indices = @transform_2, window_bounds = array<i64: 2000, 128>}, {transform_indices = @transform_3, window_bounds = array<i64: 2000, 128>}, {pipeline_mode = #tpu.pipeline_mode<synchronous>, transform_indices = @transform_4, window_bounds = array<i64: 64, 64>}, {pipeline_mode = #tpu.pipeline_mode<synchronous>, transform_indices = @transform_5, window_bounds = array<i64: 1, 64>}, {transform_indices = @transform_6, window_bounds = array<i64: 2000, 128>}]} {
    %get3A = arith.constant 0 : index
    %get3A_0 = arith.constant 0 : index
    %get3A_1 = arith.constant 0 : index
    %get3A_2 = vector.load %arg1[%get3A, %get3A_0, %get3A_1] : memref<2x2000x64xf32, #tpu.memory_space<vmem>>, vector<1x2000x64xf32>
    %get3A_3 = vector.shape_cast %get3A_2 : vector<1x2000x64xf32> to vector<2000x64xf32>
    %get3A_4 = arith.constant 1 : index
    %get3A_5 = arith.constant 0 : index
    %get3A_6 = arith.constant 0 : index
    %get3A_7 = vector.load %arg1[%get3A_4, %get3A_5, %get3A_6] : memref<2x2000x64xf32, #tpu.memory_space<vmem>>, vector<1x2000x64xf32>
    %get3A_8 = vector.shape_cast %get3A_7 : vector<1x2000x64xf32> to vector<2000x64xf32>
    %add3A = arith.addf %get3A_3, %get3A_8 : vector<2000x64xf32>
    %get3A_9 = arith.constant 0 : index
    %get3A_10 = arith.constant 0 : index
    %get3A_11 = arith.constant 0 : index
    %get3A_12 = vector.load %arg2[%get3A_9, %get3A_10, %get3A_11] : memref<2x2000x16xf32, #tpu.memory_space<vmem>>, vector<1x2000x16xf32>
    %get3A_13 = vector.shape_cast %get3A_12 : vector<1x2000x16xf32> to vector<2000x16xf32>
    %get3A_14 = arith.constant 1 : index
    %get3A_15 = arith.constant 0 : index
    %get3A_16 = arith.constant 0 : index
    %get3A_17 = vector.load %arg2[%get3A_14, %get3A_15, %get3A_16] : memref<2x2000x16xf32, #tpu.memory_space<vmem>>, vector<1x2000x16xf32>
    %get3A_18 = vector.shape_cast %get3A_17 : vector<1x2000x16xf32> to vector<2000x16xf32>
    %add3A_19 = arith.addf %get3A_13, %get3A_18 : vector<2000x16xf32>
    %slice3A = vector.extract_strided_slice %add3A_19 {offsets = [0, 0], sizes = [2000, 1], strides = [1, 1]} : vector<2000x16xf32> to vector<2000x1xf32>
    %max3A = arith.constant 1.000000e+00 : f32
    %max3A_20 = vector.broadcast %max3A : f32 to vector<2000x1xf32>
    %max3A_21 = arith.maximumf %slice3A, %max3A_20 : vector<2000x1xf32>
    %div3A = arith.constant 1.000000e+00 : f32
    %div3A_22 = vector.broadcast %div3A : f32 to vector<2000x1xf32>
    %div3A_23 = arith.divf %div3A_22, %max3A_21 : vector<2000x1xf32>
    %mul3A = vector.broadcast %div3A_23 : vector<2000x1xf32> to vector<2000x64xf32>
    %mul3A_24 = arith.mulf %add3A, %mul3A : vector<2000x64xf32>
    %get3A_25 = arith.constant 0 : index
    %get3A_26 = arith.constant 0 : index
    %get3A_27 = vector.load %arg5[%get3A_25, %get3A_26] : memref<64x64xf32, #tpu.memory_space<vmem>>, vector<64x64xf32>
    %dot_general3A = arith.constant dense<0.000000e+00> : vector<2000x64xf32>
    %dot_general3A_28 = tpu.matmul %mul3A_24, %get3A_27, %dot_general3A {dimension_numbers = #tpu.dot_dimension_numbers<[1], [0], [0], [1], [0, 0, 1, 1], [], []>, transpose_lhs_hint = false} : vector<2000x64xf32>, vector<64x64xf32>, vector<2000x64xf32> -> vector<2000x64xf32>
    %get3A_29 = arith.constant 0 : index
    %get3A_30 = arith.constant 64 : index
    %get3A_31 = vector.load %arg3[%get3A_29, %get3A_30] : memref<2000x128xf32, #tpu.memory_space<vmem>>, vector<2000x64xf32>
    %add3A_32 = arith.addf %get3A_31, %dot_general3A_28 : vector<2000x64xf32>
    %get3A_33 = arith.constant 0 : index
    %get3A_34 = arith.constant 0 : index
    %get3A_35 = vector.load %arg6[%get3A_33, %get3A_34] : memref<1x64xf32, #tpu.memory_space<vmem>>, vector<1x64xf32>
    %add3A_36 = vector.broadcast %get3A_35 : vector<1x64xf32> to vector<2000x64xf32>
    %add3A_37 = arith.addf %add3A_32, %add3A_36 : vector<2000x64xf32>
    %get3A_38 = arith.constant 0 : index
    %get3A_39 = arith.constant 0 : index
    %get3A_40 = vector.load %arg4[%get3A_38, %get3A_39] : memref<2000x128xf32, #tpu.memory_space<vmem>>, vector<2000x64xf32>
    %concatenate3A = tpu.concatenate %get3A_40, %add3A_37 in 1 : vector<2000x64xf32>, vector<2000x64xf32> -> vector<2000x128xf32>
    %swap3A = arith.constant 0 : index
    %swap3A_41 = arith.constant 0 : index
    %swap3A_42 = vector.load %arg7[%swap3A, %swap3A_41] : memref<2000x128xf32, #tpu.memory_space<vmem>>, vector<2000x128xf32>
    tpu.vector_store %arg7[%swap3A, %swap3A_41], %concatenate3A {strides = array<i32>} : memref<2000x128xf32, #tpu.memory_space<vmem>>, vector<2000x128xf32>,
    return
  }
  func.func @transform_0(%arg0: i32) -> (i32, i32, i32) {
    %c0_i32 = arith.constant 0 : i32
    %c0_i32_0 = arith.constant 0 : i32
    %c0_i32_1 = arith.constant 0 : i32
    return %c0_i32, %arg0, %c0_i32_0 : i32, i32, i32
  }
  func.func @transform_1(%arg0: i32) -> (i32, i32, i32) {
    %c0_i32 = arith.constant 0 : i32
    %c0_i32_0 = arith.constant 0 : i32
    %c0_i32_1 = arith.constant 0 : i32
    return %c0_i32, %arg0, %c0_i32_0 : i32, i32, i32
  }
  func.func @transform_2(%arg0: i32) -> (i32, i32) {
    %c0_i32 = arith.constant 0 : i32
    %c0_i32_0 = arith.constant 0 : i32
    return %arg0, %c0_i32 : i32, i32
  }
  func.func @transform_3(%arg0: i32) -> (i32, i32) {
    %c0_i32 = arith.constant 0 : i32
    %c0_i32_0 = arith.constant 0 : i32
    return %arg0, %c0_i32 : i32, i32
  }
  func.func @transform_4(%arg0: i32) -> (i32, i32) {
    %c0_i32 = arith.constant 0 : i32
    %c0_i32_0 = arith.constant 0 : i32
    %c0_i32_1 = arith.constant 0 : i32
    return %c0_i32, %c0_i32_0 : i32, i32
  }
  func.func @transform_5(%arg0: i32) -> (i32, i32) {
    %c0_i32 = arith.constant 0 : i32
    %c0_i32_0 = arith.constant 0 : i32
    %c0_i32_1 = arith.constant 0 : i32
    return %c0_i32, %c0_i32_0 : i32, i32
  }
  func.func @transform_6(%arg0: i32) -> (i32, i32) {
    %c0_i32 = arith.constant 0 : i32
    %c0_i32_0 = arith.constant 0 : i32
    return %arg0, %c0_i32 : i32, i32
  }
}

</mosaic_0001>

<sc_bundles>
// kernel: kernel.6.cloned.1.call-start
scs
__scs_entry_jumppad:
0x0: {  	(pc) =	sbr.rel $0x88, $3  }
0x1: {  	(tag) =	ssettag $0x0;
	lr =	simm.s32 $0x1  }
0x2: {  	[smem:$0x3F9B] =	sst lr;
	_ =	strace $0xD0000000  }
0x3: {  	_ = 	snop  }
0x4: {  	_ = 	snop  }
0x5: {  	_ = 	snop  }
0x6: {  	_ = 	snop  }
0x7: {  	_ = 	snop  }
__scs_overlays_trampoline_lowered:
0x8: {  	[smem:$0x3FAA] =	sst s0  }
0x9: {  	[smem:$0x3FAB] =	sst s1  }
0xa: {  	[smem:$0x3FAC] =	sst s2  }
0xb: {  	[smem:$0x3FAD] =	sst s3  }
0xc: {  	[smem:$0x3FAE] =	sst s4  }
0xd: {  	[smem:$0x3FAF] =	sst s5  }
0xe: {  	[smem:$0x3FB0] =	sst s6  }
0xf: {  	[smem:$0x3FB1] =	sst s7  }
0x10: {  	[smem:$0x3FB2] =	sst s8  }
0x11: {  	[smem:$0x3FB3] =	sst s9;
	s0 =	simm.s32 @!p0 $0x0  }
0x12: {  	s1 =	sld [smem:$0x3F99];
	s0 =	simm.s32 @p0 $0x1  }
0x13: {  	[smem:$0x3FB4] =	sst s0;
	s0 =	simm.s32 @!p1 $0x0  }
0x14: {  	s2 =	sld [smem:$0x3F98];
	s0 =	simm.s32 @p1 $0x1  }
0x15: {  	[smem:$0x3FB5] =	sst s0;
	s0 =	simm.s32 @!p2 $0x0  }
0x16: {  	s3 =	sld [smem:$0x3FDB];
	s0 =	simm.s32 @p2 $0x1  }
0x17: {  	s4 =	simm.s32 $0x1BF5;
	[smem:$0x3FB7] =	sst s0  }
0x18: {  	s0 =	sld [smem:$0x3F9A];
	_ =	swait.ge [sflag:s4], $0x0  }
0x19: {  	s7 =	sld [smem:$0x3F9B]  }
0x1a: {  	s8 =	sadd.s32 $0xFFFFE003, lr  }
0x1b: {  	s9 =	sadd.s32 $0xFFFFFEF7, lr;
	s5 =	simm.s32 $0xFFFFFFFF;
	p2 =	slt.u32 s8, $0xFFFFF086  }
0x1c: {  	p1 =	slt.u32 s9, $0xF7A;
	s5 =	simm.s32 @!p2 $0x0  }
0x1d: {  	s5 =	simm.s32 @p1 $0x1;
	p0 =	seq.s32 s7, s2  }
0x1e: {  	s7 =	smul.u32 @!p0 $0xF7A, s2;
	p2 =	seq.s32 @!p0 s5, $0x0  }
0x1f: {  	s9 =	smul.u32 $0xF7A, s1;
	s8 =	simm.s32 @!p0 $0x1BF5;
	p2 =	por !p2, p0  }
0x20: {  	[sflag:s8] =	ssyncset.s32 @!p0 $0xFFFFF086;
	s6 =	sadd.s32 @!p0 s3, s7;
	s7 =	simm.s32 @!p0 $0x108  }
0x21: {  	s3 =	sadd.s32 s3, s9;
	s6 =	sadd.s32 @!p0 $0x88, s6;
	s7 =	simm.s32 @p2 $0x1082  }
0x22: {  	[simem:s7], [sflag:s8] =	dma.local @!p0 [hbm:s6], $0xF7A  }
0x23: {  	s9 =	sor.u32 $0xD0000000, s2;
	s6 =	simm.s32 $0x108;
	_ =	swait.ge @!p0 [sflag:s8], $0x0  }
0x24: {  	s3 =	sadd.s32 $0x88, s3;
	s6 =	simm.s32 @!p1 $0x1082;
	[sflag:s4] =	ssyncset.s32 $0xFFFFF086  }
0x25: {  	[simem:s6], [sflag:s4] =	dma.local [hbm:s3], $0xF7A  }
0x26: {  	[smem:$0x3F9B] =	sst s1;
	(tag) =	ssettag s2;
	_ =	strace s9  }
0x27: {  	s1 =	sld [smem:$0x3FAB]  }
0x28: {  	s2 =	sld [smem:$0x3FAC]  }
0x29: {  	s4 =	sld [smem:$0x3FAE]  }
0x2a: {  	p0 =	seq.s32 s5, $0x0;
	s5 =	sld [smem:$0x3FAF]  }
0x2b: {  	s6 =	sld [smem:$0x3FB0]  }
0x2c: {  	s7 =	sld [smem:$0x3FB1]  }
0x2d: {  	s3 =	simm.s32 $0x108;
	s8 =	sld [smem:$0x3FB2]  }
0x2e: {  	s3 =	simm.s32 @!p0 $0x1082;
	s9 =	sld [smem:$0x3FB3]  }
0x2f: {  	lr =	sadd.s32 s0, s3;
	s0 =	sld [smem:$0x3FAA]  }
0x30: {  	s3 =	sld [smem:$0x3FAD]  }
0x31: {  	[smem:$0x3FB6] =	sst s10  }
0x32: {  	s10 =	sld [smem:$0x3FB4];
	_ =	sdelay $0x3  }
0x33: {  	p0 =	seq.s32 s10, $0x1;
	s10 =	sld [smem:$0x3FB6];
	_ =	sdelay $0x3  }
0x34: {  	[smem:$0x3FB6] =	sst s10  }
0x35: {  	s10 =	sld [smem:$0x3FB5];
	_ =	sdelay $0x3  }
0x36: {  	p1 =	seq.s32 s10, $0x1;
	s10 =	sld [smem:$0x3FB6];
	_ =	sdelay $0x3  }
0x37: {  	[smem:$0x3FB6] =	sst s10  }
0x38: {  	s10 =	sld [smem:$0x3FB7]  }
0x39: {  	_ = 	snop;
	(pc) =	sbr.ind lr, $3  }
0x3a: {  	_ = 	snop  }
0x3b: {  	_ = 	snop  }
0x3c: {  	p2 =	seq.s32 s10, $0x1;
	s10 =	sld [smem:$0x3FB6]  }
0x3d: {  	_ =	shalt  }
0x3e: {  	_ =	shalt  }
0x3f: {  	_ =	shalt  }
0x40: {  	_ =	shalt  }
0x41: {  	_ =	shalt  }
0x42: {  	_ =	shalt  }
0x43: {  	_ =	shalt  }
0x44: {  	_ =	shalt  }
0x45: {  	_ =	shalt  }
0x46: {  	_ =	shalt  }
0x47: {  	_ =	shalt  }
0x48: {  	_ =	shalt  }
0x49: {  	_ =	shalt  }
0x4a: {  	_ =	shalt  }
0x4b: {  	_ =	shalt  }
0x4c: {  	_ =	shalt  }
0x4d: {  	_ =	shalt  }
0x4e: {  	_ =	shalt  }
0x4f: {  	_ =	shalt  }
0x50: {  	_ =	shalt  }
0x51: {  	_ =	shalt  }
0x52: {  	_ =	shalt  }
0x53: {  	_ =	shalt  }
0x54: {  	_ =	shalt  }
0x55: {  	_ =	shalt  }
0x56: {  	_ =	shalt  }
0x57: {  	_ =	shalt  }
0x58: {  	_ =	shalt  }
0x59: {  	_ =	shalt  }
0x5a: {  	_ =	shalt  }
0x5b: {  	_ =	shalt  }
0x5c: {  	_ =	shalt  }
0x5d: {  	_ =	shalt  }
0x5e: {  	_ =	shalt  }
0x5f: {  	_ =	shalt  }
0x60: {  	_ =	shalt  }
0x61: {  	_ =	shalt  }
0x62: {  	_ =	shalt  }
0x63: {  	_ =	shalt  }
0x64: {  	_ =	shalt  }
0x65: {  	_ =	shalt  }
0x66: {  	_ =	shalt  }
0x67: {  	_ =	shalt  }
0x68: {  	_ =	shalt  }
0x69: {  	_ =	shalt  }
0x6a: {  	_ =	shalt  }
0x6b: {  	_ =	shalt  }
0x6c: {  	_ =	shalt  }
0x6d: {  	_ =	shalt  }
0x6e: {  	_ =	shalt  }
0x6f: {  	_ =	shalt  }
0x70: {  	_ =	shalt  }
0x71: {  	_ =	shalt  }
0x72: {  	_ =	shalt  }
0x73: {  	_ =	shalt  }
0x74: {  	_ =	shalt  }
0x75: {  	_ =	shalt  }
0x76: {  	_ =	shalt  }
0x77: {  	_ =	shalt  }
0x78: {  	_ =	shalt  }
0x79: {  	_ =	shalt  }
0x7a: {  	_ =	shalt  }
0x7b: {  	_ =	shalt  }
0x7c: {  	_ =	shalt  }
0x7d: {  	_ =	shalt  }
0x7e: {  	_ =	shalt  }
0x7f: {  	_ =	shalt  }
0x80: {  	_ =	shalt  }
0x81: {  	_ =	shalt  }
0x82: {  	_ =	shalt  }
0x83: {  	_ =	shalt  }
0x84: {  	_ =	shalt  }
0x85: {  	_ =	shalt  }
0x86: {  	_ =	shalt  }
0x87: {  	_ =	shalt  }
.Lfunc_end0:
.L_simem_size_0:
called_computation_lowered:
.L_overlay_start_0:
0x88: {  	s2 =	sld [smem:$0x3FD9]  }
0x89: {  	s3 =	sld [smem:$0x3FFE];
	_ =	sdelay $0x1  }
0x8a: {  	s1 =	srdreg.scid  }
0x8b: {  	s0 =	sand.u32 $0x1, s1  }
0x8c: {  	s17 =	sshll.u32 s0, $0xA;
	s2 =	sadd.s32 s3, s2  }
0x8d: {  	s2 =	sadd.s32 s2, s17  }
0x8e: {  	[smem:$0x3FC2] =	sst s2  }
0x8f: {  	_ = 	snop  }
0x90: {  	s2 =	sld [smem:$0x3FC9]  }
0x91: {  	s18 =	sld [smem:$0x3FD0];
	(tm) =	ssettm $0x1  }
0x92: {  	s4 =	sld [smem:$0x3FFB];
	_ =	sdelay $0x3  }
0x93: {  	_ =	strace s4  }
0x94: {  	s4 =	sld [smem:$0x3FFC];
	_ =	sdelay $0x3  }
0x95: {  	_ =	strace s4  }
0x96: {  	s4 =	sld [smem:$0x3FFD];
	_ =	sdelay $0x3  }
0x97: {  	_ =	strace s4  }
0x98: {  	_ =	strace $0x8FFFFFFF  }
0x99: {  	s19 =	sld [smem:$0x3FDB];
	_ =	sdelay $0x1  }
0x9a: {  	s5 =	simm.s32 $_scs_section_size  }
0x9b: {  	s6 =	simm.s32 $_size__tile_overlayer_lowered;
	s7 =	simm.s32 $_tile_overlayer_lowered  }
0x9c: {  	s22 =	simm.s32 $0x1BFF;
	s21 =	sshll.u32 s7, $0x1;
	s4 =	sadd.s32 s5, s19  }
0x9d: {  	s8 =	simm.s32 $0x0;
	s20 =	sshll.u32 s6, $0x1;
	s6 =	sadd.s32 s21, s4  }
0x9e: {  	[timem:s8], [sflag:s22] =	dma.local [hbm:s6], s20  }
0x9f: {  	_ =	swait.ge [sflag:s22], s20  }
0xa0: {  	s5 =	ssub.s32 $0x0, s20;
	[sflag:s22] =	ssyncset.done $0x0  }
0xa1: {  	[sflag:s22] =	ssyncadd.s32 s5;
	_ =	sdelay $0x1  }
0xa2: {  	s23 =	simm.s32 $0x1B8B  }
0xa3: {  	_ =	swait.ge [sflag:s23], $0x1  }
0xa4: {  	[sflag:s23] =	ssyncset.done $0x0  }
0xa5: {  	s25 =	simm.s32 $0x1B8E;
	s24 =	sld [smem:$0x3FFE];
	[sflag:s23] =	ssyncadd.s32 $0xFFFFFFFF  }
0xa6: {  	s26 =	simm.s32 $execute0_lowered;
	[smem:$0x3FD2] =	sst s25  }
0xa7: {  	s6 =	sshll.u32 s26, $0x1;
	_ =	strace $0x80000046;
	[dreg:$0x1] =	wrdreg $0xFFFFFFFF  }
0xa8: {  	s28 =	simm.s32 $_size_execute0_lowered;
	s4 =	sadd.s32 s4, s6;
	[dreg:$0x0] =	wrdreg $0x0  }
0xa9: {  	s6 =	sshll.u32 s28, $0x1;
	[dreg:$0x2] =	wrdreg s4  }
0xaa: {  	[dreg:$0x3] =	wrdreg s6  }
0xab: {  	[dreg:$0x4] =	wrdreg $0xC0  }
0xac: {  	_ =	task [dreg:s8], $0x5FFFF  }
0xad: {  	[dreg:$0x1] =	wrdreg $0xFFFFFFFF  }
0xae: {  	[dreg:$0x0] =	wrdreg $0x60  }
0xaf: {  	[dreg:$0x2] =	wrdreg s2  }
0xb0: {  	[dreg:$0x3] =	wrdreg s24  }
0xb1: {  	[dreg:$0x4] =	wrdreg s18  }
0xb2: {  	[dreg:$0x5] =	wrdreg $0xF0000  }
0xb3: {  	[dreg:$0x6] =	wrdreg $0x194800  }
0xb4: {  	[dreg:$0x7] =	wrdreg $0x9  }
0xb5: {  	_ =	task.clear_ibuf [dreg:s8], $0x8FFFF;
	_ =	strace $0x90000046  }
0xb6: {  	s29 =	simm.s32 $0x9;
	_ =	strace $0x80000048  }
0xb7: {  	_ =	swait.ge [sflag:s29], $0x1  }
0xb8: {  	[sflag:s29] =	ssyncadd.s32 $0xFFFFFFFF  }
0xb9: {  	_ =	strace $0x90000048  }
0xba: {  	_ =	sfence  }
0xbb: {  	s30 =	sld [smem:$0x0];
	_ =	sdelay $0x2  }
0xbc: {  	s31 =	sshll.u32 s1, $0xD;
	s1 =	sshrl.u32 s1, $0x2  }
0xbd: {  	s3 =	sand.u32 $0x4000, s31;
	s1 =	sadd.s32 s1, s30  }
0xbe: {  	s0 =	sor.u32 s3, s0;
	s1 =	sshll.u32 s1, $0x11  }
0xbf: {  	s0 =	sor.u32 s1, s0  }
0xc0: {  	s0 =	sadd.s32 $0x8F2B, s0  }
0xc1: {  	[sflag:s0] =	ssyncadd.remote.s32 $0x1  }
0xc2: {  	_ =	sfence.sel $0xFFFF  }
0xc3: {  	[dreg:$0x0] =	wrdreg $0xFFFFFFFF;
	(pc) =	sbr.abs _section_cstart, $3  }
0xc4: {  	[dreg:$0x1] =	wrdreg $0xFFFFFFFF  }
0xc5: {  	_ =	task.clear_ibuf [dreg:s8], $0x2FFFF;
	_ =	strace $0x9FFFFFFF  }
0xc6: {  	(tm) =	ssettm $0x7FFFFFFF  }
0xc7: {  	_ =	shalt  }
tec
execute0_lowered:
.L_overlay_start_1:
0x0: {  	(tag) =	ssettag $0x1  }
0x1: {  	s1 =	rddreg [dreg:$0x0]  }
0x2: {  	s0 =	rddreg [dreg:$0x1]  }
0x3: {  	s2 =	srdreg.scid;
	s5 =	rddreg [dreg:$0x2]  }
0x4: {  	s14 =	stileid.u32;
	s3 =	rddreg [dreg:$0x3]  }
0x5: {  	s8 =	simm.s32 $0x0;
	s28 =	simm.s32 $0x5000;
	s29 =	simm.s32 $0x7000  }
0x6: {  	s31 =	simm.s32 $0x9000;
	s30 =	simm.s32 $0xD000;
	s2 =	sand.u32 $0x1, s2  }
0x7: {  	s4 =	sshll.u32 s14, $0x1;
	s7 =	smul.u32 $0x9C00, s14;
	[smem:$0x7FF] =	sst s8  }
0x8: {  	s15 =	smul.u32 $0x2700, s14;
	s13 =	sadd.s32 $0x1FE00, s0;
	s17 =	sshll.u32 s14, $0x6  }
0x9: {  	s19 =	sadd.s32 $0x9C000, s3;
	s6 =	sor.u32 s2, s4;
	s4 =	rddreg [dreg:$0x4]  }
0xa: {  	s20 =	sadd.s32 $0x38800, s0;
	_ =	strace $0x80000047;
	[dreg:$0x8] =	wrdreg s13  }
0xb: {  	p0 =	sne.s32 s14, $0xF;
	s9 =	smul.u32 $0x4E20, s2;
	[dreg:$0xc] =	wrdreg s19  }
0xc: {  	s12 =	ssub.s32 $0x2, s2;
	s2 =	smul.u32 $0x13880, s2;
	[dreg:$0xd] =	wrdreg s20  }
0xd: {  	s6 =	smul.u32 $0x500, s6;
	s10 =	sshrl.u32 s7, $0x3;
	s11 =	sshrl.u32 s15, $0x3  }
0xe: {  	s16 =	sshrl.u32 s12, $0x1;
	s7 =	sadd.s32 s7, s3;
	s8 =	sadd.s32 s15, s4  }
0xf: {  	s21 =	sadd.s32 $0x27000, s4;
	s15 =	simm.s32 $0xD;
	[dreg:$0x6] =	wrdreg s10  }
0x10: {  	s10 =	sadd.s32 s10, s0;
	[dreg:$0x7] =	wrdreg s11;
	s11 =	sadd.s32 s11, s0  }
0x11: {  	s9 =	sadd.s32 s9, s0;
	s12 =	ssub.s32 s12, s16;
	[dreg:$0xa] =	wrdreg s8  }
0x12: {  	[dreg:$0xe] =	wrdreg s21;
	s24 =	sadd.s32 s5, s2;
	s2 =	simm.s32 $0x1  }
0x13: {  	s8 =	simm.s32 $0x3;
	s6 =	sadd.s32 s6, s0;
	s10 =	sadd.s32 $0x25000, s10  }
0x14: {  	s18 =	sadd.s32 $0x20000, s11;
	s0 =	sadd.s32 $0x24E00, s0;
	[dreg:$0x12] =	wrdreg s24  }
0x15: {  	s25 =	sadd.s32 $0x38A00, s9;
	s26 =	smax.u32 s12, $0x1;
	[dreg:$0x9] =	wrdreg s10  }
0x16: {  	s24 =	simm.s32 $0x18C80;
	s9 =	simm.s32 $0x5;
	[dreg:$0xb] =	wrdreg s18  }
0x17: {  	s11 =	simm.s32 $0x0;
	s10 =	sor.u32 $0x1C10, s17;
	[dreg:$0xf] =	wrdreg s0  }
.Ltmp0:
0x18: {  	s22 =	sadd.s32 $0x15E00, s6;
	[dreg:$0x13] =	wrdreg s25;
	(pc) =	sbr.rel .LBB2_1-.Ltmp0, $4  }
0x19: {  	s23 =	sadd.s32 $0x1E00, s6;
	[dreg:$0x14] =	wrdreg s26;
	s17 =	sshrl.u32 s7, $0x3  }
0x1a: {  	s26 =	simm.s32 $0x80;
	s0 =	simm.s32 $0xB000;
	[dreg:$0x10] =	wrdreg s22  }
0x1b: {  	s25 =	simm.s32 $0x2;
	s6 =	simm.s32 $0x6;
	[dreg:$0x11] =	wrdreg s23  }
0x1c: {  	s7 =	simm.s32 $0x4;
	s23 =	simm.s32 $0x10;
	[dreg:$0x15] =	wrdreg s17  }
.LBB2_7:
0x1d: {  	_ =	swait.ge [sflag:s6], $0x2000  }
0x1e: {  	[sflag:s6] =	ssyncset.done $0x0  }
0x1f: {  	s5 =	simm.s32 $0xB;
	[sflag:s6] =	ssyncadd.s32 $0xFFFFE000  }
0x20: {  	_ =	swait.ge [sflag:s5], $0x800  }
0x21: {  	[sflag:s5] =	ssyncset.done $0x0  }
0x22: {  	s21 =	simm.s32 $0x7;
	[sflag:s5] =	ssyncadd.s32 $0xFFFFF800  }
0x23: {  	_ =	swait.ge [sflag:s21], $0x2000  }
0x24: {  	[sflag:s21] =	ssyncset.done $0x0  }
0x25: {  	s22 =	simm.s32 $0xC;
	[sflag:s21] =	ssyncadd.s32 $0xFFFFE000  }
0x26: {  	_ =	swait.ge [sflag:s22], $0x800  }
0x27: {  	[sflag:s22] =	ssyncset.done $0x0  }
0x28: {  	s12 =	simm.s32 $0x8;
	[sflag:s22] =	ssyncadd.s32 $0xFFFFF800  }
0x29: {  	_ =	swait.ge [sflag:s12], $0x2000  }
0x2a: {  	[sflag:s12] =	ssyncset.done $0x0  }
0x2b: {  	[sflag:s12] =	ssyncadd.s32 $0xFFFFE000  }
0x2c: {  	_ =	swait.ge [sflag:s15], $0x800  }
0x2d: {  	[sflag:s15] =	ssyncset.done $0x0  }
0x2e: {  	s16 =	simm.s32 $0x9;
	[sflag:s15] =	ssyncadd.s32 $0xFFFFF800  }
0x2f: {  	_ =	swait.ge [sflag:s16], $0x2000  }
0x30: {  	[sflag:s16] =	ssyncset.done $0x0  }
0x31: {  	s17 =	simm.s32 $0xE;
	[sflag:s16] =	ssyncadd.s32 $0xFFFFE000  }
0x32: {  	_ =	swait.ge [sflag:s17], $0x800  }
0x33: {  	[sflag:s17] =	ssyncset.done $0x0  }
0x34: {  	s18 =	simm.s32 $0xA;
	[sflag:s17] =	ssyncadd.s32 $0xFFFFF800  }
0x35: {  	_ =	swait.ge [sflag:s18], $0x2000  }
0x36: {  	[sflag:s18] =	ssyncset.done $0x0  }
0x37: {  	s19 =	simm.s32 $0xF;
	[sflag:s18] =	ssyncadd.s32 $0xFFFFE000  }
0x38: {  	_ =	swait.ge [sflag:s19], $0x800  }
0x39: {  	[sflag:s19] =	ssyncset.done $0x0  }
0x3a: {  	[sflag:s19] =	ssyncadd.s32 $0xFFFFF800  }
0x3b: {  	[bflag:$0x0] =	sbarrier.arrive $0xFFFF  }
0x3c: {  	s20 =	rddreg [dreg:$0x6]  }
0x3d: {  	s12 =	rddreg [dreg:$0x12]  }
0x3e: {  	s17 =	rddreg [dreg:$0x15];
	s5 =	sadd.s32 s20, s12  }
0x3f: {  	[hbm:s5], [sflag:s10] =	dma.local [spmem:s17], $0x1380  }
0x40: {  	_ =	swait.ge [sflag:s23], $0x1380  }
0x41: {  	s21 =	rddreg [dreg:$0x7]  }
0x42: {  	[sflag:s23] =	ssyncset.done $0x0;
	s16 =	rddreg [dreg:$0x13]  }
0x43: {  	s18 =	rddreg [dreg:$0x16];
	[sflag:s23] =	ssyncadd.s32 $0xFFFFEC80;
	s5 =	sadd.s32 s21, s16  }
0x44: {  	[hbm:s5], [sflag:s10] =	dma.local [spmem:s18], $0x4E0  }
0x45: {  	_ =	swait.ge [sflag:s23], $0x4E0  }
0x46: {  	[sflag:s23] =	ssyncset.done $0x0  }
0x47: {  	s5 =	sadd.s32 @!p0 $0x13800, s12;
	[sflag:s23] =	ssyncadd.s32 $0xFFFFFB20  }
0x48: {  	[hbm:s5], [sflag:s10] =	dma.local @!p0 [spmem:s13], $0x80  }
0x49: {  	s5 =	simm.s32 @!p0 $0x10  }
0x4a: {  	_ =	swait.ge @!p0 [sflag:s5], $0x80  }
0x4b: {  	[sflag:s5] =	ssyncset.done @!p0 $0x0  }
0x4c: {  	s12 =	sadd.s32 @!p0 $0x4E00, s16;
	[sflag:s5] =	ssyncadd.s32 @!p0 $0xFFFFFF80  }
0x4d: {  	[hbm:s12], [sflag:s10] =	dma.local @!p0 [spmem:s14], $0x20  }
0x4e: {  	_ =	swait.ge @!p0 [sflag:s5], $0x20  }
0x4f: {  	s11 =	sadd.s32 $0x1, s11;
	s22 =	rddreg [dreg:$0x14]  }
0x50: {  	p1 =	sne.s32 s11, s22  }
.Ltmp1:
0x51: {  	_ = 	snop;
	(pc) =	sbr.rel @!p1 .LBB2_8-.Ltmp1, $3  }
0x52: {  	_ =	sdelay $0x1  }
0x53: {  	[sflag:s5] =	ssyncset.done @!p0 $0x0  }
0x54: {  	[sflag:s5] =	ssyncadd.s32 @!p0 $0xFFFFFFE0  }
.LBB2_1:
0x55: {  	s5 =	rddreg [dreg:$0x9]  }
0x56: {  	[spmem:s17], [sflag:s10] =	dma.local [hbm:s5], $0x1380  }
0x57: {  	_ =	swait.ge [sflag:s23], $0x1380  }
0x58: {  	s14 =	rddreg [dreg:$0xa]  }
0x59: {  	[sflag:s23] =	ssyncset.done $0x0;
	s16 =	rddreg [dreg:$0xb];
	s12 =	sshrl.u32 s14, $0x3  }
0x5a: {  	[sflag:s23] =	ssyncadd.s32 $0xFFFFEC80;
	[dreg:$0x16] =	wrdreg s12  }
0x5b: {  	[spmem:s12], [sflag:s10] =	dma.local [hbm:s16], $0x4E0  }
0x5c: {  	_ =	swait.ge [sflag:s23], $0x4E0  }
0x5d: {  	[sflag:s23] =	ssyncset.done $0x0  }
0x5e: {  	s17 =	simm.s32 $0x0;
	s18 =	rddreg [dreg:$0x8];
	[sflag:s23] =	ssyncadd.s32 $0xFFFFFB20  }
0x5f: {  	[tilespmem:s24], [sflag:$0x10] =	stream.linear.gather [hbm4b:s18+s17], $0x800, $0x38;
	[tilespmem:$0x1BBA0] =	vst v63  }
0x60: {  	_ =	swait.ge [sflag:s23], $0x800  }
0x61: {  	[sflag:s23] =	ssyncset.done $0x0;
	s5 =	rddreg [dreg:$0xc]  }
0x62: {  	[sflag:s23] =	ssyncadd.s32 $0xFFFFF800;
	s13 =	sshrl.u32 @!p0 s5, $0x3;
	s5 =	rddreg [dreg:$0xd]  }
0x63: {  	[spmem:s13], [sflag:s10] =	dma.local @!p0 [hbm:s5], $0x100  }
0x64: {  	s5 =	simm.s32 @!p0 $0x10  }
0x65: {  	_ =	swait.ge @!p0 [sflag:s5], $0x100  }
0x66: {  	[sflag:s5] =	ssyncset.done @!p0 $0x0;
	s14 =	rddreg [dreg:$0xe]  }
0x67: {  	s16 =	rddreg [dreg:$0xf];
	[sflag:s5] =	ssyncadd.s32 @!p0 $0xFFFFFF00;
	s14 =	sshrl.u32 @!p0 s14, $0x3  }
0x68: {  	[spmem:s14], [sflag:s10] =	dma.local @!p0 [hbm:s16], $0x40  }
0x69: {  	_ =	swait.ge @!p0 [sflag:s5], $0x40  }
0x6a: {  	[sflag:s5] =	ssyncset.done @!p0 $0x0  }
0x6b: {  	s19 =	rddreg [dreg:$0x10];
	[sflag:s5] =	ssyncadd.s32 @!p0 $0xFFFFFFC0  }
0x6c: {  	[tilespmem:s17], [sflag:$0x10] =	stream.linear.gather [hbm4b:s19+s17], $0x2800, $0x38;
	[tilespmem:$0x1BBA0] =	vst v63  }
0x6d: {  	_ =	swait.ge [sflag:s23], $0x2800  }
0x6e: {  	[sflag:s23] =	ssyncset.done $0x0  }
0x6f: {  	s21 =	simm.s32 $0x2800;
	s20 =	rddreg [dreg:$0x11];
	[sflag:s23] =	ssyncadd.s32 $0xFFFFD800  }
0x70: {  	[tilespmem:s21], [sflag:$0x10] =	stream.linear.gather [hbm4b:s20+s17], $0x2800, $0x38;
	[tilespmem:$0x1BBA0] =	vst v63  }
0x71: {  	_ =	swait.ge [sflag:s23], $0x2800  }
0x72: {  	[sflag:s23] =	ssyncset.done $0x0  }
0x73: {  	[sflag:s23] =	ssyncadd.s32 $0xFFFFD800  }
0x74: {  	[bflag:$0x0] =	sbarrier.arrive $0xFFFF  }
0x75: {  	[tilespmem:s28], [sflag:$0x1] =	stream.indirect.gather [hbm4b:s1+s26], $0x40, s17, s26, $0xb8;
	[tilespmem:$0x1BBA0] =	vst v63  }
.Ltmp2:
0x76: {  	_ = 	snop;
	(pc) =	sbr.rel .LBB2_2-.Ltmp2, $4  }
0x77: {  	_ = 	snop  }
0x78: {  	[tilespmem:s29], [sflag:$0x2] =	stream.indirect.gather [hbm4b:s1+s26], $0x40, s26, s26, $0xb8;
	[tilespmem:$0x1BBA0] =	vst v63  }
0x79: {  	s22 =	simm.s32 $0x100;
	s16 =	simm.s32 $0x0  }
0x7a: {  	[tilespmem:s31], [sflag:$0x3] =	stream.indirect.gather [hbm4b:s1+s26], $0x40, s22, s26, $0xb8;
	[tilespmem:$0x1BBA0] =	vst v63  }
.LBB2_3:
0x7b: {  	[spmem:s4] =	stream.indirect.scatter.add.f32 [tilespmem:s24], [sflag:$0xD], $0x10, s5, s26, $0xb8;
	[tilespmem:$0x1BBA0] =	vst v63  }
.LBB2_5:
0x7c: {  	_ =	swait.ge [sflag:s6], $0x2000  }
0x7d: {  	[sflag:s6] =	ssyncset.done $0x0  }
0x7e: {  	s5 =	sadd.s32 $0x280, s17;
	p1 =	por $0x0, $0x0;
	[sflag:s6] =	ssyncadd.s32 $0xFFFFE000  }
0x7f: {  	[tilespmem:s28], [sflag:$0x1] =	stream.indirect.gather [hbm4b:s1+s26], $0x40, s5, s26, $0xb8;
	[tilespmem:$0x1BBA0] =	vst v63  }
.LBB2_6:
0x80: {  	_ =	swait.ge [sflag:s7], $0x2000  }
0x81: {  	p2 =	seq.s32 s16, $0x0;
	[sflag:s7] =	ssyncset.done $0x0  }
0x82: {  	s5 =	sadd.s32 $0x2800, s18;
	s12 =	simm.s32 @!p2 $0xE;
	[sflag:s7] =	ssyncadd.s32 $0xFFFFE000  }
0x83: {  	[spmem:s3] =	stream.indirect.scatter.add.f32 [tilespmem:s0], [sflag:$0x9], $0x40, s5, s26, $0xb8;
	[tilespmem:$0x1BBA0] =	vst v63  }
0x84: {  	_ =	swait.ge @!p2 [sflag:s12], $0x800  }
0x85: {  	[sflag:s12] =	ssyncset.done @!p2 $0x0  }
0x86: {  	[sflag:s12] =	ssyncadd.s32 @!p2 $0xFFFFF800  }
0x87: {  	[spmem:s4] =	stream.indirect.scatter.add.f32 [tilespmem:s24], [sflag:$0xE], $0x10, s5, s26, $0xb8;
	[tilespmem:$0x1BBA0] =	vst v63  }
0x88: {  	s5 =	simm.s32 @!p1 $0x7  }
0x89: {  	_ =	swait.ge @!p1 [sflag:s5], $0x2000  }
0x8a: {  	[sflag:s5] =	ssyncset.done @!p1 $0x0  }
0x8b: {  	[sflag:s5] =	ssyncadd.s32 @!p1 $0xFFFFE000;
	s5 =	sshra.s32 @!p1 s16, $0x2  }
0x8c: {  	s17 =	simm.s32 @!p1 $0x80;
	s18 =	simm.s32 @!p1 $0x7000;
	s12 =	sadd.s32 @!p1 $0x300, s5  }
0x8d: {  	[tilespmem:s18], [sflag:$0x2] =	stream.indirect.gather @!p1 [hbm4b:s1+s17], $0x40, s12, s17, $0xb8;
	[tilespmem:$0x1BBA0] =	vst v63  }
0x8e: {  	_ =	swait.ge [sflag:s9], $0x2000  }
0x8f: {  	[sflag:s9] =	ssyncset.done $0x0  }
0x90: {  	s22 =	sadd.s32 $0x2800, s21;
	s18 =	simm.s32 @!p2 $0xF;
	[sflag:s9] =	ssyncadd.s32 $0xFFFFE000  }
0x91: {  	[spmem:s3] =	stream.indirect.scatter.add.f32 [tilespmem:s30], [sflag:$0xA], $0x40, s22, s26, $0xb8;
	[tilespmem:$0x1BBA0] =	vst v63  }
0x92: {  	_ =	swait.ge @!p2 [sflag:s18], $0x800  }
0x93: {  	[sflag:s18] =	ssyncset.done @!p2 $0x0  }
0x94: {  	s12 =	simm.s32 @!p1 $0x8;
	[sflag:s18] =	ssyncadd.s32 @!p2 $0xFFFFF800  }
0x95: {  	[spmem:s4] =	stream.indirect.scatter.add.f32 [tilespmem:s24], [sflag:$0xF], $0x10, s22, s26, $0xb8;
	[tilespmem:$0x1BBA0] =	vst v63  }
0x96: {  	_ =	swait.ge @!p1 [sflag:s12], $0x2000  }
0x97: {  	s16 =	sadd.s32 $0xA00, s16;
	[sflag:s12] =	ssyncset.done @!p1 $0x0  }
0x98: {  	s5 =	sadd.s32 @!p1 $0x380, s5;
	[sflag:s12] =	ssyncadd.s32 @!p1 $0xFFFFE000;
	s12 =	simm.s32 @!p1 $0x9000  }
0x99: {  	[tilespmem:s12], [sflag:$0x3] =	stream.indirect.gather @!p1 [hbm4b:s1+s17], $0x40, s5, s17, $0xb8;
	[tilespmem:$0x1BBA0] =	vst v63  }
0x9a: {  	p1 =	sne.s32 s16, $0xA000  }
.Ltmp3:
0x9b: {  	_ = 	snop;
	(pc) =	sbr.rel @!p1 .LBB2_7-.Ltmp3, $1  }
0x9c: {  	_ =	sdelay $0x3  }
.LBB2_2:
0x9d: {  	_ =	swait.ge [sflag:s2], $0x2000  }
0x9e: {  	s17 =	sshra.s32 s16, $0x2;
	p1 =	sne.s32 s16, $0x0;
	[sflag:s2] =	ssyncset.done $0x0  }
0x9f: {  	s5 =	sadd.s32 $0x2800, s17;
	s18 =	simm.s32 @p1 $0xB;
	[sflag:s2] =	ssyncadd.s32 $0xFFFFE000  }
0xa0: {  	[spmem:s3] =	stream.indirect.scatter.add.f32 [tilespmem:s28], [sflag:$0x6], $0x40, s5, s26, $0xb8;
	[tilespmem:$0x1BBA0] =	vst v63  }
0xa1: {  	_ =	swait.ge @p1 [sflag:s18], $0x800  }
0xa2: {  	s21 =	simm.s32 @p1 $0x80;
	[sflag:s18] =	ssyncset.done @p1 $0x0  }
0xa3: {  	s19 =	simm.s32 @p1 $0x18C80;
	[sflag:s18] =	ssyncadd.s32 @p1 $0xFFFFF800;
	s18 =	simm.s32 @p1 $0x9  }
0xa4: {  	[spmem:s4] =	stream.indirect.scatter.add.f32 @p1 [tilespmem:s19], [sflag:$0xB], $0x10, s5, s21, $0xb8;
	[tilespmem:$0x1BBA0] =	vst v63  }
0xa5: {  	_ =	swait.ge @p1 [sflag:s18], $0x2000  }
0xa6: {  	s20 =	simm.s32 @!p1 $0x80;
	[sflag:s18] =	ssyncset.done @p1 $0x0  }
0xa7: {  	s22 =	simm.s32 @!p1 $0x18C80;
	[sflag:s18] =	ssyncadd.s32 @p1 $0xFFFFE000;
	s18 =	sadd.s32 @p1 $0x600, s16  }
0xa8: {  	[spmem:s4] =	stream.indirect.scatter.add.f32 @!p1 [tilespmem:s22], [sflag:$0xB], $0x10, s5, s20, $0xb8;
	[tilespmem:$0x1BBA0] =	vst v63  }
0xa9: {  	s18 =	simm.s32 @!p1 $0x600  }
0xaa: {  	s18 =	sshra.s32 s18, $0x2  }
0xab: {  	[tilespmem:s0], [sflag:$0x4] =	stream.indirect.gather [hbm4b:s1+s26], $0x40, s18, s26, $0xb8;
	[tilespmem:$0x1BBA0] =	vst v63  }
0xac: {  	_ =	swait.ge [sflag:s25], $0x2000  }
0xad: {  	[sflag:s25] =	ssyncset.done $0x0  }
0xae: {  	s12 =	simm.s32 @p1 $0xC;
	s5 =	sadd.s32 $0x2880, s17;
	[sflag:s25] =	ssyncadd.s32 $0xFFFFE000  }
0xaf: {  	[spmem:s3] =	stream.indirect.scatter.add.f32 [tilespmem:s29], [sflag:$0x7], $0x40, s5, s26, $0xb8;
	[tilespmem:$0x1BBA0] =	vst v63  }
0xb0: {  	_ =	swait.ge @p1 [sflag:s12], $0x800  }
0xb1: {  	[sflag:s12] =	ssyncset.done @p1 $0x0  }
0xb2: {  	[sflag:s12] =	ssyncadd.s32 @p1 $0xFFFFF800;
	s12 =	simm.s32 @p1 $0xA  }
0xb3: {  	[spmem:s4] =	stream.indirect.scatter.add.f32 @p1 [tilespmem:s19], [sflag:$0xC], $0x10, s5, s21, $0xb8;
	[tilespmem:$0x1BBA0] =	vst v63  }
0xb4: {  	_ =	swait.ge @p1 [sflag:s12], $0x2000  }
0xb5: {  	[sflag:s12] =	ssyncset.done @p1 $0x0  }
0xb6: {  	[sflag:s12] =	ssyncadd.s32 @p1 $0xFFFFE000;
	s12 =	sadd.s32 @p1 $0x800, s16  }
0xb7: {  	[spmem:s4] =	stream.indirect.scatter.add.f32 @!p1 [tilespmem:s22], [sflag:$0xC], $0x10, s5, s20, $0xb8;
	[tilespmem:$0x1BBA0] =	vst v63  }
0xb8: {  	s12 =	simm.s32 @!p1 $0x800  }
0xb9: {  	s21 =	sshra.s32 s12, $0x2  }
0xba: {  	[tilespmem:s30], [sflag:$0x5] =	stream.indirect.gather [hbm4b:s1+s26], $0x40, s21, s26, $0xb8;
	[tilespmem:$0x1BBA0] =	vst v63  }
.Ltmp4:
0xbb: {  	_ = 	snop;
	(pc) =	sbr.rel @!p1 .LBB2_3-.Ltmp4, $4  }
0xbc: {  	_ =	swait.ge [sflag:s8], $0x2000  }
0xbd: {  	[sflag:s8] =	ssyncset.done $0x0  }
0xbe: {  	s5 =	sadd.s32 $0x2900, s17;
	[sflag:s8] =	ssyncadd.s32 $0xFFFFE000  }
0xbf: {  	[spmem:s3] =	stream.indirect.scatter.add.f32 [tilespmem:s31], [sflag:$0x8], $0x40, s5, s26, $0xb8;
	[tilespmem:$0x1BBA0] =	vst v63  }
0xc0: {  	p2 =	seq.s32 s16, $0x9600  }
.Ltmp5:
0xc1: {  	_ = 	snop;
	(pc) =	sbr.rel @p2 .LBB2_6-.Ltmp5, $4  }
.Ltmp6:
0xc2: {  	_ =	swait.ge [sflag:s15], $0x800;
	(pc) =	sbr.rel @!p2 .LBB2_5-.Ltmp6, $4  }
0xc3: {  	[sflag:s15] =	ssyncset.done $0x0  }
0xc4: {  	p1 =	por $0x1, $0x1;
	[sflag:s15] =	ssyncadd.s32 $0xFFFFF800  }
0xc5: {  	[spmem:s4] =	stream.indirect.scatter.add.f32 [tilespmem:s24], [sflag:$0xD], $0x10, s5, s26, $0xb8;
	[tilespmem:$0x1BBA0] =	vst v63  }
0xc6: {  	_ = 	snop  }
.LBB2_8:
0xc7: {  	_ =	sfence.sel $0x180000  }
0xc8: {  	[bflag:$0x0] =	sbarrier.arrive $0xFFFF  }
0xc9: {  	_ =	strace $0x90000047  }
0xca: {  	s0 =	stileid.u32;
	[bflag:$0x2] =	sbarrier.arrive $0xFFFF  }
0xcb: {  	p0 =	sne.s32 s0, $0x0;
	s0 =	rddreg [dreg:$0x5]  }
0xcc: {  	s0 =	sadd.s32 @!p0 $0x100000, s0  }
0xcd: {  	[sflag:s0] =	ssyncadd.tile.s32 @!p0 $0x1;
	_ =	shalt  }
.Lfunc_end2:
_tile_overlayer_lowered:
.L_overlay_start_2:
0xce: {  	(tag) =	ssettag $0x2  }
0xcf: {  	s0 =	rddreg [dreg:$0x0];
	s2 =	stileid.u32  }
0xd0: {  	s1 =	rddreg [dreg:$0x1];
	p0 =	sne.s32 s2, $0x0  }
0xd1: {  	s3 =	rddreg [dreg:$0x2];
	[bflag:$0x3] =	sbarrier.arrive $0xFFFF;
	s2 =	simm.s32 @!p0 $0x1C10  }
0xd2: {  	[timem:s3], [sflag:s2] =	dma.local @!p0 [hbm:s0], s1  }
0xd3: {  	s0 =	simm.s32 @!p0 $0x10  }
0xd4: {  	_ =	swait.ge @!p0 [sflag:s0], s1  }
0xd5: {  	s1 =	ssub.s32 @!p0 $0x0, s1;
	[sflag:s0] =	ssyncset.done @!p0 $0x0  }
0xd6: {  	[sflag:s0] =	ssyncadd.s32 @!p0 s1  }
0xd7: {  	[bflag:$0x3] =	sbarrier.arrive $0xFFFF  }
0xd8: {  	_ =	shalt  }

// kernel: kernel.9.cloned.1.call-start
scs
__scs_entry_jumppad:
0x0: {  	(pc) =	sbr.rel $0x88, $3  }
0x1: {  	(tag) =	ssettag $0x0;
	lr =	simm.s32 $0x1  }
0x2: {  	[smem:$0x3F9B] =	sst lr;
	_ =	strace $0xD0000000  }
0x3: {  	_ = 	snop  }
0x4: {  	_ = 	snop  }
0x5: {  	_ = 	snop  }
0x6: {  	_ = 	snop  }
0x7: {  	_ = 	snop  }
__scs_overlays_trampoline_lowered:
0x8: {  	[smem:$0x3FAA] =	sst s0  }
0x9: {  	[smem:$0x3FAB] =	sst s1  }
0xa: {  	[smem:$0x3FAC] =	sst s2  }
0xb: {  	[smem:$0x3FAD] =	sst s3  }
0xc: {  	[smem:$0x3FAE] =	sst s4  }
0xd: {  	[smem:$0x3FAF] =	sst s5  }
0xe: {  	[smem:$0x3FB0] =	sst s6  }
0xf: {  	[smem:$0x3FB1] =	sst s7  }
0x10: {  	[smem:$0x3FB2] =	sst s8  }
0x11: {  	[smem:$0x3FB3] =	sst s9;
	s0 =	simm.s32 @!p0 $0x0  }
0x12: {  	s1 =	sld [smem:$0x3F99];
	s0 =	simm.s32 @p0 $0x1  }
0x13: {  	[smem:$0x3FB4] =	sst s0;
	s0 =	simm.s32 @!p1 $0x0  }
0x14: {  	s2 =	sld [smem:$0x3F98];
	s0 =	simm.s32 @p1 $0x1  }
0x15: {  	[smem:$0x3FB5] =	sst s0;
	s0 =	simm.s32 @!p2 $0x0  }
0x16: {  	s3 =	sld [smem:$0x3FDB];
	s0 =	simm.s32 @p2 $0x1  }
0x17: {  	s4 =	simm.s32 $0x1BF5;
	[smem:$0x3FB7] =	sst s0  }
0x18: {  	s0 =	sld [smem:$0x3F9A];
	_ =	swait.ge [sflag:s4], $0x0  }
0x19: {  	s7 =	sld [smem:$0x3F9B]  }
0x1a: {  	s8 =	sadd.s32 $0xFFFFE003, lr  }
0x1b: {  	s9 =	sadd.s32 $0xFFFFFEF7, lr;
	s5 =	simm.s32 $0xFFFFFFFF;
	p2 =	slt.u32 s8, $0xFFFFF086  }
0x1c: {  	p1 =	slt.u32 s9, $0xF7A;
	s5 =	simm.s32 @!p2 $0x0  }
0x1d: {  	s5 =	simm.s32 @p1 $0x1;
	p0 =	seq.s32 s7, s2  }
0x1e: {  	s7 =	smul.u32 @!p0 $0xF7A, s2;
	p2 =	seq.s32 @!p0 s5, $0x0  }
0x1f: {  	s9 =	smul.u32 $0xF7A, s1;
	s8 =	simm.s32 @!p0 $0x1BF5;
	p2 =	por !p2, p0  }
0x20: {  	[sflag:s8] =	ssyncset.s32 @!p0 $0xFFFFF086;
	s6 =	sadd.s32 @!p0 s3, s7;
	s7 =	simm.s32 @!p0 $0x108  }
0x21: {  	s3 =	sadd.s32 s3, s9;
	s6 =	sadd.s32 @!p0 $0x88, s6;
	s7 =	simm.s32 @p2 $0x1082  }
0x22: {  	[simem:s7], [sflag:s8] =	dma.local @!p0 [hbm:s6], $0xF7A  }
0x23: {  	s9 =	sor.u32 $0xD0000000, s2;
	s6 =	simm.s32 $0x108;
	_ =	swait.ge @!p0 [sflag:s8], $0x0  }
0x24: {  	s3 =	sadd.s32 $0x88, s3;
	s6 =	simm.s32 @!p1 $0x1082;
	[sflag:s4] =	ssyncset.s32 $0xFFFFF086  }
0x25: {  	[simem:s6], [sflag:s4] =	dma.local [hbm:s3], $0xF7A  }
0x26: {  	[smem:$0x3F9B] =	sst s1;
	(tag) =	ssettag s2;
	_ =	strace s9  }
0x27: {  	s1 =	sld [smem:$0x3FAB]  }
0x28: {  	s2 =	sld [smem:$0x3FAC]  }
0x29: {  	s4 =	sld [smem:$0x3FAE]  }
0x2a: {  	p0 =	seq.s32 s5, $0x0;
	s5 =	sld [smem:$0x3FAF]  }
0x2b: {  	s6 =	sld [smem:$0x3FB0]  }
0x2c: {  	s7 =	sld [smem:$0x3FB1]  }
0x2d: {  	s3 =	simm.s32 $0x108;
	s8 =	sld [smem:$0x3FB2]  }
0x2e: {  	s3 =	simm.s32 @!p0 $0x1082;
	s9 =	sld [smem:$0x3FB3]  }
0x2f: {  	lr =	sadd.s32 s0, s3;
	s0 =	sld [smem:$0x3FAA]  }
0x30: {  	s3 =	sld [smem:$0x3FAD]  }
0x31: {  	[smem:$0x3FB6] =	sst s10  }
0x32: {  	s10 =	sld [smem:$0x3FB4];
	_ =	sdelay $0x3  }
0x33: {  	p0 =	seq.s32 s10, $0x1;
	s10 =	sld [smem:$0x3FB6];
	_ =	sdelay $0x3  }
0x34: {  	[smem:$0x3FB6] =	sst s10  }
0x35: {  	s10 =	sld [smem:$0x3FB5];
	_ =	sdelay $0x3  }
0x36: {  	p1 =	seq.s32 s10, $0x1;
	s10 =	sld [smem:$0x3FB6];
	_ =	sdelay $0x3  }
0x37: {  	[smem:$0x3FB6] =	sst s10  }
0x38: {  	s10 =	sld [smem:$0x3FB7]  }
0x39: {  	_ = 	snop;
	(pc) =	sbr.ind lr, $3  }
0x3a: {  	_ = 	snop  }
0x3b: {  	_ = 	snop  }
0x3c: {  	p2 =	seq.s32 s10, $0x1;
	s10 =	sld [smem:$0x3FB6]  }
0x3d: {  	_ =	shalt  }
0x3e: {  	_ =	shalt  }
0x3f: {  	_ =	shalt  }
0x40: {  	_ =	shalt  }
0x41: {  	_ =	shalt  }
0x42: {  	_ =	shalt  }
0x43: {  	_ =	shalt  }
0x44: {  	_ =	shalt  }
0x45: {  	_ =	shalt  }
0x46: {  	_ =	shalt  }
0x47: {  	_ =	shalt  }
0x48: {  	_ =	shalt  }
0x49: {  	_ =	shalt  }
0x4a: {  	_ =	shalt  }
0x4b: {  	_ =	shalt  }
0x4c: {  	_ =	shalt  }
0x4d: {  	_ =	shalt  }
0x4e: {  	_ =	shalt  }
0x4f: {  	_ =	shalt  }
0x50: {  	_ =	shalt  }
0x51: {  	_ =	shalt  }
0x52: {  	_ =	shalt  }
0x53: {  	_ =	shalt  }
0x54: {  	_ =	shalt  }
0x55: {  	_ =	shalt  }
0x56: {  	_ =	shalt  }
0x57: {  	_ =	shalt  }
0x58: {  	_ =	shalt  }
0x59: {  	_ =	shalt  }
0x5a: {  	_ =	shalt  }
0x5b: {  	_ =	shalt  }
0x5c: {  	_ =	shalt  }
0x5d: {  	_ =	shalt  }
0x5e: {  	_ =	shalt  }
0x5f: {  	_ =	shalt  }
0x60: {  	_ =	shalt  }
0x61: {  	_ =	shalt  }
0x62: {  	_ =	shalt  }
0x63: {  	_ =	shalt  }
0x64: {  	_ =	shalt  }
0x65: {  	_ =	shalt  }
0x66: {  	_ =	shalt  }
0x67: {  	_ =	shalt  }
0x68: {  	_ =	shalt  }
0x69: {  	_ =	shalt  }
0x6a: {  	_ =	shalt  }
0x6b: {  	_ =	shalt  }
0x6c: {  	_ =	shalt  }
0x6d: {  	_ =	shalt  }
0x6e: {  	_ =	shalt  }
0x6f: {  	_ =	shalt  }
0x70: {  	_ =	shalt  }
0x71: {  	_ =	shalt  }
0x72: {  	_ =	shalt  }
0x73: {  	_ =	shalt  }
0x74: {  	_ =	shalt  }
0x75: {  	_ =	shalt  }
0x76: {  	_ =	shalt  }
0x77: {  	_ =	shalt  }
0x78: {  	_ =	shalt  }
0x79: {  	_ =	shalt  }
0x7a: {  	_ =	shalt  }
0x7b: {  	_ =	shalt  }
0x7c: {  	_ =	shalt  }
0x7d: {  	_ =	shalt  }
0x7e: {  	_ =	shalt  }
0x7f: {  	_ =	shalt  }
0x80: {  	_ =	shalt  }
0x81: {  	_ =	shalt  }
0x82: {  	_ =	shalt  }
0x83: {  	_ =	shalt  }
0x84: {  	_ =	shalt  }
0x85: {  	_ =	shalt  }
0x86: {  	_ =	shalt  }
0x87: {  	_ =	shalt  }
.Lfunc_end0:
.L_simem_size_0:
called_computation.1_lowered:
.L_overlay_start_0:
0x88: {  	s2 =	sld [smem:$0x3FD9]  }
0x89: {  	s3 =	sld [smem:$0x3FFE];
	_ =	sdelay $0x1  }
0x8a: {  	s1 =	srdreg.scid  }
0x8b: {  	s0 =	sand.u32 $0x1, s1  }
0x8c: {  	s17 =	sshll.u32 s0, $0xA;
	s2 =	sadd.s32 s3, s2  }
0x8d: {  	s2 =	sadd.s32 s2, s17  }
0x8e: {  	[smem:$0x3FC2] =	sst s2  }
0x8f: {  	_ = 	snop  }
0x90: {  	s2 =	sld [smem:$0x3FD0];
	(tm) =	ssettm $0x1  }
0x91: {  	s18 =	sld [smem:$0x3FFB];
	_ =	sdelay $0x3  }
0x92: {  	_ =	strace s18  }
0x93: {  	s3 =	sld [smem:$0x3FFC];
	_ =	sdelay $0x3  }
0x94: {  	_ =	strace s3  }
0x95: {  	s3 =	sld [smem:$0x3FFD];
	_ =	sdelay $0x3  }
0x96: {  	_ =	strace s3  }
0x97: {  	_ =	strace $0x8FFFFFFF  }
0x98: {  	s19 =	sld [smem:$0x3FDB];
	_ =	sdelay $0x1  }
0x99: {  	s4 =	simm.s32 $_scs_section_size  }
0x9a: {  	s5 =	simm.s32 $_size__tile_overlayer_lowered;
	s6 =	simm.s32 $_tile_overlayer_lowered  }
0x9b: {  	s22 =	simm.s32 $0x1BFF;
	s21 =	sshll.u32 s6, $0x1;
	s3 =	sadd.s32 s4, s19  }
0x9c: {  	s7 =	simm.s32 $0x0;
	s20 =	sshll.u32 s5, $0x1;
	s5 =	sadd.s32 s21, s3  }
0x9d: {  	[timem:s7], [sflag:s22] =	dma.local [hbm:s5], s20  }
0x9e: {  	_ =	swait.ge [sflag:s22], s20  }
0x9f: {  	s4 =	ssub.s32 $0x0, s20;
	[sflag:s22] =	ssyncset.done $0x0  }
0xa0: {  	[sflag:s22] =	ssyncadd.s32 s4;
	_ =	sdelay $0x1  }
0xa1: {  	s23 =	simm.s32 $0x1B8B  }
0xa2: {  	_ =	swait.ge [sflag:s23], $0x1  }
0xa3: {  	[sflag:s23] =	ssyncset.done $0x0  }
0xa4: {  	s25 =	simm.s32 $0x1B8E;
	s24 =	sld [smem:$0x3FFE];
	[sflag:s23] =	ssyncadd.s32 $0xFFFFFFFF  }
0xa5: {  	s26 =	simm.s32 $execute0_lowered;
	[smem:$0x3FD2] =	sst s25  }
0xa6: {  	s5 =	sshll.u32 s26, $0x1;
	_ =	strace $0x80000049;
	[dreg:$0x1] =	wrdreg $0xFFFFFFFF  }
0xa7: {  	s28 =	simm.s32 $_size_execute0_lowered;
	s3 =	sadd.s32 s3, s5;
	[dreg:$0x0] =	wrdreg $0x0  }
0xa8: {  	s5 =	sshll.u32 s28, $0x1;
	[dreg:$0x2] =	wrdreg s3  }
0xa9: {  	[dreg:$0x3] =	wrdreg s5  }
0xaa: {  	[dreg:$0x4] =	wrdreg $0xC0  }
0xab: {  	_ =	task [dreg:s7], $0x5FFFF  }
0xac: {  	[dreg:$0x1] =	wrdreg $0xFFFFFFFF  }
0xad: {  	[dreg:$0x0] =	wrdreg $0x60  }
0xae: {  	[dreg:$0x2] =	wrdreg s2  }
0xaf: {  	[dreg:$0x3] =	wrdreg s24  }
0xb0: {  	[dreg:$0x4] =	wrdreg $0xF0000  }
0xb1: {  	[dreg:$0x5] =	wrdreg $0x9  }
0xb2: {  	_ =	task.clear_ibuf [dreg:s7], $0x6FFFF;
	_ =	strace $0x90000049  }
0xb3: {  	s29 =	simm.s32 $0x9;
	_ =	strace $0x8000004B  }
0xb4: {  	_ =	swait.ge [sflag:s29], $0x1  }
0xb5: {  	[sflag:s29] =	ssyncadd.s32 $0xFFFFFFFF  }
0xb6: {  	_ =	strace $0x9000004B  }
0xb7: {  	_ =	sfence  }
0xb8: {  	s30 =	sld [smem:$0x0];
	_ =	sdelay $0x2  }
0xb9: {  	s31 =	sshll.u32 s1, $0xD;
	s1 =	sshrl.u32 s1, $0x2  }
0xba: {  	s3 =	sand.u32 $0x4000, s31;
	s1 =	sadd.s32 s1, s30  }
0xbb: {  	s0 =	sor.u32 s3, s0;
	s1 =	sshll.u32 s1, $0x11  }
0xbc: {  	s0 =	sor.u32 s1, s0  }
0xbd: {  	s0 =	sadd.s32 $0x8F2B, s0  }
0xbe: {  	[sflag:s0] =	ssyncadd.remote.s32 $0x1  }
0xbf: {  	_ =	sfence.sel $0xFFFF  }
0xc0: {  	[dreg:$0x0] =	wrdreg $0xFFFFFFFF;
	(pc) =	sbr.abs _section_cstart, $3  }
0xc1: {  	[dreg:$0x1] =	wrdreg $0xFFFFFFFF  }
0xc2: {  	_ =	task.clear_ibuf [dreg:s7], $0x2FFFF;
	_ =	strace $0x9FFFFFFF  }
0xc3: {  	(tm) =	ssettm $0x7FFFFFFF  }
tec
execute0_lowered:
.L_overlay_start_1:
0x0: {  	(tag) =	ssettag $0x1  }
0x1: {  	s1 =	rddreg [dreg:$0x0]  }
0x2: {  	s0 =	rddreg [dreg:$0x1]  }
0x3: {  	s3 =	rddreg [dreg:$0x2]  }
0x4: {  	s2 =	srdreg.scid;
	s10 =	stileid.u32;
	s4 =	simm.s32 $0x0  }
0x5: {  	s14 =	simm.s32 $0xB;
	s17 =	simm.s32 $0x80;
	s18 =	simm.s32 $0x5000  }
0x6: {  	s19 =	simm.s32 $0x7000;
	s21 =	simm.s32 $0x9000;
	s22 =	simm.s32 $0x1  }
0x7: {  	s23 =	simm.s32 $0xB000;
	s28 =	simm.s32 $0x6;
	s29 =	simm.s32 $0x4  }
0x8: {  	s30 =	simm.s32 $0x7;
	s31 =	simm.s32 $0x5;
	s16 =	simm.s32 $0x9  }
0x9: {  	s20 =	simm.s32 $0xA;
	s2 =	sand.u32 $0x1, s2;
	s5 =	sshll.u32 s10, $0x1  }
0xa: {  	[smem:$0x7FF] =	sst s4;
	s6 =	smul.u32 $0x9C00, s10;
	s24 =	sshll.u32 s10, $0x6  }
0xb: {  	p0 =	sne.s32 s10, $0xF;
	s5 =	sor.u32 s2, s5;
	s7 =	smul.u32 $0x13880, s2  }
0xc: {  	_ =	strace $0x8000004A;
	s2 =	ssub.s32 $0x2, s2;
	s5 =	smul.u32 $0x500, s5  }
0xd: {  	s8 =	sshrl.u32 s6, $0x3;
	s9 =	sshrl.u32 s2, $0x1;
	s6 =	sadd.s32 s6, s3  }
0xe: {  	[dreg:$0x4] =	wrdreg s8;
	s8 =	sadd.s32 s8, s0;
	s11 =	sadd.s32 s7, s0  }
0xf: {  	s2 =	ssub.s32 s2, s9;
	s7 =	sor.u32 $0x1C0B, s24;
	s13 =	sshrl.u32 s6, $0x3  }
0x10: {  	s24 =	simm.s32 $0x2;
	s5 =	sadd.s32 s5, s0;
	s8 =	sadd.s32 $0x25000, s8  }
0x11: {  	s0 =	sadd.s32 $0x38800, s0;
	s11 =	sadd.s32 $0x86C00, s11;
	[dreg:$0x5] =	wrdreg s8  }
0x12: {  	s12 =	smax.u32 s2, $0x1;
	[dreg:$0x6] =	wrdreg s0;
	s25 =	sadd.s32 $0xBE00, s5  }
0x13: {  	s2 =	simm.s32 $0x0;
	s26 =	sadd.s32 $0x1E00, s5;
	[dreg:$0x7] =	wrdreg s25  }
0x14: {  	s8 =	sadd.s32 $0x9C000, s3;
	s0 =	simm.s32 $0x8;
	[dreg:$0x8] =	wrdreg s26  }
0x15: {  	s15 =	sshrl.u32 @!p0 s8, $0x3;
	s25 =	simm.s32 $0xD000;
	s26 =	simm.s32 $0x3  }
.LBB2_1:
0x16: {  	s5 =	rddreg [dreg:$0x5]  }
0x17: {  	[spmem:s13], [sflag:s7] =	dma.local [hbm:s5], $0x1380  }
0x18: {  	_ =	swait.ge [sflag:s14], $0x1380  }
0x19: {  	[sflag:s14] =	ssyncset.done $0x0  }
0x1a: {  	s5 =	rddreg [dreg:$0x6];
	[sflag:s14] =	ssyncadd.s32 $0xFFFFEC80  }
0x1b: {  	[spmem:s15], [sflag:s7] =	dma.local @!p0 [hbm:s5], $0x100  }
0x1c: {  	s5 =	simm.s32 @!p0 $0xB  }
0x1d: {  	_ =	swait.ge @!p0 [sflag:s5], $0x100  }
0x1e: {  	[sflag:s5] =	ssyncset.done @!p0 $0x0  }
0x1f: {  	s9 =	rddreg [dreg:$0x7];
	[sflag:s5] =	ssyncadd.s32 @!p0 $0xFFFFFF00  }
0x20: {  	[tilespmem:s4], [sflag:$0xB] =	stream.linear.gather [hbm4b:s9+s4], $0x2800, $0x38;
	[tilespmem:$0x18C80] =	vst v63  }
0x21: {  	_ =	swait.ge [sflag:s14], $0x2800  }
0x22: {  	[sflag:s14] =	ssyncset.done $0x0  }
0x23: {  	s6 =	simm.s32 $0x2800;
	s10 =	rddreg [dreg:$0x8];
	[sflag:s14] =	ssyncadd.s32 $0xFFFFD800  }
0x24: {  	[tilespmem:s6], [sflag:$0xB] =	stream.linear.gather [hbm4b:s10+s4], $0x2800, $0x38;
	[tilespmem:$0x18C80] =	vst v63  }
0x25: {  	_ =	swait.ge [sflag:s14], $0x2800  }
0x26: {  	[sflag:s14] =	ssyncset.done $0x0  }
0x27: {  	[sflag:s14] =	ssyncadd.s32 $0xFFFFD800  }
0x28: {  	[bflag:$0x0] =	sbarrier.arrive $0xFFFF  }
0x29: {  	[tilespmem:s18], [sflag:$0x1] =	stream.indirect.gather [hbm4b:s1+s17], $0x40, s4, s17, $0xb8;
	[tilespmem:$0x18C80] =	vst v63  }
0x2a: {  	_ = 	snop  }
0x2b: {  	[tilespmem:s19], [sflag:$0x2] =	stream.indirect.gather [hbm4b:s1+s17], $0x40, s17, s17, $0xb8;
	[tilespmem:$0x18C80] =	vst v63  }
0x2c: {  	s8 =	simm.s32 $0x100  }
0x2d: {  	[tilespmem:s21], [sflag:$0x3] =	stream.indirect.gather [hbm4b:s1+s17], $0x40, s8, s17, $0xb8;
	[tilespmem:$0x18C80] =	vst v63  }
0x2e: {  	_ =	swait.ge [sflag:s22], $0x2000  }
0x2f: {  	p1 =	por $0x1, $0x1;
	[sflag:s22] =	ssyncset.done $0x0  }
0x30: {  	s9 =	simm.s32 $0x2800;
	s6 =	simm.s32 @!p1 $0x9;
	[sflag:s22] =	ssyncadd.s32 $0xFFFFE000  }
0x31: {  	[spmem:s3] =	stream.indirect.scatter.add.f32 [tilespmem:s18], [sflag:$0x6], $0x40, s9, s17, $0xb8;
	[tilespmem:$0x18C80] =	vst v63  }
0x32: {  	_ =	swait.ge @!p1 [sflag:s6], $0x2000  }
0x33: {  	[sflag:s6] =	ssyncset.done @!p1 $0x0  }
0x34: {  	s10 =	simm.s32 $0x180;
	[sflag:s6] =	ssyncadd.s32 @!p1 $0xFFFFE000  }
0x35: {  	[tilespmem:s23], [sflag:$0x4] =	stream.indirect.gather [hbm4b:s1+s17], $0x40, s10, s17, $0xb8;
	[tilespmem:$0x18C80] =	vst v63  }
0x36: {  	_ =	swait.ge [sflag:s24], $0x2000  }
0x37: {  	p1 =	por $0x1, $0x1;
	[sflag:s24] =	ssyncset.done $0x0  }
0x38: {  	s8 =	simm.s32 $0x2880;
	s6 =	simm.s32 @!p1 $0xA;
	[sflag:s24] =	ssyncadd.s32 $0xFFFFE000  }
0x39: {  	[spmem:s3] =	stream.indirect.scatter.add.f32 [tilespmem:s19], [sflag:$0x7], $0x40, s8, s17, $0xb8;
	[tilespmem:$0x18C80] =	vst v63  }
0x3a: {  	_ =	swait.ge @!p1 [sflag:s6], $0x2000  }
0x3b: {  	[sflag:s6] =	ssyncset.done @!p1 $0x0  }
0x3c: {  	s9 =	simm.s32 $0x200;
	[sflag:s6] =	ssyncadd.s32 @!p1 $0xFFFFE000  }
0x3d: {  	[tilespmem:s25], [sflag:$0x5] =	stream.indirect.gather [hbm4b:s1+s17], $0x40, s9, s17, $0xb8;
	[tilespmem:$0x18C80] =	vst v63  }
0x3e: {  	_ =	swait.ge [sflag:s26], $0x2000  }
0x3f: {  	[sflag:s26] =	ssyncset.done $0x0  }
0x40: {  	s10 =	simm.s32 $0x2900;
	[sflag:s26] =	ssyncadd.s32 $0xFFFFE000  }
0x41: {  	[spmem:s3] =	stream.indirect.scatter.add.f32 [tilespmem:s21], [sflag:$0x8], $0x40, s10, s17, $0xb8;
	[tilespmem:$0x18C80] =	vst v63  }
0x42: {  	_ =	swait.ge [sflag:s28], $0x2000  }
0x43: {  	[sflag:s28] =	ssyncset.done $0x0  }
0x44: {  	s6 =	simm.s32 $0x280;
	[sflag:s28] =	ssyncadd.s32 $0xFFFFE000  }
0x45: {  	[tilespmem:s18], [sflag:$0x1] =	stream.indirect.gather [hbm4b:s1+s17], $0x40, s6, s17, $0xb8;
	[tilespmem:$0x18C80] =	vst v63  }
0x46: {  	_ =	swait.ge [sflag:s29], $0x2000  }
0x47: {  	[sflag:s29] =	ssyncset.done $0x0  }
0x48: {  	s8 =	simm.s32 $0x2980;
	[sflag:s29] =	ssyncadd.s32 $0xFFFFE000  }
0x49: {  	[spmem:s3] =	stream.indirect.scatter.add.f32 [tilespmem:s23], [sflag:$0x9], $0x40, s8, s17, $0xb8;
	[tilespmem:$0x18C80] =	vst v63  }
0x4a: {  	_ =	swait.ge [sflag:s30], $0x2000  }
0x4b: {  	[sflag:s30] =	ssyncset.done $0x0  }
0x4c: {  	s9 =	simm.s32 $0x300;
	[sflag:s30] =	ssyncadd.s32 $0xFFFFE000  }
0x4d: {  	[tilespmem:s19], [sflag:$0x2] =	stream.indirect.gather [hbm4b:s1+s17], $0x40, s9, s17, $0xb8;
	[tilespmem:$0x18C80] =	vst v63  }
0x4e: {  	_ =	swait.ge [sflag:s31], $0x2000  }
0x4f: {  	[sflag:s31] =	ssyncset.done $0x0  }
0x50: {  	s10 =	simm.s32 $0x2A00;
	[sflag:s31] =	ssyncadd.s32 $0xFFFFE000  }
0x51: {  	[spmem:s3] =	stream.indirect.scatter.add.f32 [tilespmem:s25], [sflag:$0xA], $0x40, s10, s17, $0xb8;
	[tilespmem:$0x18C80] =	vst v63  }
0x52: {  	s5 =	simm.s32 $0xFFFFFFFE;
	_ =	swait.ge [sflag:s0], $0x2000  }
0x53: {  	s6 =	simm.s32 $0xA00;
	s8 =	simm.s32 $0x380;
	[sflag:s0] =	ssyncset.done $0x0  }
.LBB2_2:
0x54: {  	[sflag:s0] =	ssyncadd.s32 $0xFFFFE000  }
0x55: {  	s5 =	sadd.s32 $0x5, s5;
	s9 =	smov.u32 s6;
	s6 =	sadd.s32 $0xA00, s6  }
0x56: {  	[tilespmem:s21], [sflag:$0x3] =	stream.indirect.gather [hbm4b:s1+s17], $0x40, s8, s17, $0xb8;
	[tilespmem:$0x18C80] =	vst v63  }
0x57: {  	s8 =	sshra.s32 s9, $0x2;
	p1 =	sne.s32 s6, $0x9600;
	_ =	swait.ge [sflag:s22], $0x2000  }
0x58: {  	p2 =	sgt.u32 s5, $0x4A;
	s9 =	sadd.s32 $0x2800, s8;
	[sflag:s22] =	ssyncset.done $0x0  }
0x59: {  	s10 =	simm.s32 @!p2 $0x9;
	[sflag:s22] =	ssyncadd.s32 $0xFFFFE000  }
0x5a: {  	[spmem:s3] =	stream.indirect.scatter.add.f32 [tilespmem:s18], [sflag:$0x6], $0x40, s9, s17, $0xb8;
	[tilespmem:$0x18C80] =	vst v63  }
0x5b: {  	_ =	swait.ge @!p2 [sflag:s10], $0x2000  }
0x5c: {  	s9 =	sadd.s32 $0x180, s8;
	[sflag:s10] =	ssyncset.done @!p2 $0x0  }
0x5d: {  	[sflag:s10] =	ssyncadd.s32 @!p2 $0xFFFFE000  }
0x5e: {  	[tilespmem:s23], [sflag:$0x4] =	stream.indirect.gather [hbm4b:s1+s17], $0x40, s9, s17, $0xb8;
	[tilespmem:$0x18C80] =	vst v63  }
0x5f: {  	s9 =	sadd.s32 $0x1, s5;
	_ =	swait.ge [sflag:s24], $0x2000  }
0x60: {  	s10 =	sadd.s32 $0x2880, s8;
	p2 =	sgt.u32 s9, $0x4A;
	[sflag:s24] =	ssyncset.done $0x0  }
0x61: {  	s9 =	simm.s32 @!p2 $0xA;
	[sflag:s24] =	ssyncadd.s32 $0xFFFFE000  }
0x62: {  	[spmem:s3] =	stream.indirect.scatter.add.f32 [tilespmem:s19], [sflag:$0x7], $0x40, s10, s17, $0xb8;
	[tilespmem:$0x18C80] =	vst v63  }
0x63: {  	_ =	swait.ge @!p2 [sflag:s9], $0x2000  }
0x64: {  	s10 =	sadd.s32 $0x200, s8;
	[sflag:s9] =	ssyncset.done @!p2 $0x0  }
0x65: {  	[sflag:s9] =	ssyncadd.s32 @!p2 $0xFFFFE000  }
0x66: {  	[tilespmem:s25], [sflag:$0x5] =	stream.indirect.gather [hbm4b:s1+s17], $0x40, s10, s17, $0xb8;
	[tilespmem:$0x18C80] =	vst v63  }
0x67: {  	_ =	swait.ge [sflag:s26], $0x2000  }
0x68: {  	s9 =	sadd.s32 $0x2900, s8;
	[sflag:s26] =	ssyncset.done $0x0  }
0x69: {  	[sflag:s26] =	ssyncadd.s32 $0xFFFFE000  }
0x6a: {  	[spmem:s3] =	stream.indirect.scatter.add.f32 [tilespmem:s21], [sflag:$0x8], $0x40, s9, s17, $0xb8;
	[tilespmem:$0x18C80] =	vst v63  }
0x6b: {  	_ =	swait.ge [sflag:s28], $0x2000  }
0x6c: {  	s9 =	sadd.s32 $0x280, s8;
	[sflag:s28] =	ssyncset.done $0x0  }
0x6d: {  	[sflag:s28] =	ssyncadd.s32 $0xFFFFE000  }
0x6e: {  	[tilespmem:s18], [sflag:$0x1] =	stream.indirect.gather [hbm4b:s1+s17], $0x40, s9, s17, $0xb8;
	[tilespmem:$0x18C80] =	vst v63  }
0x6f: {  	_ =	swait.ge [sflag:s29], $0x2000  }
0x70: {  	s9 =	sadd.s32 $0x2980, s8;
	[sflag:s29] =	ssyncset.done $0x0  }
0x71: {  	[sflag:s29] =	ssyncadd.s32 $0xFFFFE000  }
0x72: {  	[spmem:s3] =	stream.indirect.scatter.add.f32 [tilespmem:s23], [sflag:$0x9], $0x40, s9, s17, $0xb8;
	[tilespmem:$0x18C80] =	vst v63  }
0x73: {  	_ =	swait.ge [sflag:s30], $0x2000  }
0x74: {  	s9 =	sadd.s32 $0x300, s8;
	[sflag:s30] =	ssyncset.done $0x0  }
0x75: {  	[sflag:s30] =	ssyncadd.s32 $0xFFFFE000  }
0x76: {  	[tilespmem:s19], [sflag:$0x2] =	stream.indirect.gather [hbm4b:s1+s17], $0x40, s9, s17, $0xb8;
	[tilespmem:$0x18C80] =	vst v63  }
0x77: {  	_ =	swait.ge [sflag:s31], $0x2000  }
.Ltmp0:
0x78: {  	s9 =	sadd.s32 $0x2A00, s8;
	[sflag:s31] =	ssyncset.done $0x0;
	(pc) =	sbr.rel @p1 .LBB2_2-.Ltmp0, $4  }
0x79: {  	[sflag:s31] =	ssyncadd.s32 $0xFFFFE000  }
0x7a: {  	[spmem:s3] =	stream.indirect.scatter.add.f32 [tilespmem:s25], [sflag:$0xA], $0x40, s9, s17, $0xb8;
	[tilespmem:$0x18C80] =	vst v63  }
0x7b: {  	_ =	swait.ge [sflag:s0], $0x2000  }
0x7c: {  	s8 =	sadd.s32 $0x380, s8;
	[sflag:s0] =	ssyncset.done $0x0  }
0x7d: {  	[sflag:s0] =	ssyncadd.s32 $0xFFFFE000  }
0x7e: {  	[tilespmem:s21], [sflag:$0x3] =	stream.indirect.gather [hbm4b:s1+s17], $0x40, s8, s17, $0xb8;
	[tilespmem:$0x18C80] =	vst v63  }
0x7f: {  	_ =	swait.ge [sflag:s22], $0x2000  }
0x80: {  	[sflag:s22] =	ssyncset.done $0x0  }
0x81: {  	s5 =	simm.s32 $0x4D80;
	[sflag:s22] =	ssyncadd.s32 $0xFFFFE000  }
0x82: {  	[spmem:s3] =	stream.indirect.scatter.add.f32 [tilespmem:s18], [sflag:$0x6], $0x40, s5, s17, $0xb8;
	[tilespmem:$0x18C80] =	vst v63  }
0x83: {  	_ =	swait.ge [sflag:s16], $0x2000  }
0x84: {  	[sflag:s16] =	ssyncset.done $0x0  }
0x85: {  	s8 =	simm.s32 $0x2700;
	[sflag:s16] =	ssyncadd.s32 $0xFFFFE000  }
0x86: {  	[tilespmem:s23], [sflag:$0x4] =	stream.indirect.gather [hbm4b:s1+s17], $0x40, s8, s17, $0xb8;
	[tilespmem:$0x18C80] =	vst v63  }
0x87: {  	_ =	swait.ge [sflag:s24], $0x2000  }
0x88: {  	[sflag:s24] =	ssyncset.done $0x0  }
0x89: {  	s9 =	simm.s32 $0x4E00;
	[sflag:s24] =	ssyncadd.s32 $0xFFFFE000  }
0x8a: {  	[spmem:s3] =	stream.indirect.scatter.add.f32 [tilespmem:s19], [sflag:$0x7], $0x40, s9, s17, $0xb8;
	[tilespmem:$0x18C80] =	vst v63  }
0x8b: {  	_ =	swait.ge [sflag:s20], $0x2000  }
0x8c: {  	[sflag:s20] =	ssyncset.done $0x0  }
0x8d: {  	s10 =	simm.s32 $0x2780;
	[sflag:s20] =	ssyncadd.s32 $0xFFFFE000  }
0x8e: {  	[tilespmem:s25], [sflag:$0x5] =	stream.indirect.gather [hbm4b:s1+s17], $0x40, s10, s17, $0xb8;
	[tilespmem:$0x18C80] =	vst v63  }
0x8f: {  	_ =	swait.ge [sflag:s26], $0x2000  }
0x90: {  	[sflag:s26] =	ssyncset.done $0x0  }
0x91: {  	s6 =	simm.s32 $0x4E80;
	[sflag:s26] =	ssyncadd.s32 $0xFFFFE000  }
0x92: {  	[spmem:s3] =	stream.indirect.scatter.add.f32 [tilespmem:s21], [sflag:$0x8], $0x40, s6, s17, $0xb8;
	[tilespmem:$0x18C80] =	vst v63  }
0x93: {  	_ =	swait.ge [sflag:s29], $0x2000  }
0x94: {  	[sflag:s29] =	ssyncset.done $0x0  }
0x95: {  	s8 =	simm.s32 $0x4F00;
	[sflag:s29] =	ssyncadd.s32 $0xFFFFE000  }
0x96: {  	[spmem:s3] =	stream.indirect.scatter.add.f32 [tilespmem:s23], [sflag:$0x9], $0x40, s8, s17, $0xb8;
	[tilespmem:$0x18C80] =	vst v63  }
0x97: {  	_ =	swait.ge [sflag:s31], $0x2000  }
0x98: {  	[sflag:s31] =	ssyncset.done $0x0  }
0x99: {  	s9 =	simm.s32 $0x4F80;
	[sflag:s31] =	ssyncadd.s32 $0xFFFFE000  }
0x9a: {  	[spmem:s3] =	stream.indirect.scatter.add.f32 [tilespmem:s25], [sflag:$0xA], $0x40, s9, s17, $0xb8;
	[tilespmem:$0x18C80] =	vst v63  }
0x9b: {  	_ =	swait.ge [sflag:s28], $0x2000  }
0x9c: {  	[sflag:s28] =	ssyncset.done $0x0  }
0x9d: {  	[sflag:s28] =	ssyncadd.s32 $0xFFFFE000  }
0x9e: {  	_ =	swait.ge [sflag:s30], $0x2000  }
0x9f: {  	[sflag:s30] =	ssyncset.done $0x0  }
0xa0: {  	[sflag:s30] =	ssyncadd.s32 $0xFFFFE000  }
0xa1: {  	_ =	swait.ge [sflag:s0], $0x2000  }
0xa2: {  	[sflag:s0] =	ssyncset.done $0x0  }
0xa3: {  	[sflag:s0] =	ssyncadd.s32 $0xFFFFE000  }
0xa4: {  	_ =	swait.ge [sflag:s16], $0x2000  }
0xa5: {  	[sflag:s16] =	ssyncset.done $0x0  }
0xa6: {  	[sflag:s16] =	ssyncadd.s32 $0xFFFFE000  }
0xa7: {  	_ =	swait.ge [sflag:s20], $0x2000  }
0xa8: {  	[sflag:s20] =	ssyncset.done $0x0  }
0xa9: {  	[sflag:s20] =	ssyncadd.s32 $0xFFFFE000  }
0xaa: {  	[bflag:$0x0] =	sbarrier.arrive $0xFFFF  }
0xab: {  	s10 =	rddreg [dreg:$0x4]  }
0xac: {  	s5 =	sadd.s32 s10, s11  }
0xad: {  	[hbm:s5], [sflag:s7] =	dma.local [spmem:s13], $0x1380  }
0xae: {  	_ =	swait.ge [sflag:s14], $0x1380  }
0xaf: {  	s2 =	sadd.s32 $0x1, s2;
	[sflag:s14] =	ssyncset.done $0x0  }
0xb0: {  	p1 =	sne.s32 s2, s12;
	s5 =	sadd.s32 @!p0 $0x13800, s11;
	[sflag:s14] =	ssyncadd.s32 $0xFFFFEC80  }
0xb1: {  	[hbm:s5], [sflag:s7] =	dma.local @!p0 [spmem:s15], $0x80  }
.Ltmp1:
0xb2: {  	_ = 	snop;
	(pc) =	sbr.rel @p1 .LBB2_1-.Ltmp1, $4  }
0xb3: {  	s5 =	simm.s32 @!p0 $0xB  }
0xb4: {  	_ =	swait.ge @!p0 [sflag:s5], $0x80  }
0xb5: {  	[sflag:s5] =	ssyncset.done @!p0 $0x0  }
0xb6: {  	[sflag:s5] =	ssyncadd.s32 @!p0 $0xFFFFFF80  }
0xb7: {  	_ =	sfence.sel $0x180000  }
0xb8: {  	[bflag:$0x0] =	sbarrier.arrive $0xFFFF  }
0xb9: {  	_ =	strace $0x9000004A  }
0xba: {  	s0 =	stileid.u32;
	[bflag:$0x2] =	sbarrier.arrive $0xFFFF  }
0xbb: {  	p0 =	sne.s32 s0, $0x0;
	s0 =	rddreg [dreg:$0x3]  }
0xbc: {  	s0 =	sadd.s32 @!p0 $0x100000, s0  }
0xbd: {  	[sflag:s0] =	ssyncadd.tile.s32 @!p0 $0x1;
	_ =	shalt  }
.Lfunc_end2:
_tile_overlayer_lowered:
.L_overlay_start_2:
0xbe: {  	(tag) =	ssettag $0x2  }
0xbf: {  	s0 =	rddreg [dreg:$0x0];
	s2 =	stileid.u32  }
0xc0: {  	s1 =	rddreg [dreg:$0x1];
	p0 =	sne.s32 s2, $0x0  }
0xc1: {  	s3 =	rddreg [dreg:$0x2];
	[bflag:$0x3] =	sbarrier.arrive $0xFFFF;
	s2 =	simm.s32 @!p0 $0x1C0B  }
0xc2: {  	[timem:s3], [sflag:s2] =	dma.local @!p0 [hbm:s0], s1  }
0xc3: {  	s0 =	simm.s32 @!p0 $0xB  }
0xc4: {  	_ =	swait.ge @!p0 [sflag:s0], s1  }
0xc5: {  	s1 =	ssub.s32 @!p0 $0x0, s1;
	[sflag:s0] =	ssyncset.done @!p0 $0x0  }
0xc6: {  	[sflag:s0] =	ssyncadd.s32 @!p0 s1  }
0xc7: {  	[bflag:$0x3] =	sbarrier.arrive $0xFFFF  }
0xc8: {  	_ =	shalt  }

</sc_bundles>
